<compile_context>
chip_gen: v7x
topology: tpu7x:2x2x1
jax: 0.10.2.dev20260603
libtpu: 0.0.44.dev20260713+nightly
codegen_flags: <defaults>
</compile_context>

<pallas_src>
import jax
import jax.numpy as jnp
from jax import lax
from jax.experimental import pallas as pl
from jax.experimental.pallas import tpu as pltpu
from jax.experimental.pallas import tpu_sc as plsc

B, L, D = 4096, 50, 128
N = B * L
NF = 5
NSF = 4
OD = NF * D
ODP = OD + 1
NC, NS = 2, 16
NW = NC * NS
TPW = N // NW
C = 32
G = C // 16
NCHUNK = TPW // C
NB = 4
LROWS = 26


def _sc_body(*refs):
  (l_h, x_h, y_h, w_h, h_h,
   lt_h, xt_h, yt_h, wt_h, ht_h,
   out_h, ltab_v) = refs[:12]
  idxbuf = tuple(refs[12 + 5 * b:12 + 5 * (b + 1)] for b in range(NB))
  rows = refs[32:36]
  isem = refs[36:40]
  gsem = refs[40:44]
  ssem = refs[44:48]

  idx_hbms = (l_h, x_h, y_h, w_h, h_h)
  geo_hbms = (xt_h, yt_h, wt_h, ht_h)

  wid = lax.axis_index("s") * NC + lax.axis_index("c")
  base = wid * TPW

  pltpu.sync_copy(lt_h, ltab_v)

  def fire_idx(ci, b):
    for f in range(NF):
      pltpu.async_copy(idx_hbms[f].at[pl.ds(base + ci * C, C)],
                       idxbuf[b][f], isem[b])

  def wait_idx(ci, b):
    for f in range(NF):
      pltpu.make_async_copy(idx_hbms[f].at[pl.ds(base + ci * C, C)],
                            idxbuf[b][f], isem[b]).wait()

  def fire_gathers(ci, b):
    for f in range(NSF):
      pltpu.async_copy(geo_hbms[f].at[idxbuf[b][f + 1]],
                       rows[b].at[:, pl.ds((f + 1) * D, D)], gsem[b])

  def wait_gathers(ci, b):
    for f in range(NSF):
      pltpu.make_async_copy(geo_hbms[f].at[idxbuf[b][f + 1]],
                            rows[b].at[:, pl.ds((f + 1) * D, D)],
                            gsem[b]).wait()

  def fire_store(ci, b):
    pltpu.async_copy(rows[b].at[:, pl.ds(0, OD)],
                     out_h.at[pl.ds(base + ci * C, C)], ssem[b])

  def wait_store(ci, b):
    pltpu.make_async_copy(rows[b].at[:, pl.ds(0, OD)],
                          out_h.at[pl.ds(base + ci * C, C)], ssem[b]).wait()

  def label_gather(b):
    groups = []
    for g in range(G):
      tokv = lax.broadcasted_iota(jnp.int32, (16,), 0) + (g * 16)
      idxv = idxbuf[b][0][pl.ds(g * 16, 16)]
      groups.append((idxv, tokv, jnp.zeros((16,), jnp.int32)))

    def step(j):
      for idxv, tokv, zero in groups:
        vals = plsc.load_gather(ltab_v, [idxv + j * LROWS])
        plsc.store_scatter(rows[b], [tokv, zero + j], vals)

    pl.loop(0, D)(step)

  for ci in range(NB):
    fire_idx(ci, ci)
  wait_idx(0, 0)
  fire_gathers(0, 0)
  label_gather(0)
  wait_idx(1, 1)
  fire_gathers(1, 1)
  label_gather(1)
  wait_idx(2, 2)
  fire_gathers(2, 2)
  label_gather(2)
  wait_gathers(0, 0)
  fire_idx(NB, 0)
  fire_store(0, 0)
  wait_idx(3, 3)
  fire_gathers(3, 3)
  label_gather(3)
  wait_gathers(1, 1)
  fire_idx(NB + 1, 1)
  fire_store(1, 1)

  def gstep(gi):
    g4 = gi * NB
    for b in range(NB):
      ci = g4 + b
      wait_idx(ci, b)
      wait_store(ci - NB, b)
      fire_gathers(ci, b)
      label_gather(b)
      b2 = (b - 2) % NB
      wait_gathers(ci - 2, b2)

      @pl.when(ci + 2 < NCHUNK)
      def _():
        fire_idx(ci + 2, b2)

      fire_store(ci - 2, b2)

  pl.loop(1, NCHUNK // NB)(gstep)

  wait_gathers(NCHUNK - 2, (NCHUNK - 2) % NB)
  fire_store(NCHUNK - 2, (NCHUNK - 2) % NB)
  wait_gathers(NCHUNK - 1, (NCHUNK - 1) % NB)
  fire_store(NCHUNK - 1, (NCHUNK - 1) % NB)
  for k in range(NB):
    wait_store(NCHUNK - NB + k, (NCHUNK - NB + k) % NB)


@jax.jit
def kernel(label, x, y, w, h, label_table, x_table, y_table, w_table, h_table):
  idx = [jnp.swapaxes(a, 0, 1).reshape(N).astype(jnp.int32)
         for a in (label, x, y, w, h)]
  lt_t = label_table.T.reshape(-1)
  mesh = plsc.VectorSubcoreMesh(core_axis_name="c", subcore_axis_name="s",
                                num_cores=NC, num_subcores=NS)
  run = pl.kernel(
      _sc_body,
      out_type=jax.ShapeDtypeStruct((N, OD), jnp.float32),
      mesh=mesh,
      compiler_params=pltpu.CompilerParams(needs_layout_passes=False),
      scratch_types=(
          [pltpu.VMEM((LROWS * D,), jnp.float32)]
          + [pltpu.VMEM((C,), jnp.int32) for _ in range(NB * NF)]
          + [pltpu.VMEM((C, ODP), jnp.float32) for _ in range(NB)]
          + [pltpu.SemaphoreType.DMA for _ in range(3 * NB)]
      ),
  )
  out = run(*idx, lt_t, x_table, y_table, w_table, h_table)
  return jnp.swapaxes(out.reshape(L, B, OD), 0, 1)

# --- scband reference (transcript-rebuilt; emitter-appended) ---
"""Pipeline reference for scband-layout-dict-encoder-48868137894098 (READ-ONLY COPY).

The authoritative reference and input builder live on the scoring server;
editing this copy changes nothing except your own understanding.
"""

import jax, jax.numpy as jnp
import numpy as np

GEO_KEYS = ("x", "y", "w", "h")
B, L, D = 4096, 50, 128
NUM_CLASSES_W_BG = 26
N_BOUNDARIES = 128


def setup_inputs(seed: int = 0) -> dict:
    key = jax.random.key(seed)
    ks = jax.random.split(key, 10)
    inp = {}
    inp["label"] = jax.random.randint(ks[0], (B, L), 0, NUM_CLASSES_W_BG, dtype=jnp.int64 if jax.config.jax_enable_x64 else jnp.int32)
    for i, gk in enumerate(GEO_KEYS):
        inp[gk] = jax.random.randint(ks[1 + i], (B, L), 0, N_BOUNDARIES, dtype=jnp.int64 if jax.config.jax_enable_x64 else jnp.int32)
    inp["label_table"] = jax.random.normal(ks[5], (NUM_CLASSES_W_BG, D), dtype=jnp.float32) * 0.02
    for i, gk in enumerate(GEO_KEYS):
        inp[f"{gk}_table"] = jax.random.normal(ks[6 + i], (N_BOUNDARIES, D), dtype=jnp.float32) * 0.02
    return inp


def reference(label, x, y, w, h, label_table, x_table, y_table, w_table, h_table):
    # Faithful translation of LayoutDictEncoder.__call__:
    # h = [embed_label(label)] + [embed_key(inputs[key]) for key in GEO_KEYS]; cat(dim=-1)
    hs = []
    hs.append(jnp.take(label_table, label, axis=0))
    hs.append(jnp.take(x_table, x, axis=0))
    hs.append(jnp.take(y_table, y, axis=0))
    hs.append(jnp.take(w_table, w, axis=0))
    hs.append(jnp.take(h_table, h, axis=0))
    return jnp.concatenate(hs, axis=-1)

if __name__ == "__main__":
    import jax
    _d = setup_inputs()
    print(jax.jit(kernel)(*tuple(_d.values())))

</pallas_src>

<mosaic_0001>
#map = affine_map<(d0, d1) -> (0)>
#map1 = affine_map<(d0, d1) -> (0, 0)>
module attributes {stable_mosaic.version = 14 : i64} {
  func.func @_sc_body(%arg0: i32, %arg1: i32, %arg2: memref<204800xi32, #tpu.memory_space<hbm>>, %arg3: memref<204800xi32, #tpu.memory_space<hbm>>, %arg4: memref<204800xi32, #tpu.memory_space<hbm>>, %arg5: memref<204800xi32, #tpu.memory_space<hbm>>, %arg6: memref<204800xi32, #tpu.memory_space<hbm>>, %arg7: memref<3328xf32, #tpu.memory_space<hbm>>, %arg8: memref<128x128xf32, #tpu.memory_space<hbm>>, %arg9: memref<128x128xf32, #tpu.memory_space<hbm>>, %arg10: memref<128x128xf32, #tpu.memory_space<hbm>>, %arg11: memref<128x128xf32, #tpu.memory_space<hbm>>, %arg12: memref<204800x640xf32, #tpu.memory_space<hbm>>, %arg13: memref<3328xf32, #tpu.memory_space<vmem>>, %arg14: memref<32xi32, #tpu.memory_space<vmem>>, %arg15: memref<32xi32, #tpu.memory_space<vmem>>, %arg16: memref<32xi32, #tpu.memory_space<vmem>>, %arg17: memref<32xi32, #tpu.memory_space<vmem>>, %arg18: memref<32xi32, #tpu.memory_space<vmem>>, %arg19: memref<32xi32, #tpu.memory_space<vmem>>, %arg20: memref<32xi32, #tpu.memory_space<vmem>>, %arg21: memref<32xi32, #tpu.memory_space<vmem>>, %arg22: memref<32xi32, #tpu.memory_space<vmem>>, %arg23: memref<32xi32, #tpu.memory_space<vmem>>, %arg24: memref<32xi32, #tpu.memory_space<vmem>>, %arg25: memref<32xi32, #tpu.memory_space<vmem>>, %arg26: memref<32xi32, #tpu.memory_space<vmem>>, %arg27: memref<32xi32, #tpu.memory_space<vmem>>, %arg28: memref<32xi32, #tpu.memory_space<vmem>>, %arg29: memref<32xi32, #tpu.memory_space<vmem>>, %arg30: memref<32xi32, #tpu.memory_space<vmem>>, %arg31: memref<32xi32, #tpu.memory_space<vmem>>, %arg32: memref<32xi32, #tpu.memory_space<vmem>>, %arg33: memref<32xi32, #tpu.memory_space<vmem>>, %arg34: memref<32x641xf32, #tpu.memory_space<vmem>>, %arg35: memref<32x641xf32, #tpu.memory_space<vmem>>, %arg36: memref<32x641xf32, #tpu.memory_space<vmem>>, %arg37: memref<32x641xf32, #tpu.memory_space<vmem>>, %arg38: memref<!tpu.dma_semaphore, #tpu.memory_space<semaphore_mem>>, %arg39: memref<!tpu.dma_semaphore, #tpu.memory_space<semaphore_mem>>, %arg40: memref<!tpu.dma_semaphore, #tpu.memory_space<semaphore_mem>>, %arg41: memref<!tpu.dma_semaphore, #tpu.memory_space<semaphore_mem>>, %arg42: memref<!tpu.dma_semaphore, #tpu.memory_space<semaphore_mem>>, %arg43: memref<!tpu.dma_semaphore, #tpu.memory_space<semaphore_mem>>, %arg44: memref<!tpu.dma_semaphore, #tpu.memory_space<semaphore_mem>>, %arg45: memref<!tpu.dma_semaphore, #tpu.memory_space<semaphore_mem>>, %arg46: memref<!tpu.dma_semaphore, #tpu.memory_space<semaphore_mem>>, %arg47: memref<!tpu.dma_semaphore, #tpu.memory_space<semaphore_mem>>, %arg48: memref<!tpu.dma_semaphore, #tpu.memory_space<semaphore_mem>>, %arg49: memref<!tpu.dma_semaphore, #tpu.memory_space<semaphore_mem>>) attributes {dimension_semantics = [#tpu.dimension_semantics<core_parallel>, #tpu.dimension_semantics<subcore_parallel>], iteration_bounds = array<i64: 2, 16>, scalar_prefetch = 0 : i64, scratch_operands = 37 : i64, tpu.core_type = #tpu.core_type<sc_vector_subcore>, window_params = [{transform_indices = #map}, {transform_indices = #map}, {transform_indices = #map}, {transform_indices = #map}, {transform_indices = #map}, {transform_indices = #map}, {transform_indices = #map1}, {transform_indices = #map1}, {transform_indices = #map1}, {transform_indices = #map1}, {transform_indices = #map1}]} {
    %mul3A = arith.constant 2 : i32
    %mul3A_0 = arith.muli %arg1, %mul3A : i32
    %add3A = arith.addi %mul3A_0, %arg0 : i32
    %mul3A_1 = arith.constant 6400 : i32
    %mul3A_2 = arith.muli %add3A, %mul3A_1 : i32
    "tpu.region"() ({
      %run_scoped3A = tpu.sem_alloc : memref<!tpu.dma_semaphore, #tpu.memory_space<semaphore_mem>>
      tpu.enqueue_dma source(%arg7 : memref<3328xf32, #tpu.memory_space<hbm>>) target(%arg13 : memref<3328xf32, #tpu.memory_space<vmem>>) target_semaphore(%run_scoped3A : memref<!tpu.dma_semaphore, #tpu.memory_space<semaphore_mem>>)
      tpu.wait_dma2 semaphore(%run_scoped3A : memref<!tpu.dma_semaphore, #tpu.memory_space<semaphore_mem>>) src(%arg7 : memref<3328xf32, #tpu.memory_space<hbm>>) dst(%arg13 : memref<3328xf32, #tpu.memory_space<vmem>>)
      tpu.yield
    }) : () -> ()
    %add3A_3 = arith.constant 0 : i32
    %add3A_4 = arith.addi %mul3A_2, %add3A_3 : i32
    %dma_start3A = tpu.memref_slice %arg2[%add3A_4] : memref<204800xi32, #tpu.memory_space<hbm>> -> memref<32xi32, #tpu.memory_space<hbm>>
    %dma_start3A_5 = tpu.memref_slice %arg2[%add3A_4] : memref<204800xi32, #tpu.memory_space<hbm>> -> memref<32xi32, #tpu.memory_space<hbm>>
    tpu.enqueue_dma source(%dma_start3A_5 : memref<32xi32, #tpu.memory_space<hbm>>) target(%arg14 : memref<32xi32, #tpu.memory_space<vmem>>) target_semaphore(%arg38 : memref<!tpu.dma_semaphore, #tpu.memory_space<semaphore_mem>>)
    %add3A_6 = arith.constant 0 : i32
    %add3A_7 = arith.addi %mul3A_2, %add3A_6 : i32
    %dma_start3A_8 = tpu.memref_slice %arg3[%add3A_7] : memref<204800xi32, #tpu.memory_space<hbm>> -> memref<32xi32, #tpu.memory_space<hbm>>
    %dma_start3A_9 = tpu.memref_slice %arg3[%add3A_7] : memref<204800xi32, #tpu.memory_space<hbm>> -> memref<32xi32, #tpu.memory_space<hbm>>
    tpu.enqueue_dma source(%dma_start3A_9 : memref<32xi32, #tpu.memory_space<hbm>>) target(%arg15 : memref<32xi32, #tpu.memory_space<vmem>>) target_semaphore(%arg38 : memref<!tpu.dma_semaphore, #tpu.memory_space<semaphore_mem>>)
    %add3A_10 = arith.constant 0 : i32
    %add3A_11 = arith.addi %mul3A_2, %add3A_10 : i32
    %dma_start3A_12 = tpu.memref_slice %arg4[%add3A_11] : memref<204800xi32, #tpu.memory_space<hbm>> -> memref<32xi32, #tpu.memory_space<hbm>>
    %dma_start3A_13 = tpu.memref_slice %arg4[%add3A_11] : memref<204800xi32, #tpu.memory_space<hbm>> -> memref<32xi32, #tpu.memory_space<hbm>>
    tpu.enqueue_dma source(%dma_start3A_13 : memref<32xi32, #tpu.memory_space<hbm>>) target(%arg16 : memref<32xi32, #tpu.memory_space<vmem>>) target_semaphore(%arg38 : memref<!tpu.dma_semaphore, #tpu.memory_space<semaphore_mem>>)
    %add3A_14 = arith.constant 0 : i32
    %add3A_15 = arith.addi %mul3A_2, %add3A_14 : i32
    %dma_start3A_16 = tpu.memref_slice %arg5[%add3A_15] : memref<204800xi32, #tpu.memory_space<hbm>> -> memref<32xi32, #tpu.memory_space<hbm>>
    %dma_start3A_17 = tpu.memref_slice %arg5[%add3A_15] : memref<204800xi32, #tpu.memory_space<hbm>> -> memref<32xi32, #tpu.memory_space<hbm>>
    tpu.enqueue_dma source(%dma_start3A_17 : memref<32xi32, #tpu.memory_space<hbm>>) target(%arg17 : memref<32xi32, #tpu.memory_space<vmem>>) target_semaphore(%arg38 : memref<!tpu.dma_semaphore, #tpu.memory_space<semaphore_mem>>)
    %add3A_18 = arith.constant 0 : i32
    %add3A_19 = arith.addi %mul3A_2, %add3A_18 : i32
    %dma_start3A_20 = tpu.memref_slice %arg6[%add3A_19] : memref<204800xi32, #tpu.memory_space<hbm>> -> memref<32xi32, #tpu.memory_space<hbm>>
    %dma_start3A_21 = tpu.memref_slice %arg6[%add3A_19] : memref<204800xi32, #tpu.memory_space<hbm>> -> memref<32xi32, #tpu.memory_space<hbm>>
    tpu.enqueue_dma source(%dma_start3A_21 : memref<32xi32, #tpu.memory_space<hbm>>) target(%arg18 : memref<32xi32, #tpu.memory_space<vmem>>) target_semaphore(%arg38 : memref<!tpu.dma_semaphore, #tpu.memory_space<semaphore_mem>>)
    %add3A_22 = arith.constant 32 : i32
    %add3A_23 = arith.addi %mul3A_2, %add3A_22 : i32
    %dma_start3A_24 = tpu.memref_slice %arg2[%add3A_23] : memref<204800xi32, #tpu.memory_space<hbm>> -> memref<32xi32, #tpu.memory_space<hbm>>
    %dma_start3A_25 = tpu.memref_slice %arg2[%add3A_23] : memref<204800xi32, #tpu.memory_space<hbm>> -> memref<32xi32, #tpu.memory_space<hbm>>
    tpu.enqueue_dma source(%dma_start3A_25 : memref<32xi32, #tpu.memory_space<hbm>>) target(%arg19 : memref<32xi32, #tpu.memory_space<vmem>>) target_semaphore(%arg39 : memref<!tpu.dma_semaphore, #tpu.memory_space<semaphore_mem>>)
    %add3A_26 = arith.constant 32 : i32
    %add3A_27 = arith.addi %mul3A_2, %add3A_26 : i32
    %dma_start3A_28 = tpu.memref_slice %arg3[%add3A_27] : memref<204800xi32, #tpu.memory_space<hbm>> -> memref<32xi32, #tpu.memory_space<hbm>>
    %dma_start3A_29 = tpu.memref_slice %arg3[%add3A_27] : memref<204800xi32, #tpu.memory_space<hbm>> -> memref<32xi32, #tpu.memory_space<hbm>>
    tpu.enqueue_dma source(%dma_start3A_29 : memref<32xi32, #tpu.memory_space<hbm>>) target(%arg20 : memref<32xi32, #tpu.memory_space<vmem>>) target_semaphore(%arg39 : memref<!tpu.dma_semaphore, #tpu.memory_space<semaphore_mem>>)
    %add3A_30 = arith.constant 32 : i32
    %add3A_31 = arith.addi %mul3A_2, %add3A_30 : i32
    %dma_start3A_32 = tpu.memref_slice %arg4[%add3A_31] : memref<204800xi32, #tpu.memory_space<hbm>> -> memref<32xi32, #tpu.memory_space<hbm>>
    %dma_start3A_33 = tpu.memref_slice %arg4[%add3A_31] : memref<204800xi32, #tpu.memory_space<hbm>> -> memref<32xi32, #tpu.memory_space<hbm>>
    tpu.enqueue_dma source(%dma_start3A_33 : memref<32xi32, #tpu.memory_space<hbm>>) target(%arg21 : memref<32xi32, #tpu.memory_space<vmem>>) target_semaphore(%arg39 : memref<!tpu.dma_semaphore, #tpu.memory_space<semaphore_mem>>)
    %add3A_34 = arith.constant 32 : i32
    %add3A_35 = arith.addi %mul3A_2, %add3A_34 : i32
    %dma_start3A_36 = tpu.memref_slice %arg5[%add3A_35] : memref<204800xi32, #tpu.memory_space<hbm>> -> memref<32xi32, #tpu.memory_space<hbm>>
    %dma_start3A_37 = tpu.memref_slice %arg5[%add3A_35] : memref<204800xi32, #tpu.memory_space<hbm>> -> memref<32xi32, #tpu.memory_space<hbm>>
    tpu.enqueue_dma source(%dma_start3A_37 : memref<32xi32, #tpu.memory_space<hbm>>) target(%arg22 : memref<32xi32, #tpu.memory_space<vmem>>) target_semaphore(%arg39 : memref<!tpu.dma_semaphore, #tpu.memory_space<semaphore_mem>>)
    %add3A_38 = arith.constant 32 : i32
    %add3A_39 = arith.addi %mul3A_2, %add3A_38 : i32
    %dma_start3A_40 = tpu.memref_slice %arg6[%add3A_39] : memref<204800xi32, #tpu.memory_space<hbm>> -> memref<32xi32, #tpu.memory_space<hbm>>
    %dma_start3A_41 = tpu.memref_slice %arg6[%add3A_39] : memref<204800xi32, #tpu.memory_space<hbm>> -> memref<32xi32, #tpu.memory_space<hbm>>
    tpu.enqueue_dma source(%dma_start3A_41 : memref<32xi32, #tpu.memory_space<hbm>>) target(%arg23 : memref<32xi32, #tpu.memory_space<vmem>>) target_semaphore(%arg39 : memref<!tpu.dma_semaphore, #tpu.memory_space<semaphore_mem>>)
    %add3A_42 = arith.constant 64 : i32
    %add3A_43 = arith.addi %mul3A_2, %add3A_42 : i32
    %dma_start3A_44 = tpu.memref_slice %arg2[%add3A_43] : memref<204800xi32, #tpu.memory_space<hbm>> -> memref<32xi32, #tpu.memory_space<hbm>>
    %dma_start3A_45 = tpu.memref_slice %arg2[%add3A_43] : memref<204800xi32, #tpu.memory_space<hbm>> -> memref<32xi32, #tpu.memory_space<hbm>>
    tpu.enqueue_dma source(%dma_start3A_45 : memref<32xi32, #tpu.memory_space<hbm>>) target(%arg24 : memref<32xi32, #tpu.memory_space<vmem>>) target_semaphore(%arg40 : memref<!tpu.dma_semaphore, #tpu.memory_space<semaphore_mem>>)
    %add3A_46 = arith.constant 64 : i32
    %add3A_47 = arith.addi %mul3A_2, %add3A_46 : i32
    %dma_start3A_48 = tpu.memref_slice %arg3[%add3A_47] : memref<204800xi32, #tpu.memory_space<hbm>> -> memref<32xi32, #tpu.memory_space<hbm>>
    %dma_start3A_49 = tpu.memref_slice %arg3[%add3A_47] : memref<204800xi32, #tpu.memory_space<hbm>> -> memref<32xi32, #tpu.memory_space<hbm>>
    tpu.enqueue_dma source(%dma_start3A_49 : memref<32xi32, #tpu.memory_space<hbm>>) target(%arg25 : memref<32xi32, #tpu.memory_space<vmem>>) target_semaphore(%arg40 : memref<!tpu.dma_semaphore, #tpu.memory_space<semaphore_mem>>)
    %add3A_50 = arith.constant 64 : i32
    %add3A_51 = arith.addi %mul3A_2, %add3A_50 : i32
    %dma_start3A_52 = tpu.memref_slice %arg4[%add3A_51] : memref<204800xi32, #tpu.memory_space<hbm>> -> memref<32xi32, #tpu.memory_space<hbm>>
    %dma_start3A_53 = tpu.memref_slice %arg4[%add3A_51] : memref<204800xi32, #tpu.memory_space<hbm>> -> memref<32xi32, #tpu.memory_space<hbm>>
    tpu.enqueue_dma source(%dma_start3A_53 : memref<32xi32, #tpu.memory_space<hbm>>) target(%arg26 : memref<32xi32, #tpu.memory_space<vmem>>) target_semaphore(%arg40 : memref<!tpu.dma_semaphore, #tpu.memory_space<semaphore_mem>>)
    %add3A_54 = arith.constant 64 : i32
    %add3A_55 = arith.addi %mul3A_2, %add3A_54 : i32
    %dma_start3A_56 = tpu.memref_slice %arg5[%add3A_55] : memref<204800xi32, #tpu.memory_space<hbm>> -> memref<32xi32, #tpu.memory_space<hbm>>
    %dma_start3A_57 = tpu.memref_slice %arg5[%add3A_55] : memref<204800xi32, #tpu.memory_space<hbm>> -> memref<32xi32, #tpu.memory_space<hbm>>
    tpu.enqueue_dma source(%dma_start3A_57 : memref<32xi32, #tpu.memory_space<hbm>>) target(%arg27 : memref<32xi32, #tpu.memory_space<vmem>>) target_semaphore(%arg40 : memref<!tpu.dma_semaphore, #tpu.memory_space<semaphore_mem>>)
    %add3A_58 = arith.constant 64 : i32
    %add3A_59 = arith.addi %mul3A_2, %add3A_58 : i32
    %dma_start3A_60 = tpu.memref_slice %arg6[%add3A_59] : memref<204800xi32, #tpu.memory_space<hbm>> -> memref<32xi32, #tpu.memory_space<hbm>>
    %dma_start3A_61 = tpu.memref_slice %arg6[%add3A_59] : memref<204800xi32, #tpu.memory_space<hbm>> -> memref<32xi32, #tpu.memory_space<hbm>>
    tpu.enqueue_dma source(%dma_start3A_61 : memref<32xi32, #tpu.memory_space<hbm>>) target(%arg28 : memref<32xi32, #tpu.memory_space<vmem>>) target_semaphore(%arg40 : memref<!tpu.dma_semaphore, #tpu.memory_space<semaphore_mem>>)
    %add3A_62 = arith.constant 96 : i32
    %add3A_63 = arith.addi %mul3A_2, %add3A_62 : i32
    %dma_start3A_64 = tpu.memref_slice %arg2[%add3A_63] : memref<204800xi32, #tpu.memory_space<hbm>> -> memref<32xi32, #tpu.memory_space<hbm>>
    %dma_start3A_65 = tpu.memref_slice %arg2[%add3A_63] : memref<204800xi32, #tpu.memory_space<hbm>> -> memref<32xi32, #tpu.memory_space<hbm>>
    tpu.enqueue_dma source(%dma_start3A_65 : memref<32xi32, #tpu.memory_space<hbm>>) target(%arg29 : memref<32xi32, #tpu.memory_space<vmem>>) target_semaphore(%arg41 : memref<!tpu.dma_semaphore, #tpu.memory_space<semaphore_mem>>)
    %add3A_66 = arith.constant 96 : i32
    %add3A_67 = arith.addi %mul3A_2, %add3A_66 : i32
    %dma_start3A_68 = tpu.memref_slice %arg3[%add3A_67] : memref<204800xi32, #tpu.memory_space<hbm>> -> memref<32xi32, #tpu.memory_space<hbm>>
    %dma_start3A_69 = tpu.memref_slice %arg3[%add3A_67] : memref<204800xi32, #tpu.memory_space<hbm>> -> memref<32xi32, #tpu.memory_space<hbm>>
    tpu.enqueue_dma source(%dma_start3A_69 : memref<32xi32, #tpu.memory_space<hbm>>) target(%arg30 : memref<32xi32, #tpu.memory_space<vmem>>) target_semaphore(%arg41 : memref<!tpu.dma_semaphore, #tpu.memory_space<semaphore_mem>>)
    %add3A_70 = arith.constant 96 : i32
    %add3A_71 = arith.addi %mul3A_2, %add3A_70 : i32
    %dma_start3A_72 = tpu.memref_slice %arg4[%add3A_71] : memref<204800xi32, #tpu.memory_space<hbm>> -> memref<32xi32, #tpu.memory_space<hbm>>
    %dma_start3A_73 = tpu.memref_slice %arg4[%add3A_71] : memref<204800xi32, #tpu.memory_space<hbm>> -> memref<32xi32, #tpu.memory_space<hbm>>
    tpu.enqueue_dma source(%dma_start3A_73 : memref<32xi32, #tpu.memory_space<hbm>>) target(%arg31 : memref<32xi32, #tpu.memory_space<vmem>>) target_semaphore(%arg41 : memref<!tpu.dma_semaphore, #tpu.memory_space<semaphore_mem>>)
    %add3A_74 = arith.constant 96 : i32
    %add3A_75 = arith.addi %mul3A_2, %add3A_74 : i32
    %dma_start3A_76 = tpu.memref_slice %arg5[%add3A_75] : memref<204800xi32, #tpu.memory_space<hbm>> -> memref<32xi32, #tpu.memory_space<hbm>>
    %dma_start3A_77 = tpu.memref_slice %arg5[%add3A_75] : memref<204800xi32, #tpu.memory_space<hbm>> -> memref<32xi32, #tpu.memory_space<hbm>>
    tpu.enqueue_dma source(%dma_start3A_77 : memref<32xi32, #tpu.memory_space<hbm>>) target(%arg32 : memref<32xi32, #tpu.memory_space<vmem>>) target_semaphore(%arg41 : memref<!tpu.dma_semaphore, #tpu.memory_space<semaphore_mem>>)
    %add3A_78 = arith.constant 96 : i32
    %add3A_79 = arith.addi %mul3A_2, %add3A_78 : i32
    %dma_start3A_80 = tpu.memref_slice %arg6[%add3A_79] : memref<204800xi32, #tpu.memory_space<hbm>> -> memref<32xi32, #tpu.memory_space<hbm>>
    %dma_start3A_81 = tpu.memref_slice %arg6[%add3A_79] : memref<204800xi32, #tpu.memory_space<hbm>> -> memref<32xi32, #tpu.memory_space<hbm>>
    tpu.enqueue_dma source(%dma_start3A_81 : memref<32xi32, #tpu.memory_space<hbm>>) target(%arg33 : memref<32xi32, #tpu.memory_space<vmem>>) target_semaphore(%arg41 : memref<!tpu.dma_semaphore, #tpu.memory_space<semaphore_mem>>)
    %add3A_82 = arith.constant 0 : i32
    %add3A_83 = arith.addi %mul3A_2, %add3A_82 : i32
    %dma_wait3A = tpu.memref_slice %arg2[%add3A_83] : memref<204800xi32, #tpu.memory_space<hbm>> -> memref<32xi32, #tpu.memory_space<hbm>>
    %dma_wait3A_84 = tpu.memref_slice %arg2[%add3A_83] : memref<204800xi32, #tpu.memory_space<hbm>> -> memref<32xi32, #tpu.memory_space<hbm>>
    tpu.wait_dma2 semaphore(%arg38 : memref<!tpu.dma_semaphore, #tpu.memory_space<semaphore_mem>>) src(%dma_wait3A_84 : memref<32xi32, #tpu.memory_space<hbm>>) dst(%arg14 : memref<32xi32, #tpu.memory_space<vmem>>)
    %add3A_85 = arith.constant 0 : i32
    %add3A_86 = arith.addi %mul3A_2, %add3A_85 : i32
    %dma_wait3A_87 = tpu.memref_slice %arg3[%add3A_86] : memref<204800xi32, #tpu.memory_space<hbm>> -> memref<32xi32, #tpu.memory_space<hbm>>
    %dma_wait3A_88 = tpu.memref_slice %arg3[%add3A_86] : memref<204800xi32, #tpu.memory_space<hbm>> -> memref<32xi32, #tpu.memory_space<hbm>>
    tpu.wait_dma2 semaphore(%arg38 : memref<!tpu.dma_semaphore, #tpu.memory_space<semaphore_mem>>) src(%dma_wait3A_88 : memref<32xi32, #tpu.memory_space<hbm>>) dst(%arg15 : memref<32xi32, #tpu.memory_space<vmem>>)
    %add3A_89 = arith.constant 0 : i32
    %add3A_90 = arith.addi %mul3A_2, %add3A_89 : i32
    %dma_wait3A_91 = tpu.memref_slice %arg4[%add3A_90] : memref<204800xi32, #tpu.memory_space<hbm>> -> memref<32xi32, #tpu.memory_space<hbm>>
    %dma_wait3A_92 = tpu.memref_slice %arg4[%add3A_90] : memref<204800xi32, #tpu.memory_space<hbm>> -> memref<32xi32, #tpu.memory_space<hbm>>
    tpu.wait_dma2 semaphore(%arg38 : memref<!tpu.dma_semaphore, #tpu.memory_space<semaphore_mem>>) src(%dma_wait3A_92 : memref<32xi32, #tpu.memory_space<hbm>>) dst(%arg16 : memref<32xi32, #tpu.memory_space<vmem>>)
    %add3A_93 = arith.constant 0 : i32
    %add3A_94 = arith.addi %mul3A_2, %add3A_93 : i32
    %dma_wait3A_95 = tpu.memref_slice %arg5[%add3A_94] : memref<204800xi32, #tpu.memory_space<hbm>> -> memref<32xi32, #tpu.memory_space<hbm>>
    %dma_wait3A_96 = tpu.memref_slice %arg5[%add3A_94] : memref<204800xi32, #tpu.memory_space<hbm>> -> memref<32xi32, #tpu.memory_space<hbm>>
    tpu.wait_dma2 semaphore(%arg38 : memref<!tpu.dma_semaphore, #tpu.memory_space<semaphore_mem>>) src(%dma_wait3A_96 : memref<32xi32, #tpu.memory_space<hbm>>) dst(%arg17 : memref<32xi32, #tpu.memory_space<vmem>>)
    %add3A_97 = arith.constant 0 : i32
    %add3A_98 = arith.addi %mul3A_2, %add3A_97 : i32
    %dma_wait3A_99 = tpu.memref_slice %arg6[%add3A_98] : memref<204800xi32, #tpu.memory_space<hbm>> -> memref<32xi32, #tpu.memory_space<hbm>>
    %dma_wait3A_100 = tpu.memref_slice %arg6[%add3A_98] : memref<204800xi32, #tpu.memory_space<hbm>> -> memref<32xi32, #tpu.memory_space<hbm>>
    tpu.wait_dma2 semaphore(%arg38 : memref<!tpu.dma_semaphore, #tpu.memory_space<semaphore_mem>>) src(%dma_wait3A_100 : memref<32xi32, #tpu.memory_space<hbm>>) dst(%arg18 : memref<32xi32, #tpu.memory_space<vmem>>)
    %dma_start3A_101 = arith.constant 0 : i32
    %dma_start3A_102 = arith.constant 128 : i32
    %dma_start3A_103 = tpu.memref_slice %arg34[%dma_start3A_101, %dma_start3A_102] : memref<32x641xf32, #tpu.memory_space<vmem>> -> memref<32x128xf32, #tpu.memory_space<vmem>>
    %dma_start3A_104 = arith.constant 0 : i32
    %dma_start3A_105 = arith.constant 0 : i32
    %dma_start3A_106 = tpu.memref_slice %arg8[%dma_start3A_104, %dma_start3A_105] : memref<128x128xf32, #tpu.memory_space<hbm>> -> memref<128x128xf32, #tpu.memory_space<hbm>>
    tpu.enqueue_indirect_dma source(%dma_start3A_106 : memref<128x128xf32, #tpu.memory_space<hbm>>) target(%dma_start3A_103 : memref<32x128xf32, #tpu.memory_space<vmem>>) offsets(%arg15 : memref<32xi32, #tpu.memory_space<vmem>>) semaphore(%arg42 : memref<!tpu.dma_semaphore, #tpu.memory_space<semaphore_mem>>)
    %dma_start3A_107 = arith.constant 0 : i32
    %dma_start3A_108 = arith.constant 256 : i32
    %dma_start3A_109 = tpu.memref_slice %arg34[%dma_start3A_107, %dma_start3A_108] : memref<32x641xf32, #tpu.memory_space<vmem>> -> memref<32x128xf32, #tpu.memory_space<vmem>>
    %dma_start3A_110 = arith.constant 0 : i32
    %dma_start3A_111 = arith.constant 0 : i32
    %dma_start3A_112 = tpu.memref_slice %arg9[%dma_start3A_110, %dma_start3A_111] : memref<128x128xf32, #tpu.memory_space<hbm>> -> memref<128x128xf32, #tpu.memory_space<hbm>>
    tpu.enqueue_indirect_dma source(%dma_start3A_112 : memref<128x128xf32, #tpu.memory_space<hbm>>) target(%dma_start3A_109 : memref<32x128xf32, #tpu.memory_space<vmem>>) offsets(%arg16 : memref<32xi32, #tpu.memory_space<vmem>>) semaphore(%arg42 : memref<!tpu.dma_semaphore, #tpu.memory_space<semaphore_mem>>)
    %dma_start3A_113 = arith.constant 0 : i32
    %dma_start3A_114 = arith.constant 384 : i32
    %dma_start3A_115 = tpu.memref_slice %arg34[%dma_start3A_113, %dma_start3A_114] : memref<32x641xf32, #tpu.memory_space<vmem>> -> memref<32x128xf32, #tpu.memory_space<vmem>>
    %dma_start3A_116 = arith.constant 0 : i32
    %dma_start3A_117 = arith.constant 0 : i32
    %dma_start3A_118 = tpu.memref_slice %arg10[%dma_start3A_116, %dma_start3A_117] : memref<128x128xf32, #tpu.memory_space<hbm>> -> memref<128x128xf32, #tpu.memory_space<hbm>>
    tpu.enqueue_indirect_dma source(%dma_start3A_118 : memref<128x128xf32, #tpu.memory_space<hbm>>) target(%dma_start3A_115 : memref<32x128xf32, #tpu.memory_space<vmem>>) offsets(%arg17 : memref<32xi32, #tpu.memory_space<vmem>>) semaphore(%arg42 : memref<!tpu.dma_semaphore, #tpu.memory_space<semaphore_mem>>)
    %dma_start3A_119 = arith.constant 0 : i32
    %dma_start3A_120 = arith.constant 512 : i32
    %dma_start3A_121 = tpu.memref_slice %arg34[%dma_start3A_119, %dma_start3A_120] : memref<32x641xf32, #tpu.memory_space<vmem>> -> memref<32x128xf32, #tpu.memory_space<vmem>>
    %dma_start3A_122 = arith.constant 0 : i32
    %dma_start3A_123 = arith.constant 0 : i32
    %dma_start3A_124 = tpu.memref_slice %arg11[%dma_start3A_122, %dma_start3A_123] : memref<128x128xf32, #tpu.memory_space<hbm>> -> memref<128x128xf32, #tpu.memory_space<hbm>>
    tpu.enqueue_indirect_dma source(%dma_start3A_124 : memref<128x128xf32, #tpu.memory_space<hbm>>) target(%dma_start3A_121 : memref<32x128xf32, #tpu.memory_space<vmem>>) offsets(%arg18 : memref<32xi32, #tpu.memory_space<vmem>>) semaphore(%arg42 : memref<!tpu.dma_semaphore, #tpu.memory_space<semaphore_mem>>)
    %iota3A = tpu.iota {dimensions = array<i32: 0>} : vector<16xi32>
    %add3A_125 = arith.constant 0 : i32
    %add3A_126 = vector.broadcast %add3A_125 : i32 to vector<16xi32>
    %add3A_127 = arith.addi %iota3A, %add3A_126 : vector<16xi32>
    %get3A = arith.constant 0 : index
    %get3A_128 = tpu.vector_load %arg14[%get3A] {strides = array<i32>} : memref<32xi32, #tpu.memory_space<vmem>>, vector<16xi32>,
    %broadcast_in_dim3A = arith.constant 0 : i32
    %broadcast_in_dim3A_129 = vector.broadcast %broadcast_in_dim3A : i32 to vector<16xi32>
    %iota3A_130 = tpu.iota {dimensions = array<i32: 0>} : vector<16xi32>
    %add3A_131 = arith.constant 16 : i32
    %add3A_132 = vector.broadcast %add3A_131 : i32 to vector<16xi32>
    %add3A_133 = arith.addi %iota3A_130, %add3A_132 : vector<16xi32>
    %get3A_134 = arith.constant 16 : index
    %get3A_135 = tpu.vector_load %arg14[%get3A_134] {strides = array<i32>} : memref<32xi32, #tpu.memory_space<vmem>>, vector<16xi32>,
    %broadcast_in_dim3A_136 = arith.constant 0 : i32
    %broadcast_in_dim3A_137 = vector.broadcast %broadcast_in_dim3A_136 : i32 to vector<16xi32>
    %scan3A = arith.constant 0 : i32
    %scan3A_138 = arith.constant 128 : i32
    %scan3A_139 = arith.addi %scan3A, %scan3A_138 : i32
    %scan3A_140 = arith.constant 1 : i32
    scf.for %scan3A_574 = %scan3A to %scan3A_139 step %scan3A_140  : i32 {
      %mul3A_575 = arith.constant 1 : i32
      %mul3A_576 = arith.muli %scan3A_574, %mul3A_575 : i32
      %add3A_577 = arith.constant 0 : i32
      %add3A_578 = arith.addi %add3A_577, %mul3A_576 : i32
      %mul3A_579 = arith.constant 26 : i32
      %mul3A_580 = arith.muli %add3A_578, %mul3A_579 : i32
      %add3A_581 = vector.broadcast %mul3A_580 : i32 to vector<16xi32>
      %add3A_582 = arith.addi %get3A_128, %add3A_581 : vector<16xi32>
      %gather3A = tpu.vector_load_idx %arg13[%add3A_582] : memref<3328xf32, #tpu.memory_space<vmem>>[vector<16xi32>], vector<16xf32>,
      %add3A_583 = vector.broadcast %add3A_578 : i32 to vector<16xi32>
      %add3A_584 = arith.addi %broadcast_in_dim3A_129, %add3A_583 : vector<16xi32>
      tpu.vector_store_idx %arg34[%add3A_127, %add3A_584], %gather3A : memref<32x641xf32, #tpu.memory_space<vmem>>[vector<16xi32>, vector<16xi32>], vector<16xf32>,
      %mul3A_585 = arith.constant 26 : i32
      %mul3A_586 = arith.muli %add3A_578, %mul3A_585 : i32
      %add3A_587 = vector.broadcast %mul3A_586 : i32 to vector<16xi32>
      %add3A_588 = arith.addi %get3A_135, %add3A_587 : vector<16xi32>
      %gather3A_589 = tpu.vector_load_idx %arg13[%add3A_588] : memref<3328xf32, #tpu.memory_space<vmem>>[vector<16xi32>], vector<16xf32>,
      %add3A_590 = vector.broadcast %add3A_578 : i32 to vector<16xi32>
      %add3A_591 = arith.addi %broadcast_in_dim3A_137, %add3A_590 : vector<16xi32>
      tpu.vector_store_idx %arg34[%add3A_133, %add3A_591], %gather3A_589 : memref<32x641xf32, #tpu.memory_space<vmem>>[vector<16xi32>, vector<16xi32>], vector<16xf32>,
    }
    %scan3A_141 = arith.constant 128 : i32
    %add3A_142 = arith.constant 32 : i32
    %add3A_143 = arith.addi %mul3A_2, %add3A_142 : i32
    %dma_wait3A_144 = tpu.memref_slice %arg2[%add3A_143] : memref<204800xi32, #tpu.memory_space<hbm>> -> memref<32xi32, #tpu.memory_space<hbm>>
    %dma_wait3A_145 = tpu.memref_slice %arg2[%add3A_143] : memref<204800xi32, #tpu.memory_space<hbm>> -> memref<32xi32, #tpu.memory_space<hbm>>
    tpu.wait_dma2 semaphore(%arg39 : memref<!tpu.dma_semaphore, #tpu.memory_space<semaphore_mem>>) src(%dma_wait3A_145 : memref<32xi32, #tpu.memory_space<hbm>>) dst(%arg19 : memref<32xi32, #tpu.memory_space<vmem>>)
    %add3A_146 = arith.constant 32 : i32
    %add3A_147 = arith.addi %mul3A_2, %add3A_146 : i32
    %dma_wait3A_148 = tpu.memref_slice %arg3[%add3A_147] : memref<204800xi32, #tpu.memory_space<hbm>> -> memref<32xi32, #tpu.memory_space<hbm>>
    %dma_wait3A_149 = tpu.memref_slice %arg3[%add3A_147] : memref<204800xi32, #tpu.memory_space<hbm>> -> memref<32xi32, #tpu.memory_space<hbm>>
    tpu.wait_dma2 semaphore(%arg39 : memref<!tpu.dma_semaphore, #tpu.memory_space<semaphore_mem>>) src(%dma_wait3A_149 : memref<32xi32, #tpu.memory_space<hbm>>) dst(%arg20 : memref<32xi32, #tpu.memory_space<vmem>>)
    %add3A_150 = arith.constant 32 : i32
    %add3A_151 = arith.addi %mul3A_2, %add3A_150 : i32
    %dma_wait3A_152 = tpu.memref_slice %arg4[%add3A_151] : memref<204800xi32, #tpu.memory_space<hbm>> -> memref<32xi32, #tpu.memory_space<hbm>>
    %dma_wait3A_153 = tpu.memref_slice %arg4[%add3A_151] : memref<204800xi32, #tpu.memory_space<hbm>> -> memref<32xi32, #tpu.memory_space<hbm>>
    tpu.wait_dma2 semaphore(%arg39 : memref<!tpu.dma_semaphore, #tpu.memory_space<semaphore_mem>>) src(%dma_wait3A_153 : memref<32xi32, #tpu.memory_space<hbm>>) dst(%arg21 : memref<32xi32, #tpu.memory_space<vmem>>)
    %add3A_154 = arith.constant 32 : i32
    %add3A_155 = arith.addi %mul3A_2, %add3A_154 : i32
    %dma_wait3A_156 = tpu.memref_slice %arg5[%add3A_155] : memref<204800xi32, #tpu.memory_space<hbm>> -> memref<32xi32, #tpu.memory_space<hbm>>
    %dma_wait3A_157 = tpu.memref_slice %arg5[%add3A_155] : memref<204800xi32, #tpu.memory_space<hbm>> -> memref<32xi32, #tpu.memory_space<hbm>>
    tpu.wait_dma2 semaphore(%arg39 : memref<!tpu.dma_semaphore, #tpu.memory_space<semaphore_mem>>) src(%dma_wait3A_157 : memref<32xi32, #tpu.memory_space<hbm>>) dst(%arg22 : memref<32xi32, #tpu.memory_space<vmem>>)
    %add3A_158 = arith.constant 32 : i32
    %add3A_159 = arith.addi %mul3A_2, %add3A_158 : i32
    %dma_wait3A_160 = tpu.memref_slice %arg6[%add3A_159] : memref<204800xi32, #tpu.memory_space<hbm>> -> memref<32xi32, #tpu.memory_space<hbm>>
    %dma_wait3A_161 = tpu.memref_slice %arg6[%add3A_159] : memref<204800xi32, #tpu.memory_space<hbm>> -> memref<32xi32, #tpu.memory_space<hbm>>
    tpu.wait_dma2 semaphore(%arg39 : memref<!tpu.dma_semaphore, #tpu.memory_space<semaphore_mem>>) src(%dma_wait3A_161 : memref<32xi32, #tpu.memory_space<hbm>>) dst(%arg23 : memref<32xi32, #tpu.memory_space<vmem>>)
    %dma_start3A_162 = arith.constant 0 : i32
    %dma_start3A_163 = arith.constant 128 : i32
    %dma_start3A_164 = tpu.memref_slice %arg35[%dma_start3A_162, %dma_start3A_163] : memref<32x641xf32, #tpu.memory_space<vmem>> -> memref<32x128xf32, #tpu.memory_space<vmem>>
    %dma_start3A_165 = arith.constant 0 : i32
    %dma_start3A_166 = arith.constant 0 : i32
    %dma_start3A_167 = tpu.memref_slice %arg8[%dma_start3A_165, %dma_start3A_166] : memref<128x128xf32, #tpu.memory_space<hbm>> -> memref<128x128xf32, #tpu.memory_space<hbm>>
    tpu.enqueue_indirect_dma source(%dma_start3A_167 : memref<128x128xf32, #tpu.memory_space<hbm>>) target(%dma_start3A_164 : memref<32x128xf32, #tpu.memory_space<vmem>>) offsets(%arg20 : memref<32xi32, #tpu.memory_space<vmem>>) semaphore(%arg43 : memref<!tpu.dma_semaphore, #tpu.memory_space<semaphore_mem>>)
    %dma_start3A_168 = arith.constant 0 : i32
    %dma_start3A_169 = arith.constant 256 : i32
    %dma_start3A_170 = tpu.memref_slice %arg35[%dma_start3A_168, %dma_start3A_169] : memref<32x641xf32, #tpu.memory_space<vmem>> -> memref<32x128xf32, #tpu.memory_space<vmem>>
    %dma_start3A_171 = arith.constant 0 : i32
    %dma_start3A_172 = arith.constant 0 : i32
    %dma_start3A_173 = tpu.memref_slice %arg9[%dma_start3A_171, %dma_start3A_172] : memref<128x128xf32, #tpu.memory_space<hbm>> -> memref<128x128xf32, #tpu.memory_space<hbm>>
    tpu.enqueue_indirect_dma source(%dma_start3A_173 : memref<128x128xf32, #tpu.memory_space<hbm>>) target(%dma_start3A_170 : memref<32x128xf32, #tpu.memory_space<vmem>>) offsets(%arg21 : memref<32xi32, #tpu.memory_space<vmem>>) semaphore(%arg43 : memref<!tpu.dma_semaphore, #tpu.memory_space<semaphore_mem>>)
    %dma_start3A_174 = arith.constant 0 : i32
    %dma_start3A_175 = arith.constant 384 : i32
    %dma_start3A_176 = tpu.memref_slice %arg35[%dma_start3A_174, %dma_start3A_175] : memref<32x641xf32, #tpu.memory_space<vmem>> -> memref<32x128xf32, #tpu.memory_space<vmem>>
    %dma_start3A_177 = arith.constant 0 : i32
    %dma_start3A_178 = arith.constant 0 : i32
    %dma_start3A_179 = tpu.memref_slice %arg10[%dma_start3A_177, %dma_start3A_178] : memref<128x128xf32, #tpu.memory_space<hbm>> -> memref<128x128xf32, #tpu.memory_space<hbm>>
    tpu.enqueue_indirect_dma source(%dma_start3A_179 : memref<128x128xf32, #tpu.memory_space<hbm>>) target(%dma_start3A_176 : memref<32x128xf32, #tpu.memory_space<vmem>>) offsets(%arg22 : memref<32xi32, #tpu.memory_space<vmem>>) semaphore(%arg43 : memref<!tpu.dma_semaphore, #tpu.memory_space<semaphore_mem>>)
    %dma_start3A_180 = arith.constant 0 : i32
    %dma_start3A_181 = arith.constant 512 : i32
    %dma_start3A_182 = tpu.memref_slice %arg35[%dma_start3A_180, %dma_start3A_181] : memref<32x641xf32, #tpu.memory_space<vmem>> -> memref<32x128xf32, #tpu.memory_space<vmem>>
    %dma_start3A_183 = arith.constant 0 : i32
    %dma_start3A_184 = arith.constant 0 : i32
    %dma_start3A_185 = tpu.memref_slice %arg11[%dma_start3A_183, %dma_start3A_184] : memref<128x128xf32, #tpu.memory_space<hbm>> -> memref<128x128xf32, #tpu.memory_space<hbm>>
    tpu.enqueue_indirect_dma source(%dma_start3A_185 : memref<128x128xf32, #tpu.memory_space<hbm>>) target(%dma_start3A_182 : memref<32x128xf32, #tpu.memory_space<vmem>>) offsets(%arg23 : memref<32xi32, #tpu.memory_space<vmem>>) semaphore(%arg43 : memref<!tpu.dma_semaphore, #tpu.memory_space<semaphore_mem>>)
    %iota3A_186 = tpu.iota {dimensions = array<i32: 0>} : vector<16xi32>
    %add3A_187 = arith.constant 0 : i32
    %add3A_188 = vector.broadcast %add3A_187 : i32 to vector<16xi32>
    %add3A_189 = arith.addi %iota3A_186, %add3A_188 : vector<16xi32>
    %get3A_190 = arith.constant 0 : index
    %get3A_191 = tpu.vector_load %arg19[%get3A_190] {strides = array<i32>} : memref<32xi32, #tpu.memory_space<vmem>>, vector<16xi32>,
    %broadcast_in_dim3A_192 = arith.constant 0 : i32
    %broadcast_in_dim3A_193 = vector.broadcast %broadcast_in_dim3A_192 : i32 to vector<16xi32>
    %iota3A_194 = tpu.iota {dimensions = array<i32: 0>} : vector<16xi32>
    %add3A_195 = arith.constant 16 : i32
    %add3A_196 = vector.broadcast %add3A_195 : i32 to vector<16xi32>
    %add3A_197 = arith.addi %iota3A_194, %add3A_196 : vector<16xi32>
    %get3A_198 = arith.constant 16 : index
    %get3A_199 = tpu.vector_load %arg19[%get3A_198] {strides = array<i32>} : memref<32xi32, #tpu.memory_space<vmem>>, vector<16xi32>,
    %broadcast_in_dim3A_200 = arith.constant 0 : i32
    %broadcast_in_dim3A_201 = vector.broadcast %broadcast_in_dim3A_200 : i32 to vector<16xi32>
    %scan3A_202 = arith.constant 0 : i32
    %scan3A_203 = arith.constant 128 : i32
    %scan3A_204 = arith.addi %scan3A_202, %scan3A_203 : i32
    %scan3A_205 = arith.constant 1 : i32
    scf.for %scan3A_574 = %scan3A_202 to %scan3A_204 step %scan3A_205  : i32 {
      %mul3A_575 = arith.constant 1 : i32
      %mul3A_576 = arith.muli %scan3A_574, %mul3A_575 : i32
      %add3A_577 = arith.constant 0 : i32
      %add3A_578 = arith.addi %add3A_577, %mul3A_576 : i32
      %mul3A_579 = arith.constant 26 : i32
      %mul3A_580 = arith.muli %add3A_578, %mul3A_579 : i32
      %add3A_581 = vector.broadcast %mul3A_580 : i32 to vector<16xi32>
      %add3A_582 = arith.addi %get3A_191, %add3A_581 : vector<16xi32>
      %gather3A = tpu.vector_load_idx %arg13[%add3A_582] : memref<3328xf32, #tpu.memory_space<vmem>>[vector<16xi32>], vector<16xf32>,
      %add3A_583 = vector.broadcast %add3A_578 : i32 to vector<16xi32>
      %add3A_584 = arith.addi %broadcast_in_dim3A_193, %add3A_583 : vector<16xi32>
      tpu.vector_store_idx %arg35[%add3A_189, %add3A_584], %gather3A : memref<32x641xf32, #tpu.memory_space<vmem>>[vector<16xi32>, vector<16xi32>], vector<16xf32>,
      %mul3A_585 = arith.constant 26 : i32
      %mul3A_586 = arith.muli %add3A_578, %mul3A_585 : i32
      %add3A_587 = vector.broadcast %mul3A_586 : i32 to vector<16xi32>
      %add3A_588 = arith.addi %get3A_199, %add3A_587 : vector<16xi32>
      %gather3A_589 = tpu.vector_load_idx %arg13[%add3A_588] : memref<3328xf32, #tpu.memory_space<vmem>>[vector<16xi32>], vector<16xf32>,
      %add3A_590 = vector.broadcast %add3A_578 : i32 to vector<16xi32>
      %add3A_591 = arith.addi %broadcast_in_dim3A_201, %add3A_590 : vector<16xi32>
      tpu.vector_store_idx %arg35[%add3A_197, %add3A_591], %gather3A_589 : memref<32x641xf32, #tpu.memory_space<vmem>>[vector<16xi32>, vector<16xi32>], vector<16xf32>,
    }
    %scan3A_206 = arith.constant 128 : i32
    %add3A_207 = arith.constant 64 : i32
    %add3A_208 = arith.addi %mul3A_2, %add3A_207 : i32
    %dma_wait3A_209 = tpu.memref_slice %arg2[%add3A_208] : memref<204800xi32, #tpu.memory_space<hbm>> -> memref<32xi32, #tpu.memory_space<hbm>>
    %dma_wait3A_210 = tpu.memref_slice %arg2[%add3A_208] : memref<204800xi32, #tpu.memory_space<hbm>> -> memref<32xi32, #tpu.memory_space<hbm>>
    tpu.wait_dma2 semaphore(%arg40 : memref<!tpu.dma_semaphore, #tpu.memory_space<semaphore_mem>>) src(%dma_wait3A_210 : memref<32xi32, #tpu.memory_space<hbm>>) dst(%arg24 : memref<32xi32, #tpu.memory_space<vmem>>)
    %add3A_211 = arith.constant 64 : i32
    %add3A_212 = arith.addi %mul3A_2, %add3A_211 : i32
    %dma_wait3A_213 = tpu.memref_slice %arg3[%add3A_212] : memref<204800xi32, #tpu.memory_space<hbm>> -> memref<32xi32, #tpu.memory_space<hbm>>
    %dma_wait3A_214 = tpu.memref_slice %arg3[%add3A_212] : memref<204800xi32, #tpu.memory_space<hbm>> -> memref<32xi32, #tpu.memory_space<hbm>>
    tpu.wait_dma2 semaphore(%arg40 : memref<!tpu.dma_semaphore, #tpu.memory_space<semaphore_mem>>) src(%dma_wait3A_214 : memref<32xi32, #tpu.memory_space<hbm>>) dst(%arg25 : memref<32xi32, #tpu.memory_space<vmem>>)
    %add3A_215 = arith.constant 64 : i32
    %add3A_216 = arith.addi %mul3A_2, %add3A_215 : i32
    %dma_wait3A_217 = tpu.memref_slice %arg4[%add3A_216] : memref<204800xi32, #tpu.memory_space<hbm>> -> memref<32xi32, #tpu.memory_space<hbm>>
    %dma_wait3A_218 = tpu.memref_slice %arg4[%add3A_216] : memref<204800xi32, #tpu.memory_space<hbm>> -> memref<32xi32, #tpu.memory_space<hbm>>
    tpu.wait_dma2 semaphore(%arg40 : memref<!tpu.dma_semaphore, #tpu.memory_space<semaphore_mem>>) src(%dma_wait3A_218 : memref<32xi32, #tpu.memory_space<hbm>>) dst(%arg26 : memref<32xi32, #tpu.memory_space<vmem>>)
    %add3A_219 = arith.constant 64 : i32
    %add3A_220 = arith.addi %mul3A_2, %add3A_219 : i32
    %dma_wait3A_221 = tpu.memref_slice %arg5[%add3A_220] : memref<204800xi32, #tpu.memory_space<hbm>> -> memref<32xi32, #tpu.memory_space<hbm>>
    %dma_wait3A_222 = tpu.memref_slice %arg5[%add3A_220] : memref<204800xi32, #tpu.memory_space<hbm>> -> memref<32xi32, #tpu.memory_space<hbm>>
    tpu.wait_dma2 semaphore(%arg40 : memref<!tpu.dma_semaphore, #tpu.memory_space<semaphore_mem>>) src(%dma_wait3A_222 : memref<32xi32, #tpu.memory_space<hbm>>) dst(%arg27 : memref<32xi32, #tpu.memory_space<vmem>>)
    %add3A_223 = arith.constant 64 : i32
    %add3A_224 = arith.addi %mul3A_2, %add3A_223 : i32
    %dma_wait3A_225 = tpu.memref_slice %arg6[%add3A_224] : memref<204800xi32, #tpu.memory_space<hbm>> -> memref<32xi32, #tpu.memory_space<hbm>>
    %dma_wait3A_226 = tpu.memref_slice %arg6[%add3A_224] : memref<204800xi32, #tpu.memory_space<hbm>> -> memref<32xi32, #tpu.memory_space<hbm>>
    tpu.wait_dma2 semaphore(%arg40 : memref<!tpu.dma_semaphore, #tpu.memory_space<semaphore_mem>>) src(%dma_wait3A_226 : memref<32xi32, #tpu.memory_space<hbm>>) dst(%arg28 : memref<32xi32, #tpu.memory_space<vmem>>)
    %dma_start3A_227 = arith.constant 0 : i32
    %dma_start3A_228 = arith.constant 128 : i32
    %dma_start3A_229 = tpu.memref_slice %arg36[%dma_start3A_227, %dma_start3A_228] : memref<32x641xf32, #tpu.memory_space<vmem>> -> memref<32x128xf32, #tpu.memory_space<vmem>>
    %dma_start3A_230 = arith.constant 0 : i32
    %dma_start3A_231 = arith.constant 0 : i32
    %dma_start3A_232 = tpu.memref_slice %arg8[%dma_start3A_230, %dma_start3A_231] : memref<128x128xf32, #tpu.memory_space<hbm>> -> memref<128x128xf32, #tpu.memory_space<hbm>>
    tpu.enqueue_indirect_dma source(%dma_start3A_232 : memref<128x128xf32, #tpu.memory_space<hbm>>) target(%dma_start3A_229 : memref<32x128xf32, #tpu.memory_space<vmem>>) offsets(%arg25 : memref<32xi32, #tpu.memory_space<vmem>>) semaphore(%arg44 : memref<!tpu.dma_semaphore, #tpu.memory_space<semaphore_mem>>)
    %dma_start3A_233 = arith.constant 0 : i32
    %dma_start3A_234 = arith.constant 256 : i32
    %dma_start3A_235 = tpu.memref_slice %arg36[%dma_start3A_233, %dma_start3A_234] : memref<32x641xf32, #tpu.memory_space<vmem>> -> memref<32x128xf32, #tpu.memory_space<vmem>>
    %dma_start3A_236 = arith.constant 0 : i32
    %dma_start3A_237 = arith.constant 0 : i32
    %dma_start3A_238 = tpu.memref_slice %arg9[%dma_start3A_236, %dma_start3A_237] : memref<128x128xf32, #tpu.memory_space<hbm>> -> memref<128x128xf32, #tpu.memory_space<hbm>>
    tpu.enqueue_indirect_dma source(%dma_start3A_238 : memref<128x128xf32, #tpu.memory_space<hbm>>) target(%dma_start3A_235 : memref<32x128xf32, #tpu.memory_space<vmem>>) offsets(%arg26 : memref<32xi32, #tpu.memory_space<vmem>>) semaphore(%arg44 : memref<!tpu.dma_semaphore, #tpu.memory_space<semaphore_mem>>)
    %dma_start3A_239 = arith.constant 0 : i32
    %dma_start3A_240 = arith.constant 384 : i32
    %dma_start3A_241 = tpu.memref_slice %arg36[%dma_start3A_239, %dma_start3A_240] : memref<32x641xf32, #tpu.memory_space<vmem>> -> memref<32x128xf32, #tpu.memory_space<vmem>>
    %dma_start3A_242 = arith.constant 0 : i32
    %dma_start3A_243 = arith.constant 0 : i32
    %dma_start3A_244 = tpu.memref_slice %arg10[%dma_start3A_242, %dma_start3A_243] : memref<128x128xf32, #tpu.memory_space<hbm>> -> memref<128x128xf32, #tpu.memory_space<hbm>>
    tpu.enqueue_indirect_dma source(%dma_start3A_244 : memref<128x128xf32, #tpu.memory_space<hbm>>) target(%dma_start3A_241 : memref<32x128xf32, #tpu.memory_space<vmem>>) offsets(%arg27 : memref<32xi32, #tpu.memory_space<vmem>>) semaphore(%arg44 : memref<!tpu.dma_semaphore, #tpu.memory_space<semaphore_mem>>)
    %dma_start3A_245 = arith.constant 0 : i32
    %dma_start3A_246 = arith.constant 512 : i32
    %dma_start3A_247 = tpu.memref_slice %arg36[%dma_start3A_245, %dma_start3A_246] : memref<32x641xf32, #tpu.memory_space<vmem>> -> memref<32x128xf32, #tpu.memory_space<vmem>>
    %dma_start3A_248 = arith.constant 0 : i32
    %dma_start3A_249 = arith.constant 0 : i32
    %dma_start3A_250 = tpu.memref_slice %arg11[%dma_start3A_248, %dma_start3A_249] : memref<128x128xf32, #tpu.memory_space<hbm>> -> memref<128x128xf32, #tpu.memory_space<hbm>>
    tpu.enqueue_indirect_dma source(%dma_start3A_250 : memref<128x128xf32, #tpu.memory_space<hbm>>) target(%dma_start3A_247 : memref<32x128xf32, #tpu.memory_space<vmem>>) offsets(%arg28 : memref<32xi32, #tpu.memory_space<vmem>>) semaphore(%arg44 : memref<!tpu.dma_semaphore, #tpu.memory_space<semaphore_mem>>)
    %iota3A_251 = tpu.iota {dimensions = array<i32: 0>} : vector<16xi32>
    %add3A_252 = arith.constant 0 : i32
    %add3A_253 = vector.broadcast %add3A_252 : i32 to vector<16xi32>
    %add3A_254 = arith.addi %iota3A_251, %add3A_253 : vector<16xi32>
    %get3A_255 = arith.constant 0 : index
    %get3A_256 = tpu.vector_load %arg24[%get3A_255] {strides = array<i32>} : memref<32xi32, #tpu.memory_space<vmem>>, vector<16xi32>,
    %broadcast_in_dim3A_257 = arith.constant 0 : i32
    %broadcast_in_dim3A_258 = vector.broadcast %broadcast_in_dim3A_257 : i32 to vector<16xi32>
    %iota3A_259 = tpu.iota {dimensions = array<i32: 0>} : vector<16xi32>
    %add3A_260 = arith.constant 16 : i32
    %add3A_261 = vector.broadcast %add3A_260 : i32 to vector<16xi32>
    %add3A_262 = arith.addi %iota3A_259, %add3A_261 : vector<16xi32>
    %get3A_263 = arith.constant 16 : index
    %get3A_264 = tpu.vector_load %arg24[%get3A_263] {strides = array<i32>} : memref<32xi32, #tpu.memory_space<vmem>>, vector<16xi32>,
    %broadcast_in_dim3A_265 = arith.constant 0 : i32
    %broadcast_in_dim3A_266 = vector.broadcast %broadcast_in_dim3A_265 : i32 to vector<16xi32>
    %scan3A_267 = arith.constant 0 : i32
    %scan3A_268 = arith.constant 128 : i32
    %scan3A_269 = arith.addi %scan3A_267, %scan3A_268 : i32
    %scan3A_270 = arith.constant 1 : i32
    scf.for %scan3A_574 = %scan3A_267 to %scan3A_269 step %scan3A_270  : i32 {
      %mul3A_575 = arith.constant 1 : i32
      %mul3A_576 = arith.muli %scan3A_574, %mul3A_575 : i32
      %add3A_577 = arith.constant 0 : i32
      %add3A_578 = arith.addi %add3A_577, %mul3A_576 : i32
      %mul3A_579 = arith.constant 26 : i32
      %mul3A_580 = arith.muli %add3A_578, %mul3A_579 : i32
      %add3A_581 = vector.broadcast %mul3A_580 : i32 to vector<16xi32>
      %add3A_582 = arith.addi %get3A_256, %add3A_581 : vector<16xi32>
      %gather3A = tpu.vector_load_idx %arg13[%add3A_582] : memref<3328xf32, #tpu.memory_space<vmem>>[vector<16xi32>], vector<16xf32>,
      %add3A_583 = vector.broadcast %add3A_578 : i32 to vector<16xi32>
      %add3A_584 = arith.addi %broadcast_in_dim3A_258, %add3A_583 : vector<16xi32>
      tpu.vector_store_idx %arg36[%add3A_254, %add3A_584], %gather3A : memref<32x641xf32, #tpu.memory_space<vmem>>[vector<16xi32>, vector<16xi32>], vector<16xf32>,
      %mul3A_585 = arith.constant 26 : i32
      %mul3A_586 = arith.muli %add3A_578, %mul3A_585 : i32
      %add3A_587 = vector.broadcast %mul3A_586 : i32 to vector<16xi32>
      %add3A_588 = arith.addi %get3A_264, %add3A_587 : vector<16xi32>
      %gather3A_589 = tpu.vector_load_idx %arg13[%add3A_588] : memref<3328xf32, #tpu.memory_space<vmem>>[vector<16xi32>], vector<16xf32>,
      %add3A_590 = vector.broadcast %add3A_578 : i32 to vector<16xi32>
      %add3A_591 = arith.addi %broadcast_in_dim3A_266, %add3A_590 : vector<16xi32>
      tpu.vector_store_idx %arg36[%add3A_262, %add3A_591], %gather3A_589 : memref<32x641xf32, #tpu.memory_space<vmem>>[vector<16xi32>, vector<16xi32>], vector<16xf32>,
    }
    %scan3A_271 = arith.constant 128 : i32
    %dma_wait3A_272 = arith.constant 0 : i32
    %dma_wait3A_273 = arith.constant 128 : i32
    %dma_wait3A_274 = tpu.memref_slice %arg34[%dma_wait3A_272, %dma_wait3A_273] : memref<32x641xf32, #tpu.memory_space<vmem>> -> memref<32x128xf32, #tpu.memory_space<vmem>>
    %dma_wait3A_275 = arith.constant 0 : i32
    %dma_wait3A_276 = arith.constant 0 : i32
    %dma_wait3A_277 = tpu.memref_slice %arg8[%dma_wait3A_275, %dma_wait3A_276] : memref<128x128xf32, #tpu.memory_space<hbm>> -> memref<128x128xf32, #tpu.memory_space<hbm>>
    tpu.wait_indirect_dma semaphore(%arg42 : memref<!tpu.dma_semaphore, #tpu.memory_space<semaphore_mem>>) src(%dma_wait3A_277 : memref<128x128xf32, #tpu.memory_space<hbm>>) dst(%dma_wait3A_274 : memref<32x128xf32, #tpu.memory_space<vmem>>)
    %dma_wait3A_278 = arith.constant 0 : i32
    %dma_wait3A_279 = arith.constant 256 : i32
    %dma_wait3A_280 = tpu.memref_slice %arg34[%dma_wait3A_278, %dma_wait3A_279] : memref<32x641xf32, #tpu.memory_space<vmem>> -> memref<32x128xf32, #tpu.memory_space<vmem>>
    %dma_wait3A_281 = arith.constant 0 : i32
    %dma_wait3A_282 = arith.constant 0 : i32
    %dma_wait3A_283 = tpu.memref_slice %arg9[%dma_wait3A_281, %dma_wait3A_282] : memref<128x128xf32, #tpu.memory_space<hbm>> -> memref<128x128xf32, #tpu.memory_space<hbm>>
    tpu.wait_indirect_dma semaphore(%arg42 : memref<!tpu.dma_semaphore, #tpu.memory_space<semaphore_mem>>) src(%dma_wait3A_283 : memref<128x128xf32, #tpu.memory_space<hbm>>) dst(%dma_wait3A_280 : memref<32x128xf32, #tpu.memory_space<vmem>>)
    %dma_wait3A_284 = arith.constant 0 : i32
    %dma_wait3A_285 = arith.constant 384 : i32
    %dma_wait3A_286 = tpu.memref_slice %arg34[%dma_wait3A_284, %dma_wait3A_285] : memref<32x641xf32, #tpu.memory_space<vmem>> -> memref<32x128xf32, #tpu.memory_space<vmem>>
    %dma_wait3A_287 = arith.constant 0 : i32
    %dma_wait3A_288 = arith.constant 0 : i32
    %dma_wait3A_289 = tpu.memref_slice %arg10[%dma_wait3A_287, %dma_wait3A_288] : memref<128x128xf32, #tpu.memory_space<hbm>> -> memref<128x128xf32, #tpu.memory_space<hbm>>
    tpu.wait_indirect_dma semaphore(%arg42 : memref<!tpu.dma_semaphore, #tpu.memory_space<semaphore_mem>>) src(%dma_wait3A_289 : memref<128x128xf32, #tpu.memory_space<hbm>>) dst(%dma_wait3A_286 : memref<32x128xf32, #tpu.memory_space<vmem>>)
    %dma_wait3A_290 = arith.constant 0 : i32
    %dma_wait3A_291 = arith.constant 512 : i32
    %dma_wait3A_292 = tpu.memref_slice %arg34[%dma_wait3A_290, %dma_wait3A_291] : memref<32x641xf32, #tpu.memory_space<vmem>> -> memref<32x128xf32, #tpu.memory_space<vmem>>
    %dma_wait3A_293 = arith.constant 0 : i32
    %dma_wait3A_294 = arith.constant 0 : i32
    %dma_wait3A_295 = tpu.memref_slice %arg11[%dma_wait3A_293, %dma_wait3A_294] : memref<128x128xf32, #tpu.memory_space<hbm>> -> memref<128x128xf32, #tpu.memory_space<hbm>>
    tpu.wait_indirect_dma semaphore(%arg42 : memref<!tpu.dma_semaphore, #tpu.memory_space<semaphore_mem>>) src(%dma_wait3A_295 : memref<128x128xf32, #tpu.memory_space<hbm>>) dst(%dma_wait3A_292 : memref<32x128xf32, #tpu.memory_space<vmem>>)
    %add3A_296 = arith.constant 128 : i32
    %add3A_297 = arith.addi %mul3A_2, %add3A_296 : i32
    %dma_start3A_298 = tpu.memref_slice %arg2[%add3A_297] : memref<204800xi32, #tpu.memory_space<hbm>> -> memref<32xi32, #tpu.memory_space<hbm>>
    %dma_start3A_299 = tpu.memref_slice %arg2[%add3A_297] : memref<204800xi32, #tpu.memory_space<hbm>> -> memref<32xi32, #tpu.memory_space<hbm>>
    tpu.enqueue_dma source(%dma_start3A_299 : memref<32xi32, #tpu.memory_space<hbm>>) target(%arg14 : memref<32xi32, #tpu.memory_space<vmem>>) target_semaphore(%arg38 : memref<!tpu.dma_semaphore, #tpu.memory_space<semaphore_mem>>)
    %add3A_300 = arith.constant 128 : i32
    %add3A_301 = arith.addi %mul3A_2, %add3A_300 : i32
    %dma_start3A_302 = tpu.memref_slice %arg3[%add3A_301] : memref<204800xi32, #tpu.memory_space<hbm>> -> memref<32xi32, #tpu.memory_space<hbm>>
    %dma_start3A_303 = tpu.memref_slice %arg3[%add3A_301] : memref<204800xi32, #tpu.memory_space<hbm>> -> memref<32xi32, #tpu.memory_space<hbm>>
    tpu.enqueue_dma source(%dma_start3A_303 : memref<32xi32, #tpu.memory_space<hbm>>) target(%arg15 : memref<32xi32, #tpu.memory_space<vmem>>) target_semaphore(%arg38 : memref<!tpu.dma_semaphore, #tpu.memory_space<semaphore_mem>>)
    %add3A_304 = arith.constant 128 : i32
    %add3A_305 = arith.addi %mul3A_2, %add3A_304 : i32
    %dma_start3A_306 = tpu.memref_slice %arg4[%add3A_305] : memref<204800xi32, #tpu.memory_space<hbm>> -> memref<32xi32, #tpu.memory_space<hbm>>
    %dma_start3A_307 = tpu.memref_slice %arg4[%add3A_305] : memref<204800xi32, #tpu.memory_space<hbm>> -> memref<32xi32, #tpu.memory_space<hbm>>
    tpu.enqueue_dma source(%dma_start3A_307 : memref<32xi32, #tpu.memory_space<hbm>>) target(%arg16 : memref<32xi32, #tpu.memory_space<vmem>>) target_semaphore(%arg38 : memref<!tpu.dma_semaphore, #tpu.memory_space<semaphore_mem>>)
    %add3A_308 = arith.constant 128 : i32
    %add3A_309 = arith.addi %mul3A_2, %add3A_308 : i32
    %dma_start3A_310 = tpu.memref_slice %arg5[%add3A_309] : memref<204800xi32, #tpu.memory_space<hbm>> -> memref<32xi32, #tpu.memory_space<hbm>>
    %dma_start3A_311 = tpu.memref_slice %arg5[%add3A_309] : memref<204800xi32, #tpu.memory_space<hbm>> -> memref<32xi32, #tpu.memory_space<hbm>>
    tpu.enqueue_dma source(%dma_start3A_311 : memref<32xi32, #tpu.memory_space<hbm>>) target(%arg17 : memref<32xi32, #tpu.memory_space<vmem>>) target_semaphore(%arg38 : memref<!tpu.dma_semaphore, #tpu.memory_space<semaphore_mem>>)
    %add3A_312 = arith.constant 128 : i32
    %add3A_313 = arith.addi %mul3A_2, %add3A_312 : i32
    %dma_start3A_314 = tpu.memref_slice %arg6[%add3A_313] : memref<204800xi32, #tpu.memory_space<hbm>> -> memref<32xi32, #tpu.memory_space<hbm>>
    %dma_start3A_315 = tpu.memref_slice %arg6[%add3A_313] : memref<204800xi32, #tpu.memory_space<hbm>> -> memref<32xi32, #tpu.memory_space<hbm>>
    tpu.enqueue_dma source(%dma_start3A_315 : memref<32xi32, #tpu.memory_space<hbm>>) target(%arg18 : memref<32xi32, #tpu.memory_space<vmem>>) target_semaphore(%arg38 : memref<!tpu.dma_semaphore, #tpu.memory_space<semaphore_mem>>)
    %add3A_316 = arith.constant 0 : i32
    %add3A_317 = arith.addi %mul3A_2, %add3A_316 : i32
    %dma_start3A_318 = arith.constant 0 : i32
    %dma_start3A_319 = arith.constant 0 : i32
    %dma_start3A_320 = tpu.memref_slice %arg34[%dma_start3A_318, %dma_start3A_319] : memref<32x641xf32, #tpu.memory_space<vmem>> -> memref<32x640xf32, #tpu.memory_space<vmem>>
    %dma_start3A_321 = arith.constant 0 : i32
    %dma_start3A_322 = tpu.memref_slice %arg12[%add3A_317, %dma_start3A_321] : memref<204800x640xf32, #tpu.memory_space<hbm>> -> memref<32x640xf32, #tpu.memory_space<hbm>>
    %dma_start3A_323 = arith.constant 0 : i32
    %dma_start3A_324 = tpu.memref_slice %arg12[%add3A_317, %dma_start3A_323] : memref<204800x640xf32, #tpu.memory_space<hbm>> -> memref<32x640xf32, #tpu.memory_space<hbm>>
    %dma_start3A_325 = arith.constant 0 : i32
    %dma_start3A_326 = arith.constant 0 : i32
    %dma_start3A_327 = tpu.memref_slice %arg34[%dma_start3A_325, %dma_start3A_326] : memref<32x641xf32, #tpu.memory_space<vmem>> -> memref<32x640xf32, #tpu.memory_space<vmem>>
    tpu.enqueue_dma source(%dma_start3A_327 : memref<32x640xf32, #tpu.memory_space<vmem>>) target(%dma_start3A_324 : memref<32x640xf32, #tpu.memory_space<hbm>>) target_semaphore(%arg46 : memref<!tpu.dma_semaphore, #tpu.memory_space<semaphore_mem>>)
    %add3A_328 = arith.constant 96 : i32
    %add3A_329 = arith.addi %mul3A_2, %add3A_328 : i32
    %dma_wait3A_330 = tpu.memref_slice %arg2[%add3A_329] : memref<204800xi32, #tpu.memory_space<hbm>> -> memref<32xi32, #tpu.memory_space<hbm>>
    %dma_wait3A_331 = tpu.memref_slice %arg2[%add3A_329] : memref<204800xi32, #tpu.memory_space<hbm>> -> memref<32xi32, #tpu.memory_space<hbm>>
    tpu.wait_dma2 semaphore(%arg41 : memref<!tpu.dma_semaphore, #tpu.memory_space<semaphore_mem>>) src(%dma_wait3A_331 : memref<32xi32, #tpu.memory_space<hbm>>) dst(%arg29 : memref<32xi32, #tpu.memory_space<vmem>>)
    %add3A_332 = arith.constant 96 : i32
    %add3A_333 = arith.addi %mul3A_2, %add3A_332 : i32
    %dma_wait3A_334 = tpu.memref_slice %arg3[%add3A_333] : memref<204800xi32, #tpu.memory_space<hbm>> -> memref<32xi32, #tpu.memory_space<hbm>>
    %dma_wait3A_335 = tpu.memref_slice %arg3[%add3A_333] : memref<204800xi32, #tpu.memory_space<hbm>> -> memref<32xi32, #tpu.memory_space<hbm>>
    tpu.wait_dma2 semaphore(%arg41 : memref<!tpu.dma_semaphore, #tpu.memory_space<semaphore_mem>>) src(%dma_wait3A_335 : memref<32xi32, #tpu.memory_space<hbm>>) dst(%arg30 : memref<32xi32, #tpu.memory_space<vmem>>)
    %add3A_336 = arith.constant 96 : i32
    %add3A_337 = arith.addi %mul3A_2, %add3A_336 : i32
    %dma_wait3A_338 = tpu.memref_slice %arg4[%add3A_337] : memref<204800xi32, #tpu.memory_space<hbm>> -> memref<32xi32, #tpu.memory_space<hbm>>
    %dma_wait3A_339 = tpu.memref_slice %arg4[%add3A_337] : memref<204800xi32, #tpu.memory_space<hbm>> -> memref<32xi32, #tpu.memory_space<hbm>>
    tpu.wait_dma2 semaphore(%arg41 : memref<!tpu.dma_semaphore, #tpu.memory_space<semaphore_mem>>) src(%dma_wait3A_339 : memref<32xi32, #tpu.memory_space<hbm>>) dst(%arg31 : memref<32xi32, #tpu.memory_space<vmem>>)
    %add3A_340 = arith.constant 96 : i32
    %add3A_341 = arith.addi %mul3A_2, %add3A_340 : i32
    %dma_wait3A_342 = tpu.memref_slice %arg5[%add3A_341] : memref<204800xi32, #tpu.memory_space<hbm>> -> memref<32xi32, #tpu.memory_space<hbm>>
    %dma_wait3A_343 = tpu.memref_slice %arg5[%add3A_341] : memref<204800xi32, #tpu.memory_space<hbm>> -> memref<32xi32, #tpu.memory_space<hbm>>
    tpu.wait_dma2 semaphore(%arg41 : memref<!tpu.dma_semaphore, #tpu.memory_space<semaphore_mem>>) src(%dma_wait3A_343 : memref<32xi32, #tpu.memory_space<hbm>>) dst(%arg32 : memref<32xi32, #tpu.memory_space<vmem>>)
    %add3A_344 = arith.constant 96 : i32
    %add3A_345 = arith.addi %mul3A_2, %add3A_344 : i32
    %dma_wait3A_346 = tpu.memref_slice %arg6[%add3A_345] : memref<204800xi32, #tpu.memory_space<hbm>> -> memref<32xi32, #tpu.memory_space<hbm>>
    %dma_wait3A_347 = tpu.memref_slice %arg6[%add3A_345] : memref<204800xi32, #tpu.memory_space<hbm>> -> memref<32xi32, #tpu.memory_space<hbm>>
    tpu.wait_dma2 semaphore(%arg41 : memref<!tpu.dma_semaphore, #tpu.memory_space<semaphore_mem>>) src(%dma_wait3A_347 : memref<32xi32, #tpu.memory_space<hbm>>) dst(%arg33 : memref<32xi32, #tpu.memory_space<vmem>>)
    %dma_start3A_348 = arith.constant 0 : i32
    %dma_start3A_349 = arith.constant 128 : i32
    %dma_start3A_350 = tpu.memref_slice %arg37[%dma_start3A_348, %dma_start3A_349] : memref<32x641xf32, #tpu.memory_space<vmem>> -> memref<32x128xf32, #tpu.memory_space<vmem>>
    %dma_start3A_351 = arith.constant 0 : i32
    %dma_start3A_352 = arith.constant 0 : i32
    %dma_start3A_353 = tpu.memref_slice %arg8[%dma_start3A_351, %dma_start3A_352] : memref<128x128xf32, #tpu.memory_space<hbm>> -> memref<128x128xf32, #tpu.memory_space<hbm>>
    tpu.enqueue_indirect_dma source(%dma_start3A_353 : memref<128x128xf32, #tpu.memory_space<hbm>>) target(%dma_start3A_350 : memref<32x128xf32, #tpu.memory_space<vmem>>) offsets(%arg30 : memref<32xi32, #tpu.memory_space<vmem>>) semaphore(%arg45 : memref<!tpu.dma_semaphore, #tpu.memory_space<semaphore_mem>>)
    %dma_start3A_354 = arith.constant 0 : i32
    %dma_start3A_355 = arith.constant 256 : i32
    %dma_start3A_356 = tpu.memref_slice %arg37[%dma_start3A_354, %dma_start3A_355] : memref<32x641xf32, #tpu.memory_space<vmem>> -> memref<32x128xf32, #tpu.memory_space<vmem>>
    %dma_start3A_357 = arith.constant 0 : i32
    %dma_start3A_358 = arith.constant 0 : i32
    %dma_start3A_359 = tpu.memref_slice %arg9[%dma_start3A_357, %dma_start3A_358] : memref<128x128xf32, #tpu.memory_space<hbm>> -> memref<128x128xf32, #tpu.memory_space<hbm>>
    tpu.enqueue_indirect_dma source(%dma_start3A_359 : memref<128x128xf32, #tpu.memory_space<hbm>>) target(%dma_start3A_356 : memref<32x128xf32, #tpu.memory_space<vmem>>) offsets(%arg31 : memref<32xi32, #tpu.memory_space<vmem>>) semaphore(%arg45 : memref<!tpu.dma_semaphore, #tpu.memory_space<semaphore_mem>>)
    %dma_start3A_360 = arith.constant 0 : i32
    %dma_start3A_361 = arith.constant 384 : i32
    %dma_start3A_362 = tpu.memref_slice %arg37[%dma_start3A_360, %dma_start3A_361] : memref<32x641xf32, #tpu.memory_space<vmem>> -> memref<32x128xf32, #tpu.memory_space<vmem>>
    %dma_start3A_363 = arith.constant 0 : i32
    %dma_start3A_364 = arith.constant 0 : i32
    %dma_start3A_365 = tpu.memref_slice %arg10[%dma_start3A_363, %dma_start3A_364] : memref<128x128xf32, #tpu.memory_space<hbm>> -> memref<128x128xf32, #tpu.memory_space<hbm>>
    tpu.enqueue_indirect_dma source(%dma_start3A_365 : memref<128x128xf32, #tpu.memory_space<hbm>>) target(%dma_start3A_362 : memref<32x128xf32, #tpu.memory_space<vmem>>) offsets(%arg32 : memref<32xi32, #tpu.memory_space<vmem>>) semaphore(%arg45 : memref<!tpu.dma_semaphore, #tpu.memory_space<semaphore_mem>>)
    %dma_start3A_366 = arith.constant 0 : i32
    %dma_start3A_367 = arith.constant 512 : i32
    %dma_start3A_368 = tpu.memref_slice %arg37[%dma_start3A_366, %dma_start3A_367] : memref<32x641xf32, #tpu.memory_space<vmem>> -> memref<32x128xf32, #tpu.memory_space<vmem>>
    %dma_start3A_369 = arith.constant 0 : i32
    %dma_start3A_370 = arith.constant 0 : i32
    %dma_start3A_371 = tpu.memref_slice %arg11[%dma_start3A_369, %dma_start3A_370] : memref<128x128xf32, #tpu.memory_space<hbm>> -> memref<128x128xf32, #tpu.memory_space<hbm>>
    tpu.enqueue_indirect_dma source(%dma_start3A_371 : memref<128x128xf32, #tpu.memory_space<hbm>>) target(%dma_start3A_368 : memref<32x128xf32, #tpu.memory_space<vmem>>) offsets(%arg33 : memref<32xi32, #tpu.memory_space<vmem>>) semaphore(%arg45 : memref<!tpu.dma_semaphore, #tpu.memory_space<semaphore_mem>>)
    %iota3A_372 = tpu.iota {dimensions = array<i32: 0>} : vector<16xi32>
    %add3A_373 = arith.constant 0 : i32
    %add3A_374 = vector.broadcast %add3A_373 : i32 to vector<16xi32>
    %add3A_375 = arith.addi %iota3A_372, %add3A_374 : vector<16xi32>
    %get3A_376 = arith.constant 0 : index
    %get3A_377 = tpu.vector_load %arg29[%get3A_376] {strides = array<i32>} : memref<32xi32, #tpu.memory_space<vmem>>, vector<16xi32>,
    %broadcast_in_dim3A_378 = arith.constant 0 : i32
    %broadcast_in_dim3A_379 = vector.broadcast %broadcast_in_dim3A_378 : i32 to vector<16xi32>
    %iota3A_380 = tpu.iota {dimensions = array<i32: 0>} : vector<16xi32>
    %add3A_381 = arith.constant 16 : i32
    %add3A_382 = vector.broadcast %add3A_381 : i32 to vector<16xi32>
    %add3A_383 = arith.addi %iota3A_380, %add3A_382 : vector<16xi32>
    %get3A_384 = arith.constant 16 : index
    %get3A_385 = tpu.vector_load %arg29[%get3A_384] {strides = array<i32>} : memref<32xi32, #tpu.memory_space<vmem>>, vector<16xi32>,
    %broadcast_in_dim3A_386 = arith.constant 0 : i32
    %broadcast_in_dim3A_387 = vector.broadcast %broadcast_in_dim3A_386 : i32 to vector<16xi32>
    %scan3A_388 = arith.constant 0 : i32
    %scan3A_389 = arith.constant 128 : i32
    %scan3A_390 = arith.addi %scan3A_388, %scan3A_389 : i32
    %scan3A_391 = arith.constant 1 : i32
    scf.for %scan3A_574 = %scan3A_388 to %scan3A_390 step %scan3A_391  : i32 {
      %mul3A_575 = arith.constant 1 : i32
      %mul3A_576 = arith.muli %scan3A_574, %mul3A_575 : i32
      %add3A_577 = arith.constant 0 : i32
      %add3A_578 = arith.addi %add3A_577, %mul3A_576 : i32
      %mul3A_579 = arith.constant 26 : i32
      %mul3A_580 = arith.muli %add3A_578, %mul3A_579 : i32
      %add3A_581 = vector.broadcast %mul3A_580 : i32 to vector<16xi32>
      %add3A_582 = arith.addi %get3A_377, %add3A_581 : vector<16xi32>
      %gather3A = tpu.vector_load_idx %arg13[%add3A_582] : memref<3328xf32, #tpu.memory_space<vmem>>[vector<16xi32>], vector<16xf32>,
      %add3A_583 = vector.broadcast %add3A_578 : i32 to vector<16xi32>
      %add3A_584 = arith.addi %broadcast_in_dim3A_379, %add3A_583 : vector<16xi32>
      tpu.vector_store_idx %arg37[%add3A_375, %add3A_584], %gather3A : memref<32x641xf32, #tpu.memory_space<vmem>>[vector<16xi32>, vector<16xi32>], vector<16xf32>,
      %mul3A_585 = arith.constant 26 : i32
      %mul3A_586 = arith.muli %add3A_578, %mul3A_585 : i32
      %add3A_587 = vector.broadcast %mul3A_586 : i32 to vector<16xi32>
      %add3A_588 = arith.addi %get3A_385, %add3A_587 : vector<16xi32>
      %gather3A_589 = tpu.vector_load_idx %arg13[%add3A_588] : memref<3328xf32, #tpu.memory_space<vmem>>[vector<16xi32>], vector<16xf32>,
      %add3A_590 = vector.broadcast %add3A_578 : i32 to vector<16xi32>
      %add3A_591 = arith.addi %broadcast_in_dim3A_387, %add3A_590 : vector<16xi32>
      tpu.vector_store_idx %arg37[%add3A_383, %add3A_591], %gather3A_589 : memref<32x641xf32, #tpu.memory_space<vmem>>[vector<16xi32>, vector<16xi32>], vector<16xf32>,
    }
    %scan3A_392 = arith.constant 128 : i32
    %dma_wait3A_393 = arith.constant 0 : i32
    %dma_wait3A_394 = arith.constant 128 : i32
    %dma_wait3A_395 = tpu.memref_slice %arg35[%dma_wait3A_393, %dma_wait3A_394] : memref<32x641xf32, #tpu.memory_space<vmem>> -> memref<32x128xf32, #tpu.memory_space<vmem>>
    %dma_wait3A_396 = arith.constant 0 : i32
    %dma_wait3A_397 = arith.constant 0 : i32
    %dma_wait3A_398 = tpu.memref_slice %arg8[%dma_wait3A_396, %dma_wait3A_397] : memref<128x128xf32, #tpu.memory_space<hbm>> -> memref<128x128xf32, #tpu.memory_space<hbm>>
    tpu.wait_indirect_dma semaphore(%arg43 : memref<!tpu.dma_semaphore, #tpu.memory_space<semaphore_mem>>) src(%dma_wait3A_398 : memref<128x128xf32, #tpu.memory_space<hbm>>) dst(%dma_wait3A_395 : memref<32x128xf32, #tpu.memory_space<vmem>>)
    %dma_wait3A_399 = arith.constant 0 : i32
    %dma_wait3A_400 = arith.constant 256 : i32
    %dma_wait3A_401 = tpu.memref_slice %arg35[%dma_wait3A_399, %dma_wait3A_400] : memref<32x641xf32, #tpu.memory_space<vmem>> -> memref<32x128xf32, #tpu.memory_space<vmem>>
    %dma_wait3A_402 = arith.constant 0 : i32
    %dma_wait3A_403 = arith.constant 0 : i32
    %dma_wait3A_404 = tpu.memref_slice %arg9[%dma_wait3A_402, %dma_wait3A_403] : memref<128x128xf32, #tpu.memory_space<hbm>> -> memref<128x128xf32, #tpu.memory_space<hbm>>
    tpu.wait_indirect_dma semaphore(%arg43 : memref<!tpu.dma_semaphore, #tpu.memory_space<semaphore_mem>>) src(%dma_wait3A_404 : memref<128x128xf32, #tpu.memory_space<hbm>>) dst(%dma_wait3A_401 : memref<32x128xf32, #tpu.memory_space<vmem>>)
    %dma_wait3A_405 = arith.constant 0 : i32
    %dma_wait3A_406 = arith.constant 384 : i32
    %dma_wait3A_407 = tpu.memref_slice %arg35[%dma_wait3A_405, %dma_wait3A_406] : memref<32x641xf32, #tpu.memory_space<vmem>> -> memref<32x128xf32, #tpu.memory_space<vmem>>
    %dma_wait3A_408 = arith.constant 0 : i32
    %dma_wait3A_409 = arith.constant 0 : i32
    %dma_wait3A_410 = tpu.memref_slice %arg10[%dma_wait3A_408, %dma_wait3A_409] : memref<128x128xf32, #tpu.memory_space<hbm>> -> memref<128x128xf32, #tpu.memory_space<hbm>>
    tpu.wait_indirect_dma semaphore(%arg43 : memref<!tpu.dma_semaphore, #tpu.memory_space<semaphore_mem>>) src(%dma_wait3A_410 : memref<128x128xf32, #tpu.memory_space<hbm>>) dst(%dma_wait3A_407 : memref<32x128xf32, #tpu.memory_space<vmem>>)
    %dma_wait3A_411 = arith.constant 0 : i32
    %dma_wait3A_412 = arith.constant 512 : i32
    %dma_wait3A_413 = tpu.memref_slice %arg35[%dma_wait3A_411, %dma_wait3A_412] : memref<32x641xf32, #tpu.memory_space<vmem>> -> memref<32x128xf32, #tpu.memory_space<vmem>>
    %dma_wait3A_414 = arith.constant 0 : i32
    %dma_wait3A_415 = arith.constant 0 : i32
    %dma_wait3A_416 = tpu.memref_slice %arg11[%dma_wait3A_414, %dma_wait3A_415] : memref<128x128xf32, #tpu.memory_space<hbm>> -> memref<128x128xf32, #tpu.memory_space<hbm>>
    tpu.wait_indirect_dma semaphore(%arg43 : memref<!tpu.dma_semaphore, #tpu.memory_space<semaphore_mem>>) src(%dma_wait3A_416 : memref<128x128xf32, #tpu.memory_space<hbm>>) dst(%dma_wait3A_413 : memref<32x128xf32, #tpu.memory_space<vmem>>)
    %add3A_417 = arith.constant 160 : i32
    %add3A_418 = arith.addi %mul3A_2, %add3A_417 : i32
    %dma_start3A_419 = tpu.memref_slice %arg2[%add3A_418] : memref<204800xi32, #tpu.memory_space<hbm>> -> memref<32xi32, #tpu.memory_space<hbm>>
    %dma_start3A_420 = tpu.memref_slice %arg2[%add3A_418] : memref<204800xi32, #tpu.memory_space<hbm>> -> memref<32xi32, #tpu.memory_space<hbm>>
    tpu.enqueue_dma source(%dma_start3A_420 : memref<32xi32, #tpu.memory_space<hbm>>) target(%arg19 : memref<32xi32, #tpu.memory_space<vmem>>) target_semaphore(%arg39 : memref<!tpu.dma_semaphore, #tpu.memory_space<semaphore_mem>>)
    %add3A_421 = arith.constant 160 : i32
    %add3A_422 = arith.addi %mul3A_2, %add3A_421 : i32
    %dma_start3A_423 = tpu.memref_slice %arg3[%add3A_422] : memref<204800xi32, #tpu.memory_space<hbm>> -> memref<32xi32, #tpu.memory_space<hbm>>
    %dma_start3A_424 = tpu.memref_slice %arg3[%add3A_422] : memref<204800xi32, #tpu.memory_space<hbm>> -> memref<32xi32, #tpu.memory_space<hbm>>
    tpu.enqueue_dma source(%dma_start3A_424 : memref<32xi32, #tpu.memory_space<hbm>>) target(%arg20 : memref<32xi32, #tpu.memory_space<vmem>>) target_semaphore(%arg39 : memref<!tpu.dma_semaphore, #tpu.memory_space<semaphore_mem>>)
    %add3A_425 = arith.constant 160 : i32
    %add3A_426 = arith.addi %mul3A_2, %add3A_425 : i32
    %dma_start3A_427 = tpu.memref_slice %arg4[%add3A_426] : memref<204800xi32, #tpu.memory_space<hbm>> -> memref<32xi32, #tpu.memory_space<hbm>>
    %dma_start3A_428 = tpu.memref_slice %arg4[%add3A_426] : memref<204800xi32, #tpu.memory_space<hbm>> -> memref<32xi32, #tpu.memory_space<hbm>>
    tpu.enqueue_dma source(%dma_start3A_428 : memref<32xi32, #tpu.memory_space<hbm>>) target(%arg21 : memref<32xi32, #tpu.memory_space<vmem>>) target_semaphore(%arg39 : memref<!tpu.dma_semaphore, #tpu.memory_space<semaphore_mem>>)
    %add3A_429 = arith.constant 160 : i32
    %add3A_430 = arith.addi %mul3A_2, %add3A_429 : i32
    %dma_start3A_431 = tpu.memref_slice %arg5[%add3A_430] : memref<204800xi32, #tpu.memory_space<hbm>> -> memref<32xi32, #tpu.memory_space<hbm>>
    %dma_start3A_432 = tpu.memref_slice %arg5[%add3A_430] : memref<204800xi32, #tpu.memory_space<hbm>> -> memref<32xi32, #tpu.memory_space<hbm>>
    tpu.enqueue_dma source(%dma_start3A_432 : memref<32xi32, #tpu.memory_space<hbm>>) target(%arg22 : memref<32xi32, #tpu.memory_space<vmem>>) target_semaphore(%arg39 : memref<!tpu.dma_semaphore, #tpu.memory_space<semaphore_mem>>)
    %add3A_433 = arith.constant 160 : i32
    %add3A_434 = arith.addi %mul3A_2, %add3A_433 : i32
    %dma_start3A_435 = tpu.memref_slice %arg6[%add3A_434] : memref<204800xi32, #tpu.memory_space<hbm>> -> memref<32xi32, #tpu.memory_space<hbm>>
    %dma_start3A_436 = tpu.memref_slice %arg6[%add3A_434] : memref<204800xi32, #tpu.memory_space<hbm>> -> memref<32xi32, #tpu.memory_space<hbm>>
    tpu.enqueue_dma source(%dma_start3A_436 : memref<32xi32, #tpu.memory_space<hbm>>) target(%arg23 : memref<32xi32, #tpu.memory_space<vmem>>) target_semaphore(%arg39 : memref<!tpu.dma_semaphore, #tpu.memory_space<semaphore_mem>>)
    %add3A_437 = arith.constant 32 : i32
    %add3A_438 = arith.addi %mul3A_2, %add3A_437 : i32
    %dma_start3A_439 = arith.constant 0 : i32
    %dma_start3A_440 = arith.constant 0 : i32
    %dma_start3A_441 = tpu.memref_slice %arg35[%dma_start3A_439, %dma_start3A_440] : memref<32x641xf32, #tpu.memory_space<vmem>> -> memref<32x640xf32, #tpu.memory_space<vmem>>
    %dma_start3A_442 = arith.constant 0 : i32
    %dma_start3A_443 = tpu.memref_slice %arg12[%add3A_438, %dma_start3A_442] : memref<204800x640xf32, #tpu.memory_space<hbm>> -> memref<32x640xf32, #tpu.memory_space<hbm>>
    %dma_start3A_444 = arith.constant 0 : i32
    %dma_start3A_445 = tpu.memref_slice %arg12[%add3A_438, %dma_start3A_444] : memref<204800x640xf32, #tpu.memory_space<hbm>> -> memref<32x640xf32, #tpu.memory_space<hbm>>
    %dma_start3A_446 = arith.constant 0 : i32
    %dma_start3A_447 = arith.constant 0 : i32
    %dma_start3A_448 = tpu.memref_slice %arg35[%dma_start3A_446, %dma_start3A_447] : memref<32x641xf32, #tpu.memory_space<vmem>> -> memref<32x640xf32, #tpu.memory_space<vmem>>
    tpu.enqueue_dma source(%dma_start3A_448 : memref<32x640xf32, #tpu.memory_space<vmem>>) target(%dma_start3A_445 : memref<32x640xf32, #tpu.memory_space<hbm>>) target_semaphore(%arg47 : memref<!tpu.dma_semaphore, #tpu.memory_space<semaphore_mem>>)
    %scan3A_449 = arith.constant 0 : i32
    %scan3A_450 = arith.constant 49 : i32
    %scan3A_451 = arith.addi %scan3A_449, %scan3A_450 : i32
    %scan3A_452 = arith.constant 1 : i32
    scf.for %scan3A_574 = %scan3A_449 to %scan3A_451 step %scan3A_452  : i32 {
      %mul3A_575 = arith.constant 1 : i32
      %mul3A_576 = arith.muli %scan3A_574, %mul3A_575 : i32
      %add3A_577 = arith.constant 1 : i32
      %add3A_578 = arith.addi %add3A_577, %mul3A_576 : i32
      %mul3A_579 = arith.constant 4 : i32
      %mul3A_580 = arith.muli %add3A_578, %mul3A_579 : i32
      %add3A_581 = arith.constant 0 : i32
      %add3A_582 = arith.addi %mul3A_580, %add3A_581 : i32
      %mul3A_583 = arith.constant 32 : i32
      %mul3A_584 = arith.muli %add3A_582, %mul3A_583 : i32
      %add3A_585 = arith.addi %mul3A_2, %mul3A_584 : i32
      %dma_wait3A_586 = tpu.memref_slice %arg2[%add3A_585] : memref<204800xi32, #tpu.memory_space<hbm>> -> memref<32xi32, #tpu.memory_space<hbm>>
      %dma_wait3A_587 = tpu.memref_slice %arg2[%add3A_585] : memref<204800xi32, #tpu.memory_space<hbm>> -> memref<32xi32, #tpu.memory_space<hbm>>
      tpu.wait_dma2 semaphore(%arg38 : memref<!tpu.dma_semaphore, #tpu.memory_space<semaphore_mem>>) src(%dma_wait3A_587 : memref<32xi32, #tpu.memory_space<hbm>>) dst(%arg14 : memref<32xi32, #tpu.memory_space<vmem>>)
      %mul3A_588 = arith.constant 32 : i32
      %mul3A_589 = arith.muli %add3A_582, %mul3A_588 : i32
      %add3A_590 = arith.addi %mul3A_2, %mul3A_589 : i32
      %dma_wait3A_591 = tpu.memref_slice %arg3[%add3A_590] : memref<204800xi32, #tpu.memory_space<hbm>> -> memref<32xi32, #tpu.memory_space<hbm>>
      %dma_wait3A_592 = tpu.memref_slice %arg3[%add3A_590] : memref<204800xi32, #tpu.memory_space<hbm>> -> memref<32xi32, #tpu.memory_space<hbm>>
      tpu.wait_dma2 semaphore(%arg38 : memref<!tpu.dma_semaphore, #tpu.memory_space<semaphore_mem>>) src(%dma_wait3A_592 : memref<32xi32, #tpu.memory_space<hbm>>) dst(%arg15 : memref<32xi32, #tpu.memory_space<vmem>>)
      %mul3A_593 = arith.constant 32 : i32
      %mul3A_594 = arith.muli %add3A_582, %mul3A_593 : i32
      %add3A_595 = arith.addi %mul3A_2, %mul3A_594 : i32
      %dma_wait3A_596 = tpu.memref_slice %arg4[%add3A_595] : memref<204800xi32, #tpu.memory_space<hbm>> -> memref<32xi32, #tpu.memory_space<hbm>>
      %dma_wait3A_597 = tpu.memref_slice %arg4[%add3A_595] : memref<204800xi32, #tpu.memory_space<hbm>> -> memref<32xi32, #tpu.memory_space<hbm>>
      tpu.wait_dma2 semaphore(%arg38 : memref<!tpu.dma_semaphore, #tpu.memory_space<semaphore_mem>>) src(%dma_wait3A_597 : memref<32xi32, #tpu.memory_space<hbm>>) dst(%arg16 : memref<32xi32, #tpu.memory_space<vmem>>)
      %mul3A_598 = arith.constant 32 : i32
      %mul3A_599 = arith.muli %add3A_582, %mul3A_598 : i32
      %add3A_600 = arith.addi %mul3A_2, %mul3A_599 : i32
      %dma_wait3A_601 = tpu.memref_slice %arg5[%add3A_600] : memref<204800xi32, #tpu.memory_space<hbm>> -> memref<32xi32, #tpu.memory_space<hbm>>
      %dma_wait3A_602 = tpu.memref_slice %arg5[%add3A_600] : memref<204800xi32, #tpu.memory_space<hbm>> -> memref<32xi32, #tpu.memory_space<hbm>>
      tpu.wait_dma2 semaphore(%arg38 : memref<!tpu.dma_semaphore, #tpu.memory_space<semaphore_mem>>) src(%dma_wait3A_602 : memref<32xi32, #tpu.memory_space<hbm>>) dst(%arg17 : memref<32xi32, #tpu.memory_space<vmem>>)
      %mul3A_603 = arith.constant 32 : i32
      %mul3A_604 = arith.muli %add3A_582, %mul3A_603 : i32
      %add3A_605 = arith.addi %mul3A_2, %mul3A_604 : i32
      %dma_wait3A_606 = tpu.memref_slice %arg6[%add3A_605] : memref<204800xi32, #tpu.memory_space<hbm>> -> memref<32xi32, #tpu.memory_space<hbm>>
      %dma_wait3A_607 = tpu.memref_slice %arg6[%add3A_605] : memref<204800xi32, #tpu.memory_space<hbm>> -> memref<32xi32, #tpu.memory_space<hbm>>
      tpu.wait_dma2 semaphore(%arg38 : memref<!tpu.dma_semaphore, #tpu.memory_space<semaphore_mem>>) src(%dma_wait3A_607 : memref<32xi32, #tpu.memory_space<hbm>>) dst(%arg18 : memref<32xi32, #tpu.memory_space<vmem>>)
      %sub3A = arith.constant 4 : i32
      %sub3A_608 = arith.subi %add3A_582, %sub3A : i32
      %mul3A_609 = arith.constant 32 : i32
      %mul3A_610 = arith.muli %sub3A_608, %mul3A_609 : i32
      %add3A_611 = arith.addi %mul3A_2, %mul3A_610 : i32
      %dma_wait3A_612 = arith.constant 0 : i32
      %dma_wait3A_613 = arith.constant 0 : i32
      %dma_wait3A_614 = tpu.memref_slice %arg34[%dma_wait3A_612, %dma_wait3A_613] : memref<32x641xf32, #tpu.memory_space<vmem>> -> memref<32x640xf32, #tpu.memory_space<vmem>>
      %dma_wait3A_615 = arith.constant 0 : i32
      %dma_wait3A_616 = tpu.memref_slice %arg12[%add3A_611, %dma_wait3A_615] : memref<204800x640xf32, #tpu.memory_space<hbm>> -> memref<32x640xf32, #tpu.memory_space<hbm>>
      %dma_wait3A_617 = arith.constant 0 : i32
      %dma_wait3A_618 = tpu.memref_slice %arg12[%add3A_611, %dma_wait3A_617] : memref<204800x640xf32, #tpu.memory_space<hbm>> -> memref<32x640xf32, #tpu.memory_space<hbm>>
      %dma_wait3A_619 = arith.constant 0 : i32
      %dma_wait3A_620 = arith.constant 0 : i32
      %dma_wait3A_621 = tpu.memref_slice %arg34[%dma_wait3A_619, %dma_wait3A_620] : memref<32x641xf32, #tpu.memory_space<vmem>> -> memref<32x640xf32, #tpu.memory_space<vmem>>
      tpu.wait_dma2 semaphore(%arg46 : memref<!tpu.dma_semaphore, #tpu.memory_space<semaphore_mem>>) src(%dma_wait3A_621 : memref<32x640xf32, #tpu.memory_space<vmem>>) dst(%dma_wait3A_618 : memref<32x640xf32, #tpu.memory_space<hbm>>)
      %dma_start3A_622 = arith.constant 0 : i32
      %dma_start3A_623 = arith.constant 128 : i32
      %dma_start3A_624 = tpu.memref_slice %arg34[%dma_start3A_622, %dma_start3A_623] : memref<32x641xf32, #tpu.memory_space<vmem>> -> memref<32x128xf32, #tpu.memory_space<vmem>>
      %dma_start3A_625 = arith.constant 0 : i32
      %dma_start3A_626 = arith.constant 0 : i32
      %dma_start3A_627 = tpu.memref_slice %arg8[%dma_start3A_625, %dma_start3A_626] : memref<128x128xf32, #tpu.memory_space<hbm>> -> memref<128x128xf32, #tpu.memory_space<hbm>>
      tpu.enqueue_indirect_dma source(%dma_start3A_627 : memref<128x128xf32, #tpu.memory_space<hbm>>) target(%dma_start3A_624 : memref<32x128xf32, #tpu.memory_space<vmem>>) offsets(%arg15 : memref<32xi32, #tpu.memory_space<vmem>>) semaphore(%arg42 : memref<!tpu.dma_semaphore, #tpu.memory_space<semaphore_mem>>)
      %dma_start3A_628 = arith.constant 0 : i32
      %dma_start3A_629 = arith.constant 256 : i32
      %dma_start3A_630 = tpu.memref_slice %arg34[%dma_start3A_628, %dma_start3A_629] : memref<32x641xf32, #tpu.memory_space<vmem>> -> memref<32x128xf32, #tpu.memory_space<vmem>>
      %dma_start3A_631 = arith.constant 0 : i32
      %dma_start3A_632 = arith.constant 0 : i32
      %dma_start3A_633 = tpu.memref_slice %arg9[%dma_start3A_631, %dma_start3A_632] : memref<128x128xf32, #tpu.memory_space<hbm>> -> memref<128x128xf32, #tpu.memory_space<hbm>>
      tpu.enqueue_indirect_dma source(%dma_start3A_633 : memref<128x128xf32, #tpu.memory_space<hbm>>) target(%dma_start3A_630 : memref<32x128xf32, #tpu.memory_space<vmem>>) offsets(%arg16 : memref<32xi32, #tpu.memory_space<vmem>>) semaphore(%arg42 : memref<!tpu.dma_semaphore, #tpu.memory_space<semaphore_mem>>)
      %dma_start3A_634 = arith.constant 0 : i32
      %dma_start3A_635 = arith.constant 384 : i32
      %dma_start3A_636 = tpu.memref_slice %arg34[%dma_start3A_634, %dma_start3A_635] : memref<32x641xf32, #tpu.memory_space<vmem>> -> memref<32x128xf32, #tpu.memory_space<vmem>>
      %dma_start3A_637 = arith.constant 0 : i32
      %dma_start3A_638 = arith.constant 0 : i32
      %dma_start3A_639 = tpu.memref_slice %arg10[%dma_start3A_637, %dma_start3A_638] : memref<128x128xf32, #tpu.memory_space<hbm>> -> memref<128x128xf32, #tpu.memory_space<hbm>>
      tpu.enqueue_indirect_dma source(%dma_start3A_639 : memref<128x128xf32, #tpu.memory_space<hbm>>) target(%dma_start3A_636 : memref<32x128xf32, #tpu.memory_space<vmem>>) offsets(%arg17 : memref<32xi32, #tpu.memory_space<vmem>>) semaphore(%arg42 : memref<!tpu.dma_semaphore, #tpu.memory_space<semaphore_mem>>)
      %dma_start3A_640 = arith.constant 0 : i32
      %dma_start3A_641 = arith.constant 512 : i32
      %dma_start3A_642 = tpu.memref_slice %arg34[%dma_start3A_640, %dma_start3A_641] : memref<32x641xf32, #tpu.memory_space<vmem>> -> memref<32x128xf32, #tpu.memory_space<vmem>>
      %dma_start3A_643 = arith.constant 0 : i32
      %dma_start3A_644 = arith.constant 0 : i32
      %dma_start3A_645 = tpu.memref_slice %arg11[%dma_start3A_643, %dma_start3A_644] : memref<128x128xf32, #tpu.memory_space<hbm>> -> memref<128x128xf32, #tpu.memory_space<hbm>>
      tpu.enqueue_indirect_dma source(%dma_start3A_645 : memref<128x128xf32, #tpu.memory_space<hbm>>) target(%dma_start3A_642 : memref<32x128xf32, #tpu.memory_space<vmem>>) offsets(%arg18 : memref<32xi32, #tpu.memory_space<vmem>>) semaphore(%arg42 : memref<!tpu.dma_semaphore, #tpu.memory_space<semaphore_mem>>)
      %iota3A_646 = tpu.iota {dimensions = array<i32: 0>} : vector<16xi32>
      %add3A_647 = arith.constant 0 : i32
      %add3A_648 = vector.broadcast %add3A_647 : i32 to vector<16xi32>
      %add3A_649 = arith.addi %iota3A_646, %add3A_648 : vector<16xi32>
      %get3A_650 = arith.constant 0 : index
      %get3A_651 = tpu.vector_load %arg14[%get3A_650] {strides = array<i32>} : memref<32xi32, #tpu.memory_space<vmem>>, vector<16xi32>,
      %broadcast_in_dim3A_652 = arith.constant 0 : i32
      %broadcast_in_dim3A_653 = vector.broadcast %broadcast_in_dim3A_652 : i32 to vector<16xi32>
      %iota3A_654 = tpu.iota {dimensions = array<i32: 0>} : vector<16xi32>
      %add3A_655 = arith.constant 16 : i32
      %add3A_656 = vector.broadcast %add3A_655 : i32 to vector<16xi32>
      %add3A_657 = arith.addi %iota3A_654, %add3A_656 : vector<16xi32>
      %get3A_658 = arith.constant 16 : index
      %get3A_659 = tpu.vector_load %arg14[%get3A_658] {strides = array<i32>} : memref<32xi32, #tpu.memory_space<vmem>>, vector<16xi32>,
      %broadcast_in_dim3A_660 = arith.constant 0 : i32
      %broadcast_in_dim3A_661 = vector.broadcast %broadcast_in_dim3A_660 : i32 to vector<16xi32>
      %scan3A_662 = arith.constant 0 : i32
      %scan3A_663 = arith.constant 128 : i32
      %scan3A_664 = arith.addi %scan3A_662, %scan3A_663 : i32
      %scan3A_665 = arith.constant 1 : i32
      scf.for %scan3A_1117 = %scan3A_662 to %scan3A_664 step %scan3A_665  : i32 {
        %mul3A_1118 = arith.constant 1 : i32
        %mul3A_1119 = arith.muli %scan3A_1117, %mul3A_1118 : i32
        %add3A_1120 = arith.constant 0 : i32
        %add3A_1121 = arith.addi %add3A_1120, %mul3A_1119 : i32
        %mul3A_1122 = arith.constant 26 : i32
        %mul3A_1123 = arith.muli %add3A_1121, %mul3A_1122 : i32
        %add3A_1124 = vector.broadcast %mul3A_1123 : i32 to vector<16xi32>
        %add3A_1125 = arith.addi %get3A_651, %add3A_1124 : vector<16xi32>
        %gather3A = tpu.vector_load_idx %arg13[%add3A_1125] : memref<3328xf32, #tpu.memory_space<vmem>>[vector<16xi32>], vector<16xf32>,
        %add3A_1126 = vector.broadcast %add3A_1121 : i32 to vector<16xi32>
        %add3A_1127 = arith.addi %broadcast_in_dim3A_653, %add3A_1126 : vector<16xi32>
        tpu.vector_store_idx %arg34[%add3A_649, %add3A_1127], %gather3A : memref<32x641xf32, #tpu.memory_space<vmem>>[vector<16xi32>, vector<16xi32>], vector<16xf32>,
        %mul3A_1128 = arith.constant 26 : i32
        %mul3A_1129 = arith.muli %add3A_1121, %mul3A_1128 : i32
        %add3A_1130 = vector.broadcast %mul3A_1129 : i32 to vector<16xi32>
        %add3A_1131 = arith.addi %get3A_659, %add3A_1130 : vector<16xi32>
        %gather3A_1132 = tpu.vector_load_idx %arg13[%add3A_1131] : memref<3328xf32, #tpu.memory_space<vmem>>[vector<16xi32>], vector<16xf32>,
        %add3A_1133 = vector.broadcast %add3A_1121 : i32 to vector<16xi32>
        %add3A_1134 = arith.addi %broadcast_in_dim3A_661, %add3A_1133 : vector<16xi32>
        tpu.vector_store_idx %arg34[%add3A_657, %add3A_1134], %gather3A_1132 : memref<32x641xf32, #tpu.memory_space<vmem>>[vector<16xi32>, vector<16xi32>], vector<16xf32>,
      }
      %scan3A_666 = arith.constant 128 : i32
      %sub3A_667 = arith.constant 2 : i32
      %sub3A_668 = arith.subi %add3A_582, %sub3A_667 : i32
      %dma_wait3A_669 = arith.constant 0 : i32
      %dma_wait3A_670 = arith.constant 128 : i32
      %dma_wait3A_671 = tpu.memref_slice %arg36[%dma_wait3A_669, %dma_wait3A_670] : memref<32x641xf32, #tpu.memory_space<vmem>> -> memref<32x128xf32, #tpu.memory_space<vmem>>
      %dma_wait3A_672 = arith.constant 0 : i32
      %dma_wait3A_673 = arith.constant 0 : i32
      %dma_wait3A_674 = tpu.memref_slice %arg8[%dma_wait3A_672, %dma_wait3A_673] : memref<128x128xf32, #tpu.memory_space<hbm>> -> memref<128x128xf32, #tpu.memory_space<hbm>>
      tpu.wait_indirect_dma semaphore(%arg44 : memref<!tpu.dma_semaphore, #tpu.memory_space<semaphore_mem>>) src(%dma_wait3A_674 : memref<128x128xf32, #tpu.memory_space<hbm>>) dst(%dma_wait3A_671 : memref<32x128xf32, #tpu.memory_space<vmem>>)
      %dma_wait3A_675 = arith.constant 0 : i32
      %dma_wait3A_676 = arith.constant 256 : i32
      %dma_wait3A_677 = tpu.memref_slice %arg36[%dma_wait3A_675, %dma_wait3A_676] : memref<32x641xf32, #tpu.memory_space<vmem>> -> memref<32x128xf32, #tpu.memory_space<vmem>>
      %dma_wait3A_678 = arith.constant 0 : i32
      %dma_wait3A_679 = arith.constant 0 : i32
      %dma_wait3A_680 = tpu.memref_slice %arg9[%dma_wait3A_678, %dma_wait3A_679] : memref<128x128xf32, #tpu.memory_space<hbm>> -> memref<128x128xf32, #tpu.memory_space<hbm>>
      tpu.wait_indirect_dma semaphore(%arg44 : memref<!tpu.dma_semaphore, #tpu.memory_space<semaphore_mem>>) src(%dma_wait3A_680 : memref<128x128xf32, #tpu.memory_space<hbm>>) dst(%dma_wait3A_677 : memref<32x128xf32, #tpu.memory_space<vmem>>)
      %dma_wait3A_681 = arith.constant 0 : i32
      %dma_wait3A_682 = arith.constant 384 : i32
      %dma_wait3A_683 = tpu.memref_slice %arg36[%dma_wait3A_681, %dma_wait3A_682] : memref<32x641xf32, #tpu.memory_space<vmem>> -> memref<32x128xf32, #tpu.memory_space<vmem>>
      %dma_wait3A_684 = arith.constant 0 : i32
      %dma_wait3A_685 = arith.constant 0 : i32
      %dma_wait3A_686 = tpu.memref_slice %arg10[%dma_wait3A_684, %dma_wait3A_685] : memref<128x128xf32, #tpu.memory_space<hbm>> -> memref<128x128xf32, #tpu.memory_space<hbm>>
      tpu.wait_indirect_dma semaphore(%arg44 : memref<!tpu.dma_semaphore, #tpu.memory_space<semaphore_mem>>) src(%dma_wait3A_686 : memref<128x128xf32, #tpu.memory_space<hbm>>) dst(%dma_wait3A_683 : memref<32x128xf32, #tpu.memory_space<vmem>>)
      %dma_wait3A_687 = arith.constant 0 : i32
      %dma_wait3A_688 = arith.constant 512 : i32
      %dma_wait3A_689 = tpu.memref_slice %arg36[%dma_wait3A_687, %dma_wait3A_688] : memref<32x641xf32, #tpu.memory_space<vmem>> -> memref<32x128xf32, #tpu.memory_space<vmem>>
      %dma_wait3A_690 = arith.constant 0 : i32
      %dma_wait3A_691 = arith.constant 0 : i32
      %dma_wait3A_692 = tpu.memref_slice %arg11[%dma_wait3A_690, %dma_wait3A_691] : memref<128x128xf32, #tpu.memory_space<hbm>> -> memref<128x128xf32, #tpu.memory_space<hbm>>
      tpu.wait_indirect_dma semaphore(%arg44 : memref<!tpu.dma_semaphore, #tpu.memory_space<semaphore_mem>>) src(%dma_wait3A_692 : memref<128x128xf32, #tpu.memory_space<hbm>>) dst(%dma_wait3A_689 : memref<32x128xf32, #tpu.memory_space<vmem>>)
      %add3A_693 = arith.constant 2 : i32
      %add3A_694 = arith.addi %add3A_582, %add3A_693 : i32
      %lt3A = arith.constant 200 : i32
      %lt3A_695 = arith.cmpi slt, %add3A_694, %lt3A : i32
      %convert_element_type3A = arith.extui %lt3A_695 : i1 to i32
      %cond3A = arith.constant 0 : i32
      %cond3A_696 = arith.cmpi ne, %convert_element_type3A, %cond3A : i32
      scf.if %cond3A_696 {
        %add3A_1117 = arith.constant 2 : i32
        %add3A_1118 = arith.addi %add3A_582, %add3A_1117 : i32
        %mul3A_1119 = arith.constant 32 : i32
        %mul3A_1120 = arith.muli %add3A_1118, %mul3A_1119 : i32
        %add3A_1121 = arith.addi %mul3A_2, %mul3A_1120 : i32
        %dma_start3A_1122 = tpu.memref_slice %arg2[%add3A_1121] : memref<204800xi32, #tpu.memory_space<hbm>> -> memref<32xi32, #tpu.memory_space<hbm>>
        %dma_start3A_1123 = tpu.memref_slice %arg2[%add3A_1121] : memref<204800xi32, #tpu.memory_space<hbm>> -> memref<32xi32, #tpu.memory_space<hbm>>
        tpu.enqueue_dma source(%dma_start3A_1123 : memref<32xi32, #tpu.memory_space<hbm>>) target(%arg24 : memref<32xi32, #tpu.memory_space<vmem>>) target_semaphore(%arg40 : memref<!tpu.dma_semaphore, #tpu.memory_space<semaphore_mem>>)
        %mul3A_1124 = arith.constant 32 : i32
        %mul3A_1125 = arith.muli %add3A_1118, %mul3A_1124 : i32
        %add3A_1126 = arith.addi %mul3A_2, %mul3A_1125 : i32
        %dma_start3A_1127 = tpu.memref_slice %arg3[%add3A_1126] : memref<204800xi32, #tpu.memory_space<hbm>> -> memref<32xi32, #tpu.memory_space<hbm>>
        %dma_start3A_1128 = tpu.memref_slice %arg3[%add3A_1126] : memref<204800xi32, #tpu.memory_space<hbm>> -> memref<32xi32, #tpu.memory_space<hbm>>
        tpu.enqueue_dma source(%dma_start3A_1128 : memref<32xi32, #tpu.memory_space<hbm>>) target(%arg25 : memref<32xi32, #tpu.memory_space<vmem>>) target_semaphore(%arg40 : memref<!tpu.dma_semaphore, #tpu.memory_space<semaphore_mem>>)
        %mul3A_1129 = arith.constant 32 : i32
        %mul3A_1130 = arith.muli %add3A_1118, %mul3A_1129 : i32
        %add3A_1131 = arith.addi %mul3A_2, %mul3A_1130 : i32
        %dma_start3A_1132 = tpu.memref_slice %arg4[%add3A_1131] : memref<204800xi32, #tpu.memory_space<hbm>> -> memref<32xi32, #tpu.memory_space<hbm>>
        %dma_start3A_1133 = tpu.memref_slice %arg4[%add3A_1131] : memref<204800xi32, #tpu.memory_space<hbm>> -> memref<32xi32, #tpu.memory_space<hbm>>
        tpu.enqueue_dma source(%dma_start3A_1133 : memref<32xi32, #tpu.memory_space<hbm>>) target(%arg26 : memref<32xi32, #tpu.memory_space<vmem>>) target_semaphore(%arg40 : memref<!tpu.dma_semaphore, #tpu.memory_space<semaphore_mem>>)
        %mul3A_1134 = arith.constant 32 : i32
        %mul3A_1135 = arith.muli %add3A_1118, %mul3A_1134 : i32
        %add3A_1136 = arith.addi %mul3A_2, %mul3A_1135 : i32
        %dma_start3A_1137 = tpu.memref_slice %arg5[%add3A_1136] : memref<204800xi32, #tpu.memory_space<hbm>> -> memref<32xi32, #tpu.memory_space<hbm>>
        %dma_start3A_1138 = tpu.memref_slice %arg5[%add3A_1136] : memref<204800xi32, #tpu.memory_space<hbm>> -> memref<32xi32, #tpu.memory_space<hbm>>
        tpu.enqueue_dma source(%dma_start3A_1138 : memref<32xi32, #tpu.memory_space<hbm>>) target(%arg27 : memref<32xi32, #tpu.memory_space<vmem>>) target_semaphore(%arg40 : memref<!tpu.dma_semaphore, #tpu.memory_space<semaphore_mem>>)
        %mul3A_1139 = arith.constant 32 : i32
        %mul3A_1140 = arith.muli %add3A_1118, %mul3A_1139 : i32
        %add3A_1141 = arith.addi %mul3A_2, %mul3A_1140 : i32
        %dma_start3A_1142 = tpu.memref_slice %arg6[%add3A_1141] : memref<204800xi32, #tpu.memory_space<hbm>> -> memref<32xi32, #tpu.memory_space<hbm>>
        %dma_start3A_1143 = tpu.memref_slice %arg6[%add3A_1141] : memref<204800xi32, #tpu.memory_space<hbm>> -> memref<32xi32, #tpu.memory_space<hbm>>
        tpu.enqueue_dma source(%dma_start3A_1143 : memref<32xi32, #tpu.memory_space<hbm>>) target(%arg28 : memref<32xi32, #tpu.memory_space<vmem>>) target_semaphore(%arg40 : memref<!tpu.dma_semaphore, #tpu.memory_space<semaphore_mem>>)
      } else {
      }
      %sub3A_697 = arith.constant 2 : i32
      %sub3A_698 = arith.subi %add3A_582, %sub3A_697 : i32
      %mul3A_699 = arith.constant 32 : i32
      %mul3A_700 = arith.muli %sub3A_698, %mul3A_699 : i32
      %add3A_701 = arith.addi %mul3A_2, %mul3A_700 : i32
      %dma_start3A_702 = arith.constant 0 : i32
      %dma_start3A_703 = arith.constant 0 : i32
      %dma_start3A_704 = tpu.memref_slice %arg36[%dma_start3A_702, %dma_start3A_703] : memref<32x641xf32, #tpu.memory_space<vmem>> -> memref<32x640xf32, #tpu.memory_space<vmem>>
      %dma_start3A_705 = arith.constant 0 : i32
      %dma_start3A_706 = tpu.memref_slice %arg12[%add3A_701, %dma_start3A_705] : memref<204800x640xf32, #tpu.memory_space<hbm>> -> memref<32x640xf32, #tpu.memory_space<hbm>>
      %dma_start3A_707 = arith.constant 0 : i32
      %dma_start3A_708 = tpu.memref_slice %arg12[%add3A_701, %dma_start3A_707] : memref<204800x640xf32, #tpu.memory_space<hbm>> -> memref<32x640xf32, #tpu.memory_space<hbm>>
      %dma_start3A_709 = arith.constant 0 : i32
      %dma_start3A_710 = arith.constant 0 : i32
      %dma_start3A_711 = tpu.memref_slice %arg36[%dma_start3A_709, %dma_start3A_710] : memref<32x641xf32, #tpu.memory_space<vmem>> -> memref<32x640xf32, #tpu.memory_space<vmem>>
      tpu.enqueue_dma source(%dma_start3A_711 : memref<32x640xf32, #tpu.memory_space<vmem>>) target(%dma_start3A_708 : memref<32x640xf32, #tpu.memory_space<hbm>>) target_semaphore(%arg48 : memref<!tpu.dma_semaphore, #tpu.memory_space<semaphore_mem>>)
      %add3A_712 = arith.constant 1 : i32
      %add3A_713 = arith.addi %mul3A_580, %add3A_712 : i32
      %mul3A_714 = arith.constant 32 : i32
      %mul3A_715 = arith.muli %add3A_713, %mul3A_714 : i32
      %add3A_716 = arith.addi %mul3A_2, %mul3A_715 : i32
      %dma_wait3A_717 = tpu.memref_slice %arg2[%add3A_716] : memref<204800xi32, #tpu.memory_space<hbm>> -> memref<32xi32, #tpu.memory_space<hbm>>
      %dma_wait3A_718 = tpu.memref_slice %arg2[%add3A_716] : memref<204800xi32, #tpu.memory_space<hbm>> -> memref<32xi32, #tpu.memory_space<hbm>>
      tpu.wait_dma2 semaphore(%arg39 : memref<!tpu.dma_semaphore, #tpu.memory_space<semaphore_mem>>) src(%dma_wait3A_718 : memref<32xi32, #tpu.memory_space<hbm>>) dst(%arg19 : memref<32xi32, #tpu.memory_space<vmem>>)
      %mul3A_719 = arith.constant 32 : i32
      %mul3A_720 = arith.muli %add3A_713, %mul3A_719 : i32
      %add3A_721 = arith.addi %mul3A_2, %mul3A_720 : i32
      %dma_wait3A_722 = tpu.memref_slice %arg3[%add3A_721] : memref<204800xi32, #tpu.memory_space<hbm>> -> memref<32xi32, #tpu.memory_space<hbm>>
      %dma_wait3A_723 = tpu.memref_slice %arg3[%add3A_721] : memref<204800xi32, #tpu.memory_space<hbm>> -> memref<32xi32, #tpu.memory_space<hbm>>
      tpu.wait_dma2 semaphore(%arg39 : memref<!tpu.dma_semaphore, #tpu.memory_space<semaphore_mem>>) src(%dma_wait3A_723 : memref<32xi32, #tpu.memory_space<hbm>>) dst(%arg20 : memref<32xi32, #tpu.memory_space<vmem>>)
      %mul3A_724 = arith.constant 32 : i32
      %mul3A_725 = arith.muli %add3A_713, %mul3A_724 : i32
      %add3A_726 = arith.addi %mul3A_2, %mul3A_725 : i32
      %dma_wait3A_727 = tpu.memref_slice %arg4[%add3A_726] : memref<204800xi32, #tpu.memory_space<hbm>> -> memref<32xi32, #tpu.memory_space<hbm>>
      %dma_wait3A_728 = tpu.memref_slice %arg4[%add3A_726] : memref<204800xi32, #tpu.memory_space<hbm>> -> memref<32xi32, #tpu.memory_space<hbm>>
      tpu.wait_dma2 semaphore(%arg39 : memref<!tpu.dma_semaphore, #tpu.memory_space<semaphore_mem>>) src(%dma_wait3A_728 : memref<32xi32, #tpu.memory_space<hbm>>) dst(%arg21 : memref<32xi32, #tpu.memory_space<vmem>>)
      %mul3A_729 = arith.constant 32 : i32
      %mul3A_730 = arith.muli %add3A_713, %mul3A_729 : i32
      %add3A_731 = arith.addi %mul3A_2, %mul3A_730 : i32
      %dma_wait3A_732 = tpu.memref_slice %arg5[%add3A_731] : memref<204800xi32, #tpu.memory_space<hbm>> -> memref<32xi32, #tpu.memory_space<hbm>>
      %dma_wait3A_733 = tpu.memref_slice %arg5[%add3A_731] : memref<204800xi32, #tpu.memory_space<hbm>> -> memref<32xi32, #tpu.memory_space<hbm>>
      tpu.wait_dma2 semaphore(%arg39 : memref<!tpu.dma_semaphore, #tpu.memory_space<semaphore_mem>>) src(%dma_wait3A_733 : memref<32xi32, #tpu.memory_space<hbm>>) dst(%arg22 : memref<32xi32, #tpu.memory_space<vmem>>)
      %mul3A_734 = arith.constant 32 : i32
      %mul3A_735 = arith.muli %add3A_713, %mul3A_734 : i32
      %add3A_736 = arith.addi %mul3A_2, %mul3A_735 : i32
      %dma_wait3A_737 = tpu.memref_slice %arg6[%add3A_736] : memref<204800xi32, #tpu.memory_space<hbm>> -> memref<32xi32, #tpu.memory_space<hbm>>
      %dma_wait3A_738 = tpu.memref_slice %arg6[%add3A_736] : memref<204800xi32, #tpu.memory_space<hbm>> -> memref<32xi32, #tpu.memory_space<hbm>>
      tpu.wait_dma2 semaphore(%arg39 : memref<!tpu.dma_semaphore, #tpu.memory_space<semaphore_mem>>) src(%dma_wait3A_738 : memref<32xi32, #tpu.memory_space<hbm>>) dst(%arg23 : memref<32xi32, #tpu.memory_space<vmem>>)
      %sub3A_739 = arith.constant 4 : i32
      %sub3A_740 = arith.subi %add3A_713, %sub3A_739 : i32
      %mul3A_741 = arith.constant 32 : i32
      %mul3A_742 = arith.muli %sub3A_740, %mul3A_741 : i32
      %add3A_743 = arith.addi %mul3A_2, %mul3A_742 : i32
      %dma_wait3A_744 = arith.constant 0 : i32
      %dma_wait3A_745 = arith.constant 0 : i32
      %dma_wait3A_746 = tpu.memref_slice %arg35[%dma_wait3A_744, %dma_wait3A_745] : memref<32x641xf32, #tpu.memory_space<vmem>> -> memref<32x640xf32, #tpu.memory_space<vmem>>
      %dma_wait3A_747 = arith.constant 0 : i32
      %dma_wait3A_748 = tpu.memref_slice %arg12[%add3A_743, %dma_wait3A_747] : memref<204800x640xf32, #tpu.memory_space<hbm>> -> memref<32x640xf32, #tpu.memory_space<hbm>>
      %dma_wait3A_749 = arith.constant 0 : i32
      %dma_wait3A_750 = tpu.memref_slice %arg12[%add3A_743, %dma_wait3A_749] : memref<204800x640xf32, #tpu.memory_space<hbm>> -> memref<32x640xf32, #tpu.memory_space<hbm>>
      %dma_wait3A_751 = arith.constant 0 : i32
      %dma_wait3A_752 = arith.constant 0 : i32
      %dma_wait3A_753 = tpu.memref_slice %arg35[%dma_wait3A_751, %dma_wait3A_752] : memref<32x641xf32, #tpu.memory_space<vmem>> -> memref<32x640xf32, #tpu.memory_space<vmem>>
      tpu.wait_dma2 semaphore(%arg47 : memref<!tpu.dma_semaphore, #tpu.memory_space<semaphore_mem>>) src(%dma_wait3A_753 : memref<32x640xf32, #tpu.memory_space<vmem>>) dst(%dma_wait3A_750 : memref<32x640xf32, #tpu.memory_space<hbm>>)
      %dma_start3A_754 = arith.constant 0 : i32
      %dma_start3A_755 = arith.constant 128 : i32
      %dma_start3A_756 = tpu.memref_slice %arg35[%dma_start3A_754, %dma_start3A_755] : memref<32x641xf32, #tpu.memory_space<vmem>> -> memref<32x128xf32, #tpu.memory_space<vmem>>
      %dma_start3A_757 = arith.constant 0 : i32
      %dma_start3A_758 = arith.constant 0 : i32
      %dma_start3A_759 = tpu.memref_slice %arg8[%dma_start3A_757, %dma_start3A_758] : memref<128x128xf32, #tpu.memory_space<hbm>> -> memref<128x128xf32, #tpu.memory_space<hbm>>
      tpu.enqueue_indirect_dma source(%dma_start3A_759 : memref<128x128xf32, #tpu.memory_space<hbm>>) target(%dma_start3A_756 : memref<32x128xf32, #tpu.memory_space<vmem>>) offsets(%arg20 : memref<32xi32, #tpu.memory_space<vmem>>) semaphore(%arg43 : memref<!tpu.dma_semaphore, #tpu.memory_space<semaphore_mem>>)
      %dma_start3A_760 = arith.constant 0 : i32
      %dma_start3A_761 = arith.constant 256 : i32
      %dma_start3A_762 = tpu.memref_slice %arg35[%dma_start3A_760, %dma_start3A_761] : memref<32x641xf32, #tpu.memory_space<vmem>> -> memref<32x128xf32, #tpu.memory_space<vmem>>
      %dma_start3A_763 = arith.constant 0 : i32
      %dma_start3A_764 = arith.constant 0 : i32
      %dma_start3A_765 = tpu.memref_slice %arg9[%dma_start3A_763, %dma_start3A_764] : memref<128x128xf32, #tpu.memory_space<hbm>> -> memref<128x128xf32, #tpu.memory_space<hbm>>
      tpu.enqueue_indirect_dma source(%dma_start3A_765 : memref<128x128xf32, #tpu.memory_space<hbm>>) target(%dma_start3A_762 : memref<32x128xf32, #tpu.memory_space<vmem>>) offsets(%arg21 : memref<32xi32, #tpu.memory_space<vmem>>) semaphore(%arg43 : memref<!tpu.dma_semaphore, #tpu.memory_space<semaphore_mem>>)
      %dma_start3A_766 = arith.constant 0 : i32
      %dma_start3A_767 = arith.constant 384 : i32
      %dma_start3A_768 = tpu.memref_slice %arg35[%dma_start3A_766, %dma_start3A_767] : memref<32x641xf32, #tpu.memory_space<vmem>> -> memref<32x128xf32, #tpu.memory_space<vmem>>
      %dma_start3A_769 = arith.constant 0 : i32
      %dma_start3A_770 = arith.constant 0 : i32
      %dma_start3A_771 = tpu.memref_slice %arg10[%dma_start3A_769, %dma_start3A_770] : memref<128x128xf32, #tpu.memory_space<hbm>> -> memref<128x128xf32, #tpu.memory_space<hbm>>
      tpu.enqueue_indirect_dma source(%dma_start3A_771 : memref<128x128xf32, #tpu.memory_space<hbm>>) target(%dma_start3A_768 : memref<32x128xf32, #tpu.memory_space<vmem>>) offsets(%arg22 : memref<32xi32, #tpu.memory_space<vmem>>) semaphore(%arg43 : memref<!tpu.dma_semaphore, #tpu.memory_space<semaphore_mem>>)
      %dma_start3A_772 = arith.constant 0 : i32
      %dma_start3A_773 = arith.constant 512 : i32
      %dma_start3A_774 = tpu.memref_slice %arg35[%dma_start3A_772, %dma_start3A_773] : memref<32x641xf32, #tpu.memory_space<vmem>> -> memref<32x128xf32, #tpu.memory_space<vmem>>
      %dma_start3A_775 = arith.constant 0 : i32
      %dma_start3A_776 = arith.constant 0 : i32
      %dma_start3A_777 = tpu.memref_slice %arg11[%dma_start3A_775, %dma_start3A_776] : memref<128x128xf32, #tpu.memory_space<hbm>> -> memref<128x128xf32, #tpu.memory_space<hbm>>
      tpu.enqueue_indirect_dma source(%dma_start3A_777 : memref<128x128xf32, #tpu.memory_space<hbm>>) target(%dma_start3A_774 : memref<32x128xf32, #tpu.memory_space<vmem>>) offsets(%arg23 : memref<32xi32, #tpu.memory_space<vmem>>) semaphore(%arg43 : memref<!tpu.dma_semaphore, #tpu.memory_space<semaphore_mem>>)
      %iota3A_778 = tpu.iota {dimensions = array<i32: 0>} : vector<16xi32>
      %add3A_779 = arith.constant 0 : i32
      %add3A_780 = vector.broadcast %add3A_779 : i32 to vector<16xi32>
      %add3A_781 = arith.addi %iota3A_778, %add3A_780 : vector<16xi32>
      %get3A_782 = arith.constant 0 : index
      %get3A_783 = tpu.vector_load %arg19[%get3A_782] {strides = array<i32>} : memref<32xi32, #tpu.memory_space<vmem>>, vector<16xi32>,
      %broadcast_in_dim3A_784 = arith.constant 0 : i32
      %broadcast_in_dim3A_785 = vector.broadcast %broadcast_in_dim3A_784 : i32 to vector<16xi32>
      %iota3A_786 = tpu.iota {dimensions = array<i32: 0>} : vector<16xi32>
      %add3A_787 = arith.constant 16 : i32
      %add3A_788 = vector.broadcast %add3A_787 : i32 to vector<16xi32>
      %add3A_789 = arith.addi %iota3A_786, %add3A_788 : vector<16xi32>
      %get3A_790 = arith.constant 16 : index
      %get3A_791 = tpu.vector_load %arg19[%get3A_790] {strides = array<i32>} : memref<32xi32, #tpu.memory_space<vmem>>, vector<16xi32>,
      %broadcast_in_dim3A_792 = arith.constant 0 : i32
      %broadcast_in_dim3A_793 = vector.broadcast %broadcast_in_dim3A_792 : i32 to vector<16xi32>
      %scan3A_794 = arith.constant 0 : i32
      %scan3A_795 = arith.constant 128 : i32
      %scan3A_796 = arith.addi %scan3A_794, %scan3A_795 : i32
      %scan3A_797 = arith.constant 1 : i32
      scf.for %scan3A_1117 = %scan3A_794 to %scan3A_796 step %scan3A_797  : i32 {
        %mul3A_1118 = arith.constant 1 : i32
        %mul3A_1119 = arith.muli %scan3A_1117, %mul3A_1118 : i32
        %add3A_1120 = arith.constant 0 : i32
        %add3A_1121 = arith.addi %add3A_1120, %mul3A_1119 : i32
        %mul3A_1122 = arith.constant 26 : i32
        %mul3A_1123 = arith.muli %add3A_1121, %mul3A_1122 : i32
        %add3A_1124 = vector.broadcast %mul3A_1123 : i32 to vector<16xi32>
        %add3A_1125 = arith.addi %get3A_783, %add3A_1124 : vector<16xi32>
        %gather3A = tpu.vector_load_idx %arg13[%add3A_1125] : memref<3328xf32, #tpu.memory_space<vmem>>[vector<16xi32>], vector<16xf32>,
        %add3A_1126 = vector.broadcast %add3A_1121 : i32 to vector<16xi32>
        %add3A_1127 = arith.addi %broadcast_in_dim3A_785, %add3A_1126 : vector<16xi32>
        tpu.vector_store_idx %arg35[%add3A_781, %add3A_1127], %gather3A : memref<32x641xf32, #tpu.memory_space<vmem>>[vector<16xi32>, vector<16xi32>], vector<16xf32>,
        %mul3A_1128 = arith.constant 26 : i32
        %mul3A_1129 = arith.muli %add3A_1121, %mul3A_1128 : i32
        %add3A_1130 = vector.broadcast %mul3A_1129 : i32 to vector<16xi32>
        %add3A_1131 = arith.addi %get3A_791, %add3A_1130 : vector<16xi32>
        %gather3A_1132 = tpu.vector_load_idx %arg13[%add3A_1131] : memref<3328xf32, #tpu.memory_space<vmem>>[vector<16xi32>], vector<16xf32>,
        %add3A_1133 = vector.broadcast %add3A_1121 : i32 to vector<16xi32>
        %add3A_1134 = arith.addi %broadcast_in_dim3A_793, %add3A_1133 : vector<16xi32>
        tpu.vector_store_idx %arg35[%add3A_789, %add3A_1134], %gather3A_1132 : memref<32x641xf32, #tpu.memory_space<vmem>>[vector<16xi32>, vector<16xi32>], vector<16xf32>,
      }
      %scan3A_798 = arith.constant 128 : i32
      %sub3A_799 = arith.constant 2 : i32
      %sub3A_800 = arith.subi %add3A_713, %sub3A_799 : i32
      %dma_wait3A_801 = arith.constant 0 : i32
      %dma_wait3A_802 = arith.constant 128 : i32
      %dma_wait3A_803 = tpu.memref_slice %arg37[%dma_wait3A_801, %dma_wait3A_802] : memref<32x641xf32, #tpu.memory_space<vmem>> -> memref<32x128xf32, #tpu.memory_space<vmem>>
      %dma_wait3A_804 = arith.constant 0 : i32
      %dma_wait3A_805 = arith.constant 0 : i32
      %dma_wait3A_806 = tpu.memref_slice %arg8[%dma_wait3A_804, %dma_wait3A_805] : memref<128x128xf32, #tpu.memory_space<hbm>> -> memref<128x128xf32, #tpu.memory_space<hbm>>
      tpu.wait_indirect_dma semaphore(%arg45 : memref<!tpu.dma_semaphore, #tpu.memory_space<semaphore_mem>>) src(%dma_wait3A_806 : memref<128x128xf32, #tpu.memory_space<hbm>>) dst(%dma_wait3A_803 : memref<32x128xf32, #tpu.memory_space<vmem>>)
      %dma_wait3A_807 = arith.constant 0 : i32
      %dma_wait3A_808 = arith.constant 256 : i32
      %dma_wait3A_809 = tpu.memref_slice %arg37[%dma_wait3A_807, %dma_wait3A_808] : memref<32x641xf32, #tpu.memory_space<vmem>> -> memref<32x128xf32, #tpu.memory_space<vmem>>
      %dma_wait3A_810 = arith.constant 0 : i32
      %dma_wait3A_811 = arith.constant 0 : i32
      %dma_wait3A_812 = tpu.memref_slice %arg9[%dma_wait3A_810, %dma_wait3A_811] : memref<128x128xf32, #tpu.memory_space<hbm>> -> memref<128x128xf32, #tpu.memory_space<hbm>>
      tpu.wait_indirect_dma semaphore(%arg45 : memref<!tpu.dma_semaphore, #tpu.memory_space<semaphore_mem>>) src(%dma_wait3A_812 : memref<128x128xf32, #tpu.memory_space<hbm>>) dst(%dma_wait3A_809 : memref<32x128xf32, #tpu.memory_space<vmem>>)
      %dma_wait3A_813 = arith.constant 0 : i32
      %dma_wait3A_814 = arith.constant 384 : i32
      %dma_wait3A_815 = tpu.memref_slice %arg37[%dma_wait3A_813, %dma_wait3A_814] : memref<32x641xf32, #tpu.memory_space<vmem>> -> memref<32x128xf32, #tpu.memory_space<vmem>>
      %dma_wait3A_816 = arith.constant 0 : i32
      %dma_wait3A_817 = arith.constant 0 : i32
      %dma_wait3A_818 = tpu.memref_slice %arg10[%dma_wait3A_816, %dma_wait3A_817] : memref<128x128xf32, #tpu.memory_space<hbm>> -> memref<128x128xf32, #tpu.memory_space<hbm>>
      tpu.wait_indirect_dma semaphore(%arg45 : memref<!tpu.dma_semaphore, #tpu.memory_space<semaphore_mem>>) src(%dma_wait3A_818 : memref<128x128xf32, #tpu.memory_space<hbm>>) dst(%dma_wait3A_815 : memref<32x128xf32, #tpu.memory_space<vmem>>)
      %dma_wait3A_819 = arith.constant 0 : i32
      %dma_wait3A_820 = arith.constant 512 : i32
      %dma_wait3A_821 = tpu.memref_slice %arg37[%dma_wait3A_819, %dma_wait3A_820] : memref<32x641xf32, #tpu.memory_space<vmem>> -> memref<32x128xf32, #tpu.memory_space<vmem>>
      %dma_wait3A_822 = arith.constant 0 : i32
      %dma_wait3A_823 = arith.constant 0 : i32
      %dma_wait3A_824 = tpu.memref_slice %arg11[%dma_wait3A_822, %dma_wait3A_823] : memref<128x128xf32, #tpu.memory_space<hbm>> -> memref<128x128xf32, #tpu.memory_space<hbm>>
      tpu.wait_indirect_dma semaphore(%arg45 : memref<!tpu.dma_semaphore, #tpu.memory_space<semaphore_mem>>) src(%dma_wait3A_824 : memref<128x128xf32, #tpu.memory_space<hbm>>) dst(%dma_wait3A_821 : memref<32x128xf32, #tpu.memory_space<vmem>>)
      %add3A_825 = arith.constant 2 : i32
      %add3A_826 = arith.addi %add3A_713, %add3A_825 : i32
      %lt3A_827 = arith.constant 200 : i32
      %lt3A_828 = arith.cmpi slt, %add3A_826, %lt3A_827 : i32
      %convert_element_type3A_829 = arith.extui %lt3A_828 : i1 to i32
      %cond3A_830 = arith.constant 0 : i32
      %cond3A_831 = arith.cmpi ne, %convert_element_type3A_829, %cond3A_830 : i32
      scf.if %cond3A_831 {
        %add3A_1117 = arith.constant 2 : i32
        %add3A_1118 = arith.addi %add3A_713, %add3A_1117 : i32
        %mul3A_1119 = arith.constant 32 : i32
        %mul3A_1120 = arith.muli %add3A_1118, %mul3A_1119 : i32
        %add3A_1121 = arith.addi %mul3A_2, %mul3A_1120 : i32
        %dma_start3A_1122 = tpu.memref_slice %arg2[%add3A_1121] : memref<204800xi32, #tpu.memory_space<hbm>> -> memref<32xi32, #tpu.memory_space<hbm>>
        %dma_start3A_1123 = tpu.memref_slice %arg2[%add3A_1121] : memref<204800xi32, #tpu.memory_space<hbm>> -> memref<32xi32, #tpu.memory_space<hbm>>
        tpu.enqueue_dma source(%dma_start3A_1123 : memref<32xi32, #tpu.memory_space<hbm>>) target(%arg29 : memref<32xi32, #tpu.memory_space<vmem>>) target_semaphore(%arg41 : memref<!tpu.dma_semaphore, #tpu.memory_space<semaphore_mem>>)
        %mul3A_1124 = arith.constant 32 : i32
        %mul3A_1125 = arith.muli %add3A_1118, %mul3A_1124 : i32
        %add3A_1126 = arith.addi %mul3A_2, %mul3A_1125 : i32
        %dma_start3A_1127 = tpu.memref_slice %arg3[%add3A_1126] : memref<204800xi32, #tpu.memory_space<hbm>> -> memref<32xi32, #tpu.memory_space<hbm>>
        %dma_start3A_1128 = tpu.memref_slice %arg3[%add3A_1126] : memref<204800xi32, #tpu.memory_space<hbm>> -> memref<32xi32, #tpu.memory_space<hbm>>
        tpu.enqueue_dma source(%dma_start3A_1128 : memref<32xi32, #tpu.memory_space<hbm>>) target(%arg30 : memref<32xi32, #tpu.memory_space<vmem>>) target_semaphore(%arg41 : memref<!tpu.dma_semaphore, #tpu.memory_space<semaphore_mem>>)
        %mul3A_1129 = arith.constant 32 : i32
        %mul3A_1130 = arith.muli %add3A_1118, %mul3A_1129 : i32
        %add3A_1131 = arith.addi %mul3A_2, %mul3A_1130 : i32
        %dma_start3A_1132 = tpu.memref_slice %arg4[%add3A_1131] : memref<204800xi32, #tpu.memory_space<hbm>> -> memref<32xi32, #tpu.memory_space<hbm>>
        %dma_start3A_1133 = tpu.memref_slice %arg4[%add3A_1131] : memref<204800xi32, #tpu.memory_space<hbm>> -> memref<32xi32, #tpu.memory_space<hbm>>
        tpu.enqueue_dma source(%dma_start3A_1133 : memref<32xi32, #tpu.memory_space<hbm>>) target(%arg31 : memref<32xi32, #tpu.memory_space<vmem>>) target_semaphore(%arg41 : memref<!tpu.dma_semaphore, #tpu.memory_space<semaphore_mem>>)
        %mul3A_1134 = arith.constant 32 : i32
        %mul3A_1135 = arith.muli %add3A_1118, %mul3A_1134 : i32
        %add3A_1136 = arith.addi %mul3A_2, %mul3A_1135 : i32
        %dma_start3A_1137 = tpu.memref_slice %arg5[%add3A_1136] : memref<204800xi32, #tpu.memory_space<hbm>> -> memref<32xi32, #tpu.memory_space<hbm>>
        %dma_start3A_1138 = tpu.memref_slice %arg5[%add3A_1136] : memref<204800xi32, #tpu.memory_space<hbm>> -> memref<32xi32, #tpu.memory_space<hbm>>
        tpu.enqueue_dma source(%dma_start3A_1138 : memref<32xi32, #tpu.memory_space<hbm>>) target(%arg32 : memref<32xi32, #tpu.memory_space<vmem>>) target_semaphore(%arg41 : memref<!tpu.dma_semaphore, #tpu.memory_space<semaphore_mem>>)
        %mul3A_1139 = arith.constant 32 : i32
        %mul3A_1140 = arith.muli %add3A_1118, %mul3A_1139 : i32
        %add3A_1141 = arith.addi %mul3A_2, %mul3A_1140 : i32
        %dma_start3A_1142 = tpu.memref_slice %arg6[%add3A_1141] : memref<204800xi32, #tpu.memory_space<hbm>> -> memref<32xi32, #tpu.memory_space<hbm>>
        %dma_start3A_1143 = tpu.memref_slice %arg6[%add3A_1141] : memref<204800xi32, #tpu.memory_space<hbm>> -> memref<32xi32, #tpu.memory_space<hbm>>
        tpu.enqueue_dma source(%dma_start3A_1143 : memref<32xi32, #tpu.memory_space<hbm>>) target(%arg33 : memref<32xi32, #tpu.memory_space<vmem>>) target_semaphore(%arg41 : memref<!tpu.dma_semaphore, #tpu.memory_space<semaphore_mem>>)
      } else {
      }
      %sub3A_832 = arith.constant 2 : i32
      %sub3A_833 = arith.subi %add3A_713, %sub3A_832 : i32
      %mul3A_834 = arith.constant 32 : i32
      %mul3A_835 = arith.muli %sub3A_833, %mul3A_834 : i32
      %add3A_836 = arith.addi %mul3A_2, %mul3A_835 : i32
      %dma_start3A_837 = arith.constant 0 : i32
      %dma_start3A_838 = arith.constant 0 : i32
      %dma_start3A_839 = tpu.memref_slice %arg37[%dma_start3A_837, %dma_start3A_838] : memref<32x641xf32, #tpu.memory_space<vmem>> -> memref<32x640xf32, #tpu.memory_space<vmem>>
      %dma_start3A_840 = arith.constant 0 : i32
      %dma_start3A_841 = tpu.memref_slice %arg12[%add3A_836, %dma_start3A_840] : memref<204800x640xf32, #tpu.memory_space<hbm>> -> memref<32x640xf32, #tpu.memory_space<hbm>>
      %dma_start3A_842 = arith.constant 0 : i32
      %dma_start3A_843 = tpu.memref_slice %arg12[%add3A_836, %dma_start3A_842] : memref<204800x640xf32, #tpu.memory_space<hbm>> -> memref<32x640xf32, #tpu.memory_space<hbm>>
      %dma_start3A_844 = arith.constant 0 : i32
      %dma_start3A_845 = arith.constant 0 : i32
      %dma_start3A_846 = tpu.memref_slice %arg37[%dma_start3A_844, %dma_start3A_845] : memref<32x641xf32, #tpu.memory_space<vmem>> -> memref<32x640xf32, #tpu.memory_space<vmem>>
      tpu.enqueue_dma source(%dma_start3A_846 : memref<32x640xf32, #tpu.memory_space<vmem>>) target(%dma_start3A_843 : memref<32x640xf32, #tpu.memory_space<hbm>>) target_semaphore(%arg49 : memref<!tpu.dma_semaphore, #tpu.memory_space<semaphore_mem>>)
      %add3A_847 = arith.constant 2 : i32
      %add3A_848 = arith.addi %mul3A_580, %add3A_847 : i32
      %mul3A_849 = arith.constant 32 : i32
      %mul3A_850 = arith.muli %add3A_848, %mul3A_849 : i32
      %add3A_851 = arith.addi %mul3A_2, %mul3A_850 : i32
      %dma_wait3A_852 = tpu.memref_slice %arg2[%add3A_851] : memref<204800xi32, #tpu.memory_space<hbm>> -> memref<32xi32, #tpu.memory_space<hbm>>
      %dma_wait3A_853 = tpu.memref_slice %arg2[%add3A_851] : memref<204800xi32, #tpu.memory_space<hbm>> -> memref<32xi32, #tpu.memory_space<hbm>>
      tpu.wait_dma2 semaphore(%arg40 : memref<!tpu.dma_semaphore, #tpu.memory_space<semaphore_mem>>) src(%dma_wait3A_853 : memref<32xi32, #tpu.memory_space<hbm>>) dst(%arg24 : memref<32xi32, #tpu.memory_space<vmem>>)
      %mul3A_854 = arith.constant 32 : i32
      %mul3A_855 = arith.muli %add3A_848, %mul3A_854 : i32
      %add3A_856 = arith.addi %mul3A_2, %mul3A_855 : i32
      %dma_wait3A_857 = tpu.memref_slice %arg3[%add3A_856] : memref<204800xi32, #tpu.memory_space<hbm>> -> memref<32xi32, #tpu.memory_space<hbm>>
      %dma_wait3A_858 = tpu.memref_slice %arg3[%add3A_856] : memref<204800xi32, #tpu.memory_space<hbm>> -> memref<32xi32, #tpu.memory_space<hbm>>
      tpu.wait_dma2 semaphore(%arg40 : memref<!tpu.dma_semaphore, #tpu.memory_space<semaphore_mem>>) src(%dma_wait3A_858 : memref<32xi32, #tpu.memory_space<hbm>>) dst(%arg25 : memref<32xi32, #tpu.memory_space<vmem>>)
      %mul3A_859 = arith.constant 32 : i32
      %mul3A_860 = arith.muli %add3A_848, %mul3A_859 : i32
      %add3A_861 = arith.addi %mul3A_2, %mul3A_860 : i32
      %dma_wait3A_862 = tpu.memref_slice %arg4[%add3A_861] : memref<204800xi32, #tpu.memory_space<hbm>> -> memref<32xi32, #tpu.memory_space<hbm>>
      %dma_wait3A_863 = tpu.memref_slice %arg4[%add3A_861] : memref<204800xi32, #tpu.memory_space<hbm>> -> memref<32xi32, #tpu.memory_space<hbm>>
      tpu.wait_dma2 semaphore(%arg40 : memref<!tpu.dma_semaphore, #tpu.memory_space<semaphore_mem>>) src(%dma_wait3A_863 : memref<32xi32, #tpu.memory_space<hbm>>) dst(%arg26 : memref<32xi32, #tpu.memory_space<vmem>>)
      %mul3A_864 = arith.constant 32 : i32
      %mul3A_865 = arith.muli %add3A_848, %mul3A_864 : i32
      %add3A_866 = arith.addi %mul3A_2, %mul3A_865 : i32
      %dma_wait3A_867 = tpu.memref_slice %arg5[%add3A_866] : memref<204800xi32, #tpu.memory_space<hbm>> -> memref<32xi32, #tpu.memory_space<hbm>>
      %dma_wait3A_868 = tpu.memref_slice %arg5[%add3A_866] : memref<204800xi32, #tpu.memory_space<hbm>> -> memref<32xi32, #tpu.memory_space<hbm>>
      tpu.wait_dma2 semaphore(%arg40 : memref<!tpu.dma_semaphore, #tpu.memory_space<semaphore_mem>>) src(%dma_wait3A_868 : memref<32xi32, #tpu.memory_space<hbm>>) dst(%arg27 : memref<32xi32, #tpu.memory_space<vmem>>)
      %mul3A_869 = arith.constant 32 : i32
      %mul3A_870 = arith.muli %add3A_848, %mul3A_869 : i32
      %add3A_871 = arith.addi %mul3A_2, %mul3A_870 : i32
      %dma_wait3A_872 = tpu.memref_slice %arg6[%add3A_871] : memref<204800xi32, #tpu.memory_space<hbm>> -> memref<32xi32, #tpu.memory_space<hbm>>
      %dma_wait3A_873 = tpu.memref_slice %arg6[%add3A_871] : memref<204800xi32, #tpu.memory_space<hbm>> -> memref<32xi32, #tpu.memory_space<hbm>>
      tpu.wait_dma2 semaphore(%arg40 : memref<!tpu.dma_semaphore, #tpu.memory_space<semaphore_mem>>) src(%dma_wait3A_873 : memref<32xi32, #tpu.memory_space<hbm>>) dst(%arg28 : memref<32xi32, #tpu.memory_space<vmem>>)
      %sub3A_874 = arith.constant 4 : i32
      %sub3A_875 = arith.subi %add3A_848, %sub3A_874 : i32
      %mul3A_876 = arith.constant 32 : i32
      %mul3A_877 = arith.muli %sub3A_875, %mul3A_876 : i32
      %add3A_878 = arith.addi %mul3A_2, %mul3A_877 : i32
      %dma_wait3A_879 = arith.constant 0 : i32
      %dma_wait3A_880 = arith.constant 0 : i32
      %dma_wait3A_881 = tpu.memref_slice %arg36[%dma_wait3A_879, %dma_wait3A_880] : memref<32x641xf32, #tpu.memory_space<vmem>> -> memref<32x640xf32, #tpu.memory_space<vmem>>
      %dma_wait3A_882 = arith.constant 0 : i32
      %dma_wait3A_883 = tpu.memref_slice %arg12[%add3A_878, %dma_wait3A_882] : memref<204800x640xf32, #tpu.memory_space<hbm>> -> memref<32x640xf32, #tpu.memory_space<hbm>>
      %dma_wait3A_884 = arith.constant 0 : i32
      %dma_wait3A_885 = tpu.memref_slice %arg12[%add3A_878, %dma_wait3A_884] : memref<204800x640xf32, #tpu.memory_space<hbm>> -> memref<32x640xf32, #tpu.memory_space<hbm>>
      %dma_wait3A_886 = arith.constant 0 : i32
      %dma_wait3A_887 = arith.constant 0 : i32
      %dma_wait3A_888 = tpu.memref_slice %arg36[%dma_wait3A_886, %dma_wait3A_887] : memref<32x641xf32, #tpu.memory_space<vmem>> -> memref<32x640xf32, #tpu.memory_space<vmem>>
      tpu.wait_dma2 semaphore(%arg48 : memref<!tpu.dma_semaphore, #tpu.memory_space<semaphore_mem>>) src(%dma_wait3A_888 : memref<32x640xf32, #tpu.memory_space<vmem>>) dst(%dma_wait3A_885 : memref<32x640xf32, #tpu.memory_space<hbm>>)
      %dma_start3A_889 = arith.constant 0 : i32
      %dma_start3A_890 = arith.constant 128 : i32
      %dma_start3A_891 = tpu.memref_slice %arg36[%dma_start3A_889, %dma_start3A_890] : memref<32x641xf32, #tpu.memory_space<vmem>> -> memref<32x128xf32, #tpu.memory_space<vmem>>
      %dma_start3A_892 = arith.constant 0 : i32
      %dma_start3A_893 = arith.constant 0 : i32
      %dma_start3A_894 = tpu.memref_slice %arg8[%dma_start3A_892, %dma_start3A_893] : memref<128x128xf32, #tpu.memory_space<hbm>> -> memref<128x128xf32, #tpu.memory_space<hbm>>
      tpu.enqueue_indirect_dma source(%dma_start3A_894 : memref<128x128xf32, #tpu.memory_space<hbm>>) target(%dma_start3A_891 : memref<32x128xf32, #tpu.memory_space<vmem>>) offsets(%arg25 : memref<32xi32, #tpu.memory_space<vmem>>) semaphore(%arg44 : memref<!tpu.dma_semaphore, #tpu.memory_space<semaphore_mem>>)
      %dma_start3A_895 = arith.constant 0 : i32
      %dma_start3A_896 = arith.constant 256 : i32
      %dma_start3A_897 = tpu.memref_slice %arg36[%dma_start3A_895, %dma_start3A_896] : memref<32x641xf32, #tpu.memory_space<vmem>> -> memref<32x128xf32, #tpu.memory_space<vmem>>
      %dma_start3A_898 = arith.constant 0 : i32
      %dma_start3A_899 = arith.constant 0 : i32
      %dma_start3A_900 = tpu.memref_slice %arg9[%dma_start3A_898, %dma_start3A_899] : memref<128x128xf32, #tpu.memory_space<hbm>> -> memref<128x128xf32, #tpu.memory_space<hbm>>
      tpu.enqueue_indirect_dma source(%dma_start3A_900 : memref<128x128xf32, #tpu.memory_space<hbm>>) target(%dma_start3A_897 : memref<32x128xf32, #tpu.memory_space<vmem>>) offsets(%arg26 : memref<32xi32, #tpu.memory_space<vmem>>) semaphore(%arg44 : memref<!tpu.dma_semaphore, #tpu.memory_space<semaphore_mem>>)
      %dma_start3A_901 = arith.constant 0 : i32
      %dma_start3A_902 = arith.constant 384 : i32
      %dma_start3A_903 = tpu.memref_slice %arg36[%dma_start3A_901, %dma_start3A_902] : memref<32x641xf32, #tpu.memory_space<vmem>> -> memref<32x128xf32, #tpu.memory_space<vmem>>
      %dma_start3A_904 = arith.constant 0 : i32
      %dma_start3A_905 = arith.constant 0 : i32
      %dma_start3A_906 = tpu.memref_slice %arg10[%dma_start3A_904, %dma_start3A_905] : memref<128x128xf32, #tpu.memory_space<hbm>> -> memref<128x128xf32, #tpu.memory_space<hbm>>
      tpu.enqueue_indirect_dma source(%dma_start3A_906 : memref<128x128xf32, #tpu.memory_space<hbm>>) target(%dma_start3A_903 : memref<32x128xf32, #tpu.memory_space<vmem>>) offsets(%arg27 : memref<32xi32, #tpu.memory_space<vmem>>) semaphore(%arg44 : memref<!tpu.dma_semaphore, #tpu.memory_space<semaphore_mem>>)
      %dma_start3A_907 = arith.constant 0 : i32
      %dma_start3A_908 = arith.constant 512 : i32
      %dma_start3A_909 = tpu.memref_slice %arg36[%dma_start3A_907, %dma_start3A_908] : memref<32x641xf32, #tpu.memory_space<vmem>> -> memref<32x128xf32, #tpu.memory_space<vmem>>
      %dma_start3A_910 = arith.constant 0 : i32
      %dma_start3A_911 = arith.constant 0 : i32
      %dma_start3A_912 = tpu.memref_slice %arg11[%dma_start3A_910, %dma_start3A_911] : memref<128x128xf32, #tpu.memory_space<hbm>> -> memref<128x128xf32, #tpu.memory_space<hbm>>
      tpu.enqueue_indirect_dma source(%dma_start3A_912 : memref<128x128xf32, #tpu.memory_space<hbm>>) target(%dma_start3A_909 : memref<32x128xf32, #tpu.memory_space<vmem>>) offsets(%arg28 : memref<32xi32, #tpu.memory_space<vmem>>) semaphore(%arg44 : memref<!tpu.dma_semaphore, #tpu.memory_space<semaphore_mem>>)
      %iota3A_913 = tpu.iota {dimensions = array<i32: 0>} : vector<16xi32>
      %add3A_914 = arith.constant 0 : i32
      %add3A_915 = vector.broadcast %add3A_914 : i32 to vector<16xi32>
      %add3A_916 = arith.addi %iota3A_913, %add3A_915 : vector<16xi32>
      %get3A_917 = arith.constant 0 : index
      %get3A_918 = tpu.vector_load %arg24[%get3A_917] {strides = array<i32>} : memref<32xi32, #tpu.memory_space<vmem>>, vector<16xi32>,
      %broadcast_in_dim3A_919 = arith.constant 0 : i32
      %broadcast_in_dim3A_920 = vector.broadcast %broadcast_in_dim3A_919 : i32 to vector<16xi32>
      %iota3A_921 = tpu.iota {dimensions = array<i32: 0>} : vector<16xi32>
      %add3A_922 = arith.constant 16 : i32
      %add3A_923 = vector.broadcast %add3A_922 : i32 to vector<16xi32>
      %add3A_924 = arith.addi %iota3A_921, %add3A_923 : vector<16xi32>
      %get3A_925 = arith.constant 16 : index
      %get3A_926 = tpu.vector_load %arg24[%get3A_925] {strides = array<i32>} : memref<32xi32, #tpu.memory_space<vmem>>, vector<16xi32>,
      %broadcast_in_dim3A_927 = arith.constant 0 : i32
      %broadcast_in_dim3A_928 = vector.broadcast %broadcast_in_dim3A_927 : i32 to vector<16xi32>
      %scan3A_929 = arith.constant 0 : i32
      %scan3A_930 = arith.constant 128 : i32
      %scan3A_931 = arith.addi %scan3A_929, %scan3A_930 : i32
      %scan3A_932 = arith.constant 1 : i32
      scf.for %scan3A_1117 = %scan3A_929 to %scan3A_931 step %scan3A_932  : i32 {
        %mul3A_1118 = arith.constant 1 : i32
        %mul3A_1119 = arith.muli %scan3A_1117, %mul3A_1118 : i32
        %add3A_1120 = arith.constant 0 : i32
        %add3A_1121 = arith.addi %add3A_1120, %mul3A_1119 : i32
        %mul3A_1122 = arith.constant 26 : i32
        %mul3A_1123 = arith.muli %add3A_1121, %mul3A_1122 : i32
        %add3A_1124 = vector.broadcast %mul3A_1123 : i32 to vector<16xi32>
        %add3A_1125 = arith.addi %get3A_918, %add3A_1124 : vector<16xi32>
        %gather3A = tpu.vector_load_idx %arg13[%add3A_1125] : memref<3328xf32, #tpu.memory_space<vmem>>[vector<16xi32>], vector<16xf32>,
        %add3A_1126 = vector.broadcast %add3A_1121 : i32 to vector<16xi32>
        %add3A_1127 = arith.addi %broadcast_in_dim3A_920, %add3A_1126 : vector<16xi32>
        tpu.vector_store_idx %arg36[%add3A_916, %add3A_1127], %gather3A : memref<32x641xf32, #tpu.memory_space<vmem>>[vector<16xi32>, vector<16xi32>], vector<16xf32>,
        %mul3A_1128 = arith.constant 26 : i32
        %mul3A_1129 = arith.muli %add3A_1121, %mul3A_1128 : i32
        %add3A_1130 = vector.broadcast %mul3A_1129 : i32 to vector<16xi32>
        %add3A_1131 = arith.addi %get3A_926, %add3A_1130 : vector<16xi32>
        %gather3A_1132 = tpu.vector_load_idx %arg13[%add3A_1131] : memref<3328xf32, #tpu.memory_space<vmem>>[vector<16xi32>], vector<16xf32>,
        %add3A_1133 = vector.broadcast %add3A_1121 : i32 to vector<16xi32>
        %add3A_1134 = arith.addi %broadcast_in_dim3A_928, %add3A_1133 : vector<16xi32>
        tpu.vector_store_idx %arg36[%add3A_924, %add3A_1134], %gather3A_1132 : memref<32x641xf32, #tpu.memory_space<vmem>>[vector<16xi32>, vector<16xi32>], vector<16xf32>,
      }
      %scan3A_933 = arith.constant 128 : i32
      %sub3A_934 = arith.constant 2 : i32
      %sub3A_935 = arith.subi %add3A_848, %sub3A_934 : i32
      %dma_wait3A_936 = arith.constant 0 : i32
      %dma_wait3A_937 = arith.constant 128 : i32
      %dma_wait3A_938 = tpu.memref_slice %arg34[%dma_wait3A_936, %dma_wait3A_937] : memref<32x641xf32, #tpu.memory_space<vmem>> -> memref<32x128xf32, #tpu.memory_space<vmem>>
      %dma_wait3A_939 = arith.constant 0 : i32
      %dma_wait3A_940 = arith.constant 0 : i32
      %dma_wait3A_941 = tpu.memref_slice %arg8[%dma_wait3A_939, %dma_wait3A_940] : memref<128x128xf32, #tpu.memory_space<hbm>> -> memref<128x128xf32, #tpu.memory_space<hbm>>
      tpu.wait_indirect_dma semaphore(%arg42 : memref<!tpu.dma_semaphore, #tpu.memory_space<semaphore_mem>>) src(%dma_wait3A_941 : memref<128x128xf32, #tpu.memory_space<hbm>>) dst(%dma_wait3A_938 : memref<32x128xf32, #tpu.memory_space<vmem>>)
      %dma_wait3A_942 = arith.constant 0 : i32
      %dma_wait3A_943 = arith.constant 256 : i32
      %dma_wait3A_944 = tpu.memref_slice %arg34[%dma_wait3A_942, %dma_wait3A_943] : memref<32x641xf32, #tpu.memory_space<vmem>> -> memref<32x128xf32, #tpu.memory_space<vmem>>
      %dma_wait3A_945 = arith.constant 0 : i32
      %dma_wait3A_946 = arith.constant 0 : i32
      %dma_wait3A_947 = tpu.memref_slice %arg9[%dma_wait3A_945, %dma_wait3A_946] : memref<128x128xf32, #tpu.memory_space<hbm>> -> memref<128x128xf32, #tpu.memory_space<hbm>>
      tpu.wait_indirect_dma semaphore(%arg42 : memref<!tpu.dma_semaphore, #tpu.memory_space<semaphore_mem>>) src(%dma_wait3A_947 : memref<128x128xf32, #tpu.memory_space<hbm>>) dst(%dma_wait3A_944 : memref<32x128xf32, #tpu.memory_space<vmem>>)
      %dma_wait3A_948 = arith.constant 0 : i32
      %dma_wait3A_949 = arith.constant 384 : i32
      %dma_wait3A_950 = tpu.memref_slice %arg34[%dma_wait3A_948, %dma_wait3A_949] : memref<32x641xf32, #tpu.memory_space<vmem>> -> memref<32x128xf32, #tpu.memory_space<vmem>>
      %dma_wait3A_951 = arith.constant 0 : i32
      %dma_wait3A_952 = arith.constant 0 : i32
      %dma_wait3A_953 = tpu.memref_slice %arg10[%dma_wait3A_951, %dma_wait3A_952] : memref<128x128xf32, #tpu.memory_space<hbm>> -> memref<128x128xf32, #tpu.memory_space<hbm>>
      tpu.wait_indirect_dma semaphore(%arg42 : memref<!tpu.dma_semaphore, #tpu.memory_space<semaphore_mem>>) src(%dma_wait3A_953 : memref<128x128xf32, #tpu.memory_space<hbm>>) dst(%dma_wait3A_950 : memref<32x128xf32, #tpu.memory_space<vmem>>)
      %dma_wait3A_954 = arith.constant 0 : i32
      %dma_wait3A_955 = arith.constant 512 : i32
      %dma_wait3A_956 = tpu.memref_slice %arg34[%dma_wait3A_954, %dma_wait3A_955] : memref<32x641xf32, #tpu.memory_space<vmem>> -> memref<32x128xf32, #tpu.memory_space<vmem>>
      %dma_wait3A_957 = arith.constant 0 : i32
      %dma_wait3A_958 = arith.constant 0 : i32
      %dma_wait3A_959 = tpu.memref_slice %arg11[%dma_wait3A_957, %dma_wait3A_958] : memref<128x128xf32, #tpu.memory_space<hbm>> -> memref<128x128xf32, #tpu.memory_space<hbm>>
      tpu.wait_indirect_dma semaphore(%arg42 : memref<!tpu.dma_semaphore, #tpu.memory_space<semaphore_mem>>) src(%dma_wait3A_959 : memref<128x128xf32, #tpu.memory_space<hbm>>) dst(%dma_wait3A_956 : memref<32x128xf32, #tpu.memory_space<vmem>>)
      %add3A_960 = arith.constant 2 : i32
      %add3A_961 = arith.addi %add3A_848, %add3A_960 : i32
      %lt3A_962 = arith.constant 200 : i32
      %lt3A_963 = arith.cmpi slt, %add3A_961, %lt3A_962 : i32
      %convert_element_type3A_964 = arith.extui %lt3A_963 : i1 to i32
      %cond3A_965 = arith.constant 0 : i32
      %cond3A_966 = arith.cmpi ne, %convert_element_type3A_964, %cond3A_965 : i32
      scf.if %cond3A_966 {
        %add3A_1117 = arith.constant 2 : i32
        %add3A_1118 = arith.addi %add3A_848, %add3A_1117 : i32
        %mul3A_1119 = arith.constant 32 : i32
        %mul3A_1120 = arith.muli %add3A_1118, %mul3A_1119 : i32
        %add3A_1121 = arith.addi %mul3A_2, %mul3A_1120 : i32
        %dma_start3A_1122 = tpu.memref_slice %arg2[%add3A_1121] : memref<204800xi32, #tpu.memory_space<hbm>> -> memref<32xi32, #tpu.memory_space<hbm>>
        %dma_start3A_1123 = tpu.memref_slice %arg2[%add3A_1121] : memref<204800xi32, #tpu.memory_space<hbm>> -> memref<32xi32, #tpu.memory_space<hbm>>
        tpu.enqueue_dma source(%dma_start3A_1123 : memref<32xi32, #tpu.memory_space<hbm>>) target(%arg14 : memref<32xi32, #tpu.memory_space<vmem>>) target_semaphore(%arg38 : memref<!tpu.dma_semaphore, #tpu.memory_space<semaphore_mem>>)
        %mul3A_1124 = arith.constant 32 : i32
        %mul3A_1125 = arith.muli %add3A_1118, %mul3A_1124 : i32
        %add3A_1126 = arith.addi %mul3A_2, %mul3A_1125 : i32
        %dma_start3A_1127 = tpu.memref_slice %arg3[%add3A_1126] : memref<204800xi32, #tpu.memory_space<hbm>> -> memref<32xi32, #tpu.memory_space<hbm>>
        %dma_start3A_1128 = tpu.memref_slice %arg3[%add3A_1126] : memref<204800xi32, #tpu.memory_space<hbm>> -> memref<32xi32, #tpu.memory_space<hbm>>
        tpu.enqueue_dma source(%dma_start3A_1128 : memref<32xi32, #tpu.memory_space<hbm>>) target(%arg15 : memref<32xi32, #tpu.memory_space<vmem>>) target_semaphore(%arg38 : memref<!tpu.dma_semaphore, #tpu.memory_space<semaphore_mem>>)
        %mul3A_1129 = arith.constant 32 : i32
        %mul3A_1130 = arith.muli %add3A_1118, %mul3A_1129 : i32
        %add3A_1131 = arith.addi %mul3A_2, %mul3A_1130 : i32
        %dma_start3A_1132 = tpu.memref_slice %arg4[%add3A_1131] : memref<204800xi32, #tpu.memory_space<hbm>> -> memref<32xi32, #tpu.memory_space<hbm>>
        %dma_start3A_1133 = tpu.memref_slice %arg4[%add3A_1131] : memref<204800xi32, #tpu.memory_space<hbm>> -> memref<32xi32, #tpu.memory_space<hbm>>
        tpu.enqueue_dma source(%dma_start3A_1133 : memref<32xi32, #tpu.memory_space<hbm>>) target(%arg16 : memref<32xi32, #tpu.memory_space<vmem>>) target_semaphore(%arg38 : memref<!tpu.dma_semaphore, #tpu.memory_space<semaphore_mem>>)
        %mul3A_1134 = arith.constant 32 : i32
        %mul3A_1135 = arith.muli %add3A_1118, %mul3A_1134 : i32
        %add3A_1136 = arith.addi %mul3A_2, %mul3A_1135 : i32
        %dma_start3A_1137 = tpu.memref_slice %arg5[%add3A_1136] : memref<204800xi32, #tpu.memory_space<hbm>> -> memref<32xi32, #tpu.memory_space<hbm>>
        %dma_start3A_1138 = tpu.memref_slice %arg5[%add3A_1136] : memref<204800xi32, #tpu.memory_space<hbm>> -> memref<32xi32, #tpu.memory_space<hbm>>
        tpu.enqueue_dma source(%dma_start3A_1138 : memref<32xi32, #tpu.memory_space<hbm>>) target(%arg17 : memref<32xi32, #tpu.memory_space<vmem>>) target_semaphore(%arg38 : memref<!tpu.dma_semaphore, #tpu.memory_space<semaphore_mem>>)
        %mul3A_1139 = arith.constant 32 : i32
        %mul3A_1140 = arith.muli %add3A_1118, %mul3A_1139 : i32
        %add3A_1141 = arith.addi %mul3A_2, %mul3A_1140 : i32
        %dma_start3A_1142 = tpu.memref_slice %arg6[%add3A_1141] : memref<204800xi32, #tpu.memory_space<hbm>> -> memref<32xi32, #tpu.memory_space<hbm>>
        %dma_start3A_1143 = tpu.memref_slice %arg6[%add3A_1141] : memref<204800xi32, #tpu.memory_space<hbm>> -> memref<32xi32, #tpu.memory_space<hbm>>
        tpu.enqueue_dma source(%dma_start3A_1143 : memref<32xi32, #tpu.memory_space<hbm>>) target(%arg18 : memref<32xi32, #tpu.memory_space<vmem>>) target_semaphore(%arg38 : memref<!tpu.dma_semaphore, #tpu.memory_space<semaphore_mem>>)
      } else {
      }
      %sub3A_967 = arith.constant 2 : i32
      %sub3A_968 = arith.subi %add3A_848, %sub3A_967 : i32
      %mul3A_969 = arith.constant 32 : i32
      %mul3A_970 = arith.muli %sub3A_968, %mul3A_969 : i32
      %add3A_971 = arith.addi %mul3A_2, %mul3A_970 : i32
      %dma_start3A_972 = arith.constant 0 : i32
      %dma_start3A_973 = arith.constant 0 : i32
      %dma_start3A_974 = tpu.memref_slice %arg34[%dma_start3A_972, %dma_start3A_973] : memref<32x641xf32, #tpu.memory_space<vmem>> -> memref<32x640xf32, #tpu.memory_space<vmem>>
      %dma_start3A_975 = arith.constant 0 : i32
      %dma_start3A_976 = tpu.memref_slice %arg12[%add3A_971, %dma_start3A_975] : memref<204800x640xf32, #tpu.memory_space<hbm>> -> memref<32x640xf32, #tpu.memory_space<hbm>>
      %dma_start3A_977 = arith.constant 0 : i32
      %dma_start3A_978 = tpu.memref_slice %arg12[%add3A_971, %dma_start3A_977] : memref<204800x640xf32, #tpu.memory_space<hbm>> -> memref<32x640xf32, #tpu.memory_space<hbm>>
      %dma_start3A_979 = arith.constant 0 : i32
      %dma_start3A_980 = arith.constant 0 : i32
      %dma_start3A_981 = tpu.memref_slice %arg34[%dma_start3A_979, %dma_start3A_980] : memref<32x641xf32, #tpu.memory_space<vmem>> -> memref<32x640xf32, #tpu.memory_space<vmem>>
      tpu.enqueue_dma source(%dma_start3A_981 : memref<32x640xf32, #tpu.memory_space<vmem>>) target(%dma_start3A_978 : memref<32x640xf32, #tpu.memory_space<hbm>>) target_semaphore(%arg46 : memref<!tpu.dma_semaphore, #tpu.memory_space<semaphore_mem>>)
      %add3A_982 = arith.constant 3 : i32
      %add3A_983 = arith.addi %mul3A_580, %add3A_982 : i32
      %mul3A_984 = arith.constant 32 : i32
      %mul3A_985 = arith.muli %add3A_983, %mul3A_984 : i32
      %add3A_986 = arith.addi %mul3A_2, %mul3A_985 : i32
      %dma_wait3A_987 = tpu.memref_slice %arg2[%add3A_986] : memref<204800xi32, #tpu.memory_space<hbm>> -> memref<32xi32, #tpu.memory_space<hbm>>
      %dma_wait3A_988 = tpu.memref_slice %arg2[%add3A_986] : memref<204800xi32, #tpu.memory_space<hbm>> -> memref<32xi32, #tpu.memory_space<hbm>>
      tpu.wait_dma2 semaphore(%arg41 : memref<!tpu.dma_semaphore, #tpu.memory_space<semaphore_mem>>) src(%dma_wait3A_988 : memref<32xi32, #tpu.memory_space<hbm>>) dst(%arg29 : memref<32xi32, #tpu.memory_space<vmem>>)
      %mul3A_989 = arith.constant 32 : i32
      %mul3A_990 = arith.muli %add3A_983, %mul3A_989 : i32
      %add3A_991 = arith.addi %mul3A_2, %mul3A_990 : i32
      %dma_wait3A_992 = tpu.memref_slice %arg3[%add3A_991] : memref<204800xi32, #tpu.memory_space<hbm>> -> memref<32xi32, #tpu.memory_space<hbm>>
      %dma_wait3A_993 = tpu.memref_slice %arg3[%add3A_991] : memref<204800xi32, #tpu.memory_space<hbm>> -> memref<32xi32, #tpu.memory_space<hbm>>
      tpu.wait_dma2 semaphore(%arg41 : memref<!tpu.dma_semaphore, #tpu.memory_space<semaphore_mem>>) src(%dma_wait3A_993 : memref<32xi32, #tpu.memory_space<hbm>>) dst(%arg30 : memref<32xi32, #tpu.memory_space<vmem>>)
      %mul3A_994 = arith.constant 32 : i32
      %mul3A_995 = arith.muli %add3A_983, %mul3A_994 : i32
      %add3A_996 = arith.addi %mul3A_2, %mul3A_995 : i32
      %dma_wait3A_997 = tpu.memref_slice %arg4[%add3A_996] : memref<204800xi32, #tpu.memory_space<hbm>> -> memref<32xi32, #tpu.memory_space<hbm>>
      %dma_wait3A_998 = tpu.memref_slice %arg4[%add3A_996] : memref<204800xi32, #tpu.memory_space<hbm>> -> memref<32xi32, #tpu.memory_space<hbm>>
      tpu.wait_dma2 semaphore(%arg41 : memref<!tpu.dma_semaphore, #tpu.memory_space<semaphore_mem>>) src(%dma_wait3A_998 : memref<32xi32, #tpu.memory_space<hbm>>) dst(%arg31 : memref<32xi32, #tpu.memory_space<vmem>>)
      %mul3A_999 = arith.constant 32 : i32
      %mul3A_1000 = arith.muli %add3A_983, %mul3A_999 : i32
      %add3A_1001 = arith.addi %mul3A_2, %mul3A_1000 : i32
      %dma_wait3A_1002 = tpu.memref_slice %arg5[%add3A_1001] : memref<204800xi32, #tpu.memory_space<hbm>> -> memref<32xi32, #tpu.memory_space<hbm>>
      %dma_wait3A_1003 = tpu.memref_slice %arg5[%add3A_1001] : memref<204800xi32, #tpu.memory_space<hbm>> -> memref<32xi32, #tpu.memory_space<hbm>>
      tpu.wait_dma2 semaphore(%arg41 : memref<!tpu.dma_semaphore, #tpu.memory_space<semaphore_mem>>) src(%dma_wait3A_1003 : memref<32xi32, #tpu.memory_space<hbm>>) dst(%arg32 : memref<32xi32, #tpu.memory_space<vmem>>)
      %mul3A_1004 = arith.constant 32 : i32
      %mul3A_1005 = arith.muli %add3A_983, %mul3A_1004 : i32
      %add3A_1006 = arith.addi %mul3A_2, %mul3A_1005 : i32
      %dma_wait3A_1007 = tpu.memref_slice %arg6[%add3A_1006] : memref<204800xi32, #tpu.memory_space<hbm>> -> memref<32xi32, #tpu.memory_space<hbm>>
      %dma_wait3A_1008 = tpu.memref_slice %arg6[%add3A_1006] : memref<204800xi32, #tpu.memory_space<hbm>> -> memref<32xi32, #tpu.memory_space<hbm>>
      tpu.wait_dma2 semaphore(%arg41 : memref<!tpu.dma_semaphore, #tpu.memory_space<semaphore_mem>>) src(%dma_wait3A_1008 : memref<32xi32, #tpu.memory_space<hbm>>) dst(%arg33 : memref<32xi32, #tpu.memory_space<vmem>>)
      %sub3A_1009 = arith.constant 4 : i32
      %sub3A_1010 = arith.subi %add3A_983, %sub3A_1009 : i32
      %mul3A_1011 = arith.constant 32 : i32
      %mul3A_1012 = arith.muli %sub3A_1010, %mul3A_1011 : i32
      %add3A_1013 = arith.addi %mul3A_2, %mul3A_1012 : i32
      %dma_wait3A_1014 = arith.constant 0 : i32
      %dma_wait3A_1015 = arith.constant 0 : i32
      %dma_wait3A_1016 = tpu.memref_slice %arg37[%dma_wait3A_1014, %dma_wait3A_1015] : memref<32x641xf32, #tpu.memory_space<vmem>> -> memref<32x640xf32, #tpu.memory_space<vmem>>
      %dma_wait3A_1017 = arith.constant 0 : i32
      %dma_wait3A_1018 = tpu.memref_slice %arg12[%add3A_1013, %dma_wait3A_1017] : memref<204800x640xf32, #tpu.memory_space<hbm>> -> memref<32x640xf32, #tpu.memory_space<hbm>>
      %dma_wait3A_1019 = arith.constant 0 : i32
      %dma_wait3A_1020 = tpu.memref_slice %arg12[%add3A_1013, %dma_wait3A_1019] : memref<204800x640xf32, #tpu.memory_space<hbm>> -> memref<32x640xf32, #tpu.memory_space<hbm>>
      %dma_wait3A_1021 = arith.constant 0 : i32
      %dma_wait3A_1022 = arith.constant 0 : i32
      %dma_wait3A_1023 = tpu.memref_slice %arg37[%dma_wait3A_1021, %dma_wait3A_1022] : memref<32x641xf32, #tpu.memory_space<vmem>> -> memref<32x640xf32, #tpu.memory_space<vmem>>
      tpu.wait_dma2 semaphore(%arg49 : memref<!tpu.dma_semaphore, #tpu.memory_space<semaphore_mem>>) src(%dma_wait3A_1023 : memref<32x640xf32, #tpu.memory_space<vmem>>) dst(%dma_wait3A_1020 : memref<32x640xf32, #tpu.memory_space<hbm>>)
      %dma_start3A_1024 = arith.constant 0 : i32
      %dma_start3A_1025 = arith.constant 128 : i32
      %dma_start3A_1026 = tpu.memref_slice %arg37[%dma_start3A_1024, %dma_start3A_1025] : memref<32x641xf32, #tpu.memory_space<vmem>> -> memref<32x128xf32, #tpu.memory_space<vmem>>
      %dma_start3A_1027 = arith.constant 0 : i32
      %dma_start3A_1028 = arith.constant 0 : i32
      %dma_start3A_1029 = tpu.memref_slice %arg8[%dma_start3A_1027, %dma_start3A_1028] : memref<128x128xf32, #tpu.memory_space<hbm>> -> memref<128x128xf32, #tpu.memory_space<hbm>>
      tpu.enqueue_indirect_dma source(%dma_start3A_1029 : memref<128x128xf32, #tpu.memory_space<hbm>>) target(%dma_start3A_1026 : memref<32x128xf32, #tpu.memory_space<vmem>>) offsets(%arg30 : memref<32xi32, #tpu.memory_space<vmem>>) semaphore(%arg45 : memref<!tpu.dma_semaphore, #tpu.memory_space<semaphore_mem>>)
      %dma_start3A_1030 = arith.constant 0 : i32
      %dma_start3A_1031 = arith.constant 256 : i32
      %dma_start3A_1032 = tpu.memref_slice %arg37[%dma_start3A_1030, %dma_start3A_1031] : memref<32x641xf32, #tpu.memory_space<vmem>> -> memref<32x128xf32, #tpu.memory_space<vmem>>
      %dma_start3A_1033 = arith.constant 0 : i32
      %dma_start3A_1034 = arith.constant 0 : i32
      %dma_start3A_1035 = tpu.memref_slice %arg9[%dma_start3A_1033, %dma_start3A_1034] : memref<128x128xf32, #tpu.memory_space<hbm>> -> memref<128x128xf32, #tpu.memory_space<hbm>>
      tpu.enqueue_indirect_dma source(%dma_start3A_1035 : memref<128x128xf32, #tpu.memory_space<hbm>>) target(%dma_start3A_1032 : memref<32x128xf32, #tpu.memory_space<vmem>>) offsets(%arg31 : memref<32xi32, #tpu.memory_space<vmem>>) semaphore(%arg45 : memref<!tpu.dma_semaphore, #tpu.memory_space<semaphore_mem>>)
      %dma_start3A_1036 = arith.constant 0 : i32
      %dma_start3A_1037 = arith.constant 384 : i32
      %dma_start3A_1038 = tpu.memref_slice %arg37[%dma_start3A_1036, %dma_start3A_1037] : memref<32x641xf32, #tpu.memory_space<vmem>> -> memref<32x128xf32, #tpu.memory_space<vmem>>
      %dma_start3A_1039 = arith.constant 0 : i32
      %dma_start3A_1040 = arith.constant 0 : i32
      %dma_start3A_1041 = tpu.memref_slice %arg10[%dma_start3A_1039, %dma_start3A_1040] : memref<128x128xf32, #tpu.memory_space<hbm>> -> memref<128x128xf32, #tpu.memory_space<hbm>>
      tpu.enqueue_indirect_dma source(%dma_start3A_1041 : memref<128x128xf32, #tpu.memory_space<hbm>>) target(%dma_start3A_1038 : memref<32x128xf32, #tpu.memory_space<vmem>>) offsets(%arg32 : memref<32xi32, #tpu.memory_space<vmem>>) semaphore(%arg45 : memref<!tpu.dma_semaphore, #tpu.memory_space<semaphore_mem>>)
      %dma_start3A_1042 = arith.constant 0 : i32
      %dma_start3A_1043 = arith.constant 512 : i32
      %dma_start3A_1044 = tpu.memref_slice %arg37[%dma_start3A_1042, %dma_start3A_1043] : memref<32x641xf32, #tpu.memory_space<vmem>> -> memref<32x128xf32, #tpu.memory_space<vmem>>
      %dma_start3A_1045 = arith.constant 0 : i32
      %dma_start3A_1046 = arith.constant 0 : i32
      %dma_start3A_1047 = tpu.memref_slice %arg11[%dma_start3A_1045, %dma_start3A_1046] : memref<128x128xf32, #tpu.memory_space<hbm>> -> memref<128x128xf32, #tpu.memory_space<hbm>>
      tpu.enqueue_indirect_dma source(%dma_start3A_1047 : memref<128x128xf32, #tpu.memory_space<hbm>>) target(%dma_start3A_1044 : memref<32x128xf32, #tpu.memory_space<vmem>>) offsets(%arg33 : memref<32xi32, #tpu.memory_space<vmem>>) semaphore(%arg45 : memref<!tpu.dma_semaphore, #tpu.memory_space<semaphore_mem>>)
      %iota3A_1048 = tpu.iota {dimensions = array<i32: 0>} : vector<16xi32>
      %add3A_1049 = arith.constant 0 : i32
      %add3A_1050 = vector.broadcast %add3A_1049 : i32 to vector<16xi32>
      %add3A_1051 = arith.addi %iota3A_1048, %add3A_1050 : vector<16xi32>
      %get3A_1052 = arith.constant 0 : index
      %get3A_1053 = tpu.vector_load %arg29[%get3A_1052] {strides = array<i32>} : memref<32xi32, #tpu.memory_space<vmem>>, vector<16xi32>,
      %broadcast_in_dim3A_1054 = arith.constant 0 : i32
      %broadcast_in_dim3A_1055 = vector.broadcast %broadcast_in_dim3A_1054 : i32 to vector<16xi32>
      %iota3A_1056 = tpu.iota {dimensions = array<i32: 0>} : vector<16xi32>
      %add3A_1057 = arith.constant 16 : i32
      %add3A_1058 = vector.broadcast %add3A_1057 : i32 to vector<16xi32>
      %add3A_1059 = arith.addi %iota3A_1056, %add3A_1058 : vector<16xi32>
      %get3A_1060 = arith.constant 16 : index
      %get3A_1061 = tpu.vector_load %arg29[%get3A_1060] {strides = array<i32>} : memref<32xi32, #tpu.memory_space<vmem>>, vector<16xi32>,
      %broadcast_in_dim3A_1062 = arith.constant 0 : i32
      %broadcast_in_dim3A_1063 = vector.broadcast %broadcast_in_dim3A_1062 : i32 to vector<16xi32>
      %scan3A_1064 = arith.constant 0 : i32
      %scan3A_1065 = arith.constant 128 : i32
      %scan3A_1066 = arith.addi %scan3A_1064, %scan3A_1065 : i32
      %scan3A_1067 = arith.constant 1 : i32
      scf.for %scan3A_1117 = %scan3A_1064 to %scan3A_1066 step %scan3A_1067  : i32 {
        %mul3A_1118 = arith.constant 1 : i32
        %mul3A_1119 = arith.muli %scan3A_1117, %mul3A_1118 : i32
        %add3A_1120 = arith.constant 0 : i32
        %add3A_1121 = arith.addi %add3A_1120, %mul3A_1119 : i32
        %mul3A_1122 = arith.constant 26 : i32
        %mul3A_1123 = arith.muli %add3A_1121, %mul3A_1122 : i32
        %add3A_1124 = vector.broadcast %mul3A_1123 : i32 to vector<16xi32>
        %add3A_1125 = arith.addi %get3A_1053, %add3A_1124 : vector<16xi32>
        %gather3A = tpu.vector_load_idx %arg13[%add3A_1125] : memref<3328xf32, #tpu.memory_space<vmem>>[vector<16xi32>], vector<16xf32>,
        %add3A_1126 = vector.broadcast %add3A_1121 : i32 to vector<16xi32>
        %add3A_1127 = arith.addi %broadcast_in_dim3A_1055, %add3A_1126 : vector<16xi32>
        tpu.vector_store_idx %arg37[%add3A_1051, %add3A_1127], %gather3A : memref<32x641xf32, #tpu.memory_space<vmem>>[vector<16xi32>, vector<16xi32>], vector<16xf32>,
        %mul3A_1128 = arith.constant 26 : i32
        %mul3A_1129 = arith.muli %add3A_1121, %mul3A_1128 : i32
        %add3A_1130 = vector.broadcast %mul3A_1129 : i32 to vector<16xi32>
        %add3A_1131 = arith.addi %get3A_1061, %add3A_1130 : vector<16xi32>
        %gather3A_1132 = tpu.vector_load_idx %arg13[%add3A_1131] : memref<3328xf32, #tpu.memory_space<vmem>>[vector<16xi32>], vector<16xf32>,
        %add3A_1133 = vector.broadcast %add3A_1121 : i32 to vector<16xi32>
        %add3A_1134 = arith.addi %broadcast_in_dim3A_1063, %add3A_1133 : vector<16xi32>
        tpu.vector_store_idx %arg37[%add3A_1059, %add3A_1134], %gather3A_1132 : memref<32x641xf32, #tpu.memory_space<vmem>>[vector<16xi32>, vector<16xi32>], vector<16xf32>,
      }
      %scan3A_1068 = arith.constant 128 : i32
      %sub3A_1069 = arith.constant 2 : i32
      %sub3A_1070 = arith.subi %add3A_983, %sub3A_1069 : i32
      %dma_wait3A_1071 = arith.constant 0 : i32
      %dma_wait3A_1072 = arith.constant 128 : i32
      %dma_wait3A_1073 = tpu.memref_slice %arg35[%dma_wait3A_1071, %dma_wait3A_1072] : memref<32x641xf32, #tpu.memory_space<vmem>> -> memref<32x128xf32, #tpu.memory_space<vmem>>
      %dma_wait3A_1074 = arith.constant 0 : i32
      %dma_wait3A_1075 = arith.constant 0 : i32
      %dma_wait3A_1076 = tpu.memref_slice %arg8[%dma_wait3A_1074, %dma_wait3A_1075] : memref<128x128xf32, #tpu.memory_space<hbm>> -> memref<128x128xf32, #tpu.memory_space<hbm>>
      tpu.wait_indirect_dma semaphore(%arg43 : memref<!tpu.dma_semaphore, #tpu.memory_space<semaphore_mem>>) src(%dma_wait3A_1076 : memref<128x128xf32, #tpu.memory_space<hbm>>) dst(%dma_wait3A_1073 : memref<32x128xf32, #tpu.memory_space<vmem>>)
      %dma_wait3A_1077 = arith.constant 0 : i32
      %dma_wait3A_1078 = arith.constant 256 : i32
      %dma_wait3A_1079 = tpu.memref_slice %arg35[%dma_wait3A_1077, %dma_wait3A_1078] : memref<32x641xf32, #tpu.memory_space<vmem>> -> memref<32x128xf32, #tpu.memory_space<vmem>>
      %dma_wait3A_1080 = arith.constant 0 : i32
      %dma_wait3A_1081 = arith.constant 0 : i32
      %dma_wait3A_1082 = tpu.memref_slice %arg9[%dma_wait3A_1080, %dma_wait3A_1081] : memref<128x128xf32, #tpu.memory_space<hbm>> -> memref<128x128xf32, #tpu.memory_space<hbm>>
      tpu.wait_indirect_dma semaphore(%arg43 : memref<!tpu.dma_semaphore, #tpu.memory_space<semaphore_mem>>) src(%dma_wait3A_1082 : memref<128x128xf32, #tpu.memory_space<hbm>>) dst(%dma_wait3A_1079 : memref<32x128xf32, #tpu.memory_space<vmem>>)
      %dma_wait3A_1083 = arith.constant 0 : i32
      %dma_wait3A_1084 = arith.constant 384 : i32
      %dma_wait3A_1085 = tpu.memref_slice %arg35[%dma_wait3A_1083, %dma_wait3A_1084] : memref<32x641xf32, #tpu.memory_space<vmem>> -> memref<32x128xf32, #tpu.memory_space<vmem>>
      %dma_wait3A_1086 = arith.constant 0 : i32
      %dma_wait3A_1087 = arith.constant 0 : i32
      %dma_wait3A_1088 = tpu.memref_slice %arg10[%dma_wait3A_1086, %dma_wait3A_1087] : memref<128x128xf32, #tpu.memory_space<hbm>> -> memref<128x128xf32, #tpu.memory_space<hbm>>
      tpu.wait_indirect_dma semaphore(%arg43 : memref<!tpu.dma_semaphore, #tpu.memory_space<semaphore_mem>>) src(%dma_wait3A_1088 : memref<128x128xf32, #tpu.memory_space<hbm>>) dst(%dma_wait3A_1085 : memref<32x128xf32, #tpu.memory_space<vmem>>)
      %dma_wait3A_1089 = arith.constant 0 : i32
      %dma_wait3A_1090 = arith.constant 512 : i32
      %dma_wait3A_1091 = tpu.memref_slice %arg35[%dma_wait3A_1089, %dma_wait3A_1090] : memref<32x641xf32, #tpu.memory_space<vmem>> -> memref<32x128xf32, #tpu.memory_space<vmem>>
      %dma_wait3A_1092 = arith.constant 0 : i32
      %dma_wait3A_1093 = arith.constant 0 : i32
      %dma_wait3A_1094 = tpu.memref_slice %arg11[%dma_wait3A_1092, %dma_wait3A_1093] : memref<128x128xf32, #tpu.memory_space<hbm>> -> memref<128x128xf32, #tpu.memory_space<hbm>>
      tpu.wait_indirect_dma semaphore(%arg43 : memref<!tpu.dma_semaphore, #tpu.memory_space<semaphore_mem>>) src(%dma_wait3A_1094 : memref<128x128xf32, #tpu.memory_space<hbm>>) dst(%dma_wait3A_1091 : memref<32x128xf32, #tpu.memory_space<vmem>>)
      %add3A_1095 = arith.constant 2 : i32
      %add3A_1096 = arith.addi %add3A_983, %add3A_1095 : i32
      %lt3A_1097 = arith.constant 200 : i32
      %lt3A_1098 = arith.cmpi slt, %add3A_1096, %lt3A_1097 : i32
      %convert_element_type3A_1099 = arith.extui %lt3A_1098 : i1 to i32
      %cond3A_1100 = arith.constant 0 : i32
      %cond3A_1101 = arith.cmpi ne, %convert_element_type3A_1099, %cond3A_1100 : i32
      scf.if %cond3A_1101 {
        %add3A_1117 = arith.constant 2 : i32
        %add3A_1118 = arith.addi %add3A_983, %add3A_1117 : i32
        %mul3A_1119 = arith.constant 32 : i32
        %mul3A_1120 = arith.muli %add3A_1118, %mul3A_1119 : i32
        %add3A_1121 = arith.addi %mul3A_2, %mul3A_1120 : i32
        %dma_start3A_1122 = tpu.memref_slice %arg2[%add3A_1121] : memref<204800xi32, #tpu.memory_space<hbm>> -> memref<32xi32, #tpu.memory_space<hbm>>
        %dma_start3A_1123 = tpu.memref_slice %arg2[%add3A_1121] : memref<204800xi32, #tpu.memory_space<hbm>> -> memref<32xi32, #tpu.memory_space<hbm>>
        tpu.enqueue_dma source(%dma_start3A_1123 : memref<32xi32, #tpu.memory_space<hbm>>) target(%arg19 : memref<32xi32, #tpu.memory_space<vmem>>) target_semaphore(%arg39 : memref<!tpu.dma_semaphore, #tpu.memory_space<semaphore_mem>>)
        %mul3A_1124 = arith.constant 32 : i32
        %mul3A_1125 = arith.muli %add3A_1118, %mul3A_1124 : i32
        %add3A_1126 = arith.addi %mul3A_2, %mul3A_1125 : i32
        %dma_start3A_1127 = tpu.memref_slice %arg3[%add3A_1126] : memref<204800xi32, #tpu.memory_space<hbm>> -> memref<32xi32, #tpu.memory_space<hbm>>
        %dma_start3A_1128 = tpu.memref_slice %arg3[%add3A_1126] : memref<204800xi32, #tpu.memory_space<hbm>> -> memref<32xi32, #tpu.memory_space<hbm>>
        tpu.enqueue_dma source(%dma_start3A_1128 : memref<32xi32, #tpu.memory_space<hbm>>) target(%arg20 : memref<32xi32, #tpu.memory_space<vmem>>) target_semaphore(%arg39 : memref<!tpu.dma_semaphore, #tpu.memory_space<semaphore_mem>>)
        %mul3A_1129 = arith.constant 32 : i32
        %mul3A_1130 = arith.muli %add3A_1118, %mul3A_1129 : i32
        %add3A_1131 = arith.addi %mul3A_2, %mul3A_1130 : i32
        %dma_start3A_1132 = tpu.memref_slice %arg4[%add3A_1131] : memref<204800xi32, #tpu.memory_space<hbm>> -> memref<32xi32, #tpu.memory_space<hbm>>
        %dma_start3A_1133 = tpu.memref_slice %arg4[%add3A_1131] : memref<204800xi32, #tpu.memory_space<hbm>> -> memref<32xi32, #tpu.memory_space<hbm>>
        tpu.enqueue_dma source(%dma_start3A_1133 : memref<32xi32, #tpu.memory_space<hbm>>) target(%arg21 : memref<32xi32, #tpu.memory_space<vmem>>) target_semaphore(%arg39 : memref<!tpu.dma_semaphore, #tpu.memory_space<semaphore_mem>>)
        %mul3A_1134 = arith.constant 32 : i32
        %mul3A_1135 = arith.muli %add3A_1118, %mul3A_1134 : i32
        %add3A_1136 = arith.addi %mul3A_2, %mul3A_1135 : i32
        %dma_start3A_1137 = tpu.memref_slice %arg5[%add3A_1136] : memref<204800xi32, #tpu.memory_space<hbm>> -> memref<32xi32, #tpu.memory_space<hbm>>
        %dma_start3A_1138 = tpu.memref_slice %arg5[%add3A_1136] : memref<204800xi32, #tpu.memory_space<hbm>> -> memref<32xi32, #tpu.memory_space<hbm>>
        tpu.enqueue_dma source(%dma_start3A_1138 : memref<32xi32, #tpu.memory_space<hbm>>) target(%arg22 : memref<32xi32, #tpu.memory_space<vmem>>) target_semaphore(%arg39 : memref<!tpu.dma_semaphore, #tpu.memory_space<semaphore_mem>>)
        %mul3A_1139 = arith.constant 32 : i32
        %mul3A_1140 = arith.muli %add3A_1118, %mul3A_1139 : i32
        %add3A_1141 = arith.addi %mul3A_2, %mul3A_1140 : i32
        %dma_start3A_1142 = tpu.memref_slice %arg6[%add3A_1141] : memref<204800xi32, #tpu.memory_space<hbm>> -> memref<32xi32, #tpu.memory_space<hbm>>
        %dma_start3A_1143 = tpu.memref_slice %arg6[%add3A_1141] : memref<204800xi32, #tpu.memory_space<hbm>> -> memref<32xi32, #tpu.memory_space<hbm>>
        tpu.enqueue_dma source(%dma_start3A_1143 : memref<32xi32, #tpu.memory_space<hbm>>) target(%arg23 : memref<32xi32, #tpu.memory_space<vmem>>) target_semaphore(%arg39 : memref<!tpu.dma_semaphore, #tpu.memory_space<semaphore_mem>>)
      } else {
      }
      %sub3A_1102 = arith.constant 2 : i32
      %sub3A_1103 = arith.subi %add3A_983, %sub3A_1102 : i32
      %mul3A_1104 = arith.constant 32 : i32
      %mul3A_1105 = arith.muli %sub3A_1103, %mul3A_1104 : i32
      %add3A_1106 = arith.addi %mul3A_2, %mul3A_1105 : i32
      %dma_start3A_1107 = arith.constant 0 : i32
      %dma_start3A_1108 = arith.constant 0 : i32
      %dma_start3A_1109 = tpu.memref_slice %arg35[%dma_start3A_1107, %dma_start3A_1108] : memref<32x641xf32, #tpu.memory_space<vmem>> -> memref<32x640xf32, #tpu.memory_space<vmem>>
      %dma_start3A_1110 = arith.constant 0 : i32
      %dma_start3A_1111 = tpu.memref_slice %arg12[%add3A_1106, %dma_start3A_1110] : memref<204800x640xf32, #tpu.memory_space<hbm>> -> memref<32x640xf32, #tpu.memory_space<hbm>>
      %dma_start3A_1112 = arith.constant 0 : i32
      %dma_start3A_1113 = tpu.memref_slice %arg12[%add3A_1106, %dma_start3A_1112] : memref<204800x640xf32, #tpu.memory_space<hbm>> -> memref<32x640xf32, #tpu.memory_space<hbm>>
      %dma_start3A_1114 = arith.constant 0 : i32
      %dma_start3A_1115 = arith.constant 0 : i32
      %dma_start3A_1116 = tpu.memref_slice %arg35[%dma_start3A_1114, %dma_start3A_1115] : memref<32x641xf32, #tpu.memory_space<vmem>> -> memref<32x640xf32, #tpu.memory_space<vmem>>
      tpu.enqueue_dma source(%dma_start3A_1116 : memref<32x640xf32, #tpu.memory_space<vmem>>) target(%dma_start3A_1113 : memref<32x640xf32, #tpu.memory_space<hbm>>) target_semaphore(%arg47 : memref<!tpu.dma_semaphore, #tpu.memory_space<semaphore_mem>>)
    }
    %scan3A_453 = arith.constant 49 : i32
    %dma_wait3A_454 = arith.constant 0 : i32
    %dma_wait3A_455 = arith.constant 128 : i32
    %dma_wait3A_456 = tpu.memref_slice %arg36[%dma_wait3A_454, %dma_wait3A_455] : memref<32x641xf32, #tpu.memory_space<vmem>> -> memref<32x128xf32, #tpu.memory_space<vmem>>
    %dma_wait3A_457 = arith.constant 0 : i32
    %dma_wait3A_458 = arith.constant 0 : i32
    %dma_wait3A_459 = tpu.memref_slice %arg8[%dma_wait3A_457, %dma_wait3A_458] : memref<128x128xf32, #tpu.memory_space<hbm>> -> memref<128x128xf32, #tpu.memory_space<hbm>>
    tpu.wait_indirect_dma semaphore(%arg44 : memref<!tpu.dma_semaphore, #tpu.memory_space<semaphore_mem>>) src(%dma_wait3A_459 : memref<128x128xf32, #tpu.memory_space<hbm>>) dst(%dma_wait3A_456 : memref<32x128xf32, #tpu.memory_space<vmem>>)
    %dma_wait3A_460 = arith.constant 0 : i32
    %dma_wait3A_461 = arith.constant 256 : i32
    %dma_wait3A_462 = tpu.memref_slice %arg36[%dma_wait3A_460, %dma_wait3A_461] : memref<32x641xf32, #tpu.memory_space<vmem>> -> memref<32x128xf32, #tpu.memory_space<vmem>>
    %dma_wait3A_463 = arith.constant 0 : i32
    %dma_wait3A_464 = arith.constant 0 : i32
    %dma_wait3A_465 = tpu.memref_slice %arg9[%dma_wait3A_463, %dma_wait3A_464] : memref<128x128xf32, #tpu.memory_space<hbm>> -> memref<128x128xf32, #tpu.memory_space<hbm>>
    tpu.wait_indirect_dma semaphore(%arg44 : memref<!tpu.dma_semaphore, #tpu.memory_space<semaphore_mem>>) src(%dma_wait3A_465 : memref<128x128xf32, #tpu.memory_space<hbm>>) dst(%dma_wait3A_462 : memref<32x128xf32, #tpu.memory_space<vmem>>)
    %dma_wait3A_466 = arith.constant 0 : i32
    %dma_wait3A_467 = arith.constant 384 : i32
    %dma_wait3A_468 = tpu.memref_slice %arg36[%dma_wait3A_466, %dma_wait3A_467] : memref<32x641xf32, #tpu.memory_space<vmem>> -> memref<32x128xf32, #tpu.memory_space<vmem>>
    %dma_wait3A_469 = arith.constant 0 : i32
    %dma_wait3A_470 = arith.constant 0 : i32
    %dma_wait3A_471 = tpu.memref_slice %arg10[%dma_wait3A_469, %dma_wait3A_470] : memref<128x128xf32, #tpu.memory_space<hbm>> -> memref<128x128xf32, #tpu.memory_space<hbm>>
    tpu.wait_indirect_dma semaphore(%arg44 : memref<!tpu.dma_semaphore, #tpu.memory_space<semaphore_mem>>) src(%dma_wait3A_471 : memref<128x128xf32, #tpu.memory_space<hbm>>) dst(%dma_wait3A_468 : memref<32x128xf32, #tpu.memory_space<vmem>>)
    %dma_wait3A_472 = arith.constant 0 : i32
    %dma_wait3A_473 = arith.constant 512 : i32
    %dma_wait3A_474 = tpu.memref_slice %arg36[%dma_wait3A_472, %dma_wait3A_473] : memref<32x641xf32, #tpu.memory_space<vmem>> -> memref<32x128xf32, #tpu.memory_space<vmem>>
    %dma_wait3A_475 = arith.constant 0 : i32
    %dma_wait3A_476 = arith.constant 0 : i32
    %dma_wait3A_477 = tpu.memref_slice %arg11[%dma_wait3A_475, %dma_wait3A_476] : memref<128x128xf32, #tpu.memory_space<hbm>> -> memref<128x128xf32, #tpu.memory_space<hbm>>
    tpu.wait_indirect_dma semaphore(%arg44 : memref<!tpu.dma_semaphore, #tpu.memory_space<semaphore_mem>>) src(%dma_wait3A_477 : memref<128x128xf32, #tpu.memory_space<hbm>>) dst(%dma_wait3A_474 : memref<32x128xf32, #tpu.memory_space<vmem>>)
    %add3A_478 = arith.constant 6336 : i32
    %add3A_479 = arith.addi %mul3A_2, %add3A_478 : i32
    %dma_start3A_480 = arith.constant 0 : i32
    %dma_start3A_481 = arith.constant 0 : i32
    %dma_start3A_482 = tpu.memref_slice %arg36[%dma_start3A_480, %dma_start3A_481] : memref<32x641xf32, #tpu.memory_space<vmem>> -> memref<32x640xf32, #tpu.memory_space<vmem>>
    %dma_start3A_483 = arith.constant 0 : i32
    %dma_start3A_484 = tpu.memref_slice %arg12[%add3A_479, %dma_start3A_483] : memref<204800x640xf32, #tpu.memory_space<hbm>> -> memref<32x640xf32, #tpu.memory_space<hbm>>
    %dma_start3A_485 = arith.constant 0 : i32
    %dma_start3A_486 = tpu.memref_slice %arg12[%add3A_479, %dma_start3A_485] : memref<204800x640xf32, #tpu.memory_space<hbm>> -> memref<32x640xf32, #tpu.memory_space<hbm>>
    %dma_start3A_487 = arith.constant 0 : i32
    %dma_start3A_488 = arith.constant 0 : i32
    %dma_start3A_489 = tpu.memref_slice %arg36[%dma_start3A_487, %dma_start3A_488] : memref<32x641xf32, #tpu.memory_space<vmem>> -> memref<32x640xf32, #tpu.memory_space<vmem>>
    tpu.enqueue_dma source(%dma_start3A_489 : memref<32x640xf32, #tpu.memory_space<vmem>>) target(%dma_start3A_486 : memref<32x640xf32, #tpu.memory_space<hbm>>) target_semaphore(%arg48 : memref<!tpu.dma_semaphore, #tpu.memory_space<semaphore_mem>>)
    %dma_wait3A_490 = arith.constant 0 : i32
    %dma_wait3A_491 = arith.constant 128 : i32
    %dma_wait3A_492 = tpu.memref_slice %arg37[%dma_wait3A_490, %dma_wait3A_491] : memref<32x641xf32, #tpu.memory_space<vmem>> -> memref<32x128xf32, #tpu.memory_space<vmem>>
    %dma_wait3A_493 = arith.constant 0 : i32
    %dma_wait3A_494 = arith.constant 0 : i32
    %dma_wait3A_495 = tpu.memref_slice %arg8[%dma_wait3A_493, %dma_wait3A_494] : memref<128x128xf32, #tpu.memory_space<hbm>> -> memref<128x128xf32, #tpu.memory_space<hbm>>
    tpu.wait_indirect_dma semaphore(%arg45 : memref<!tpu.dma_semaphore, #tpu.memory_space<semaphore_mem>>) src(%dma_wait3A_495 : memref<128x128xf32, #tpu.memory_space<hbm>>) dst(%dma_wait3A_492 : memref<32x128xf32, #tpu.memory_space<vmem>>)
    %dma_wait3A_496 = arith.constant 0 : i32
    %dma_wait3A_497 = arith.constant 256 : i32
    %dma_wait3A_498 = tpu.memref_slice %arg37[%dma_wait3A_496, %dma_wait3A_497] : memref<32x641xf32, #tpu.memory_space<vmem>> -> memref<32x128xf32, #tpu.memory_space<vmem>>
    %dma_wait3A_499 = arith.constant 0 : i32
    %dma_wait3A_500 = arith.constant 0 : i32
    %dma_wait3A_501 = tpu.memref_slice %arg9[%dma_wait3A_499, %dma_wait3A_500] : memref<128x128xf32, #tpu.memory_space<hbm>> -> memref<128x128xf32, #tpu.memory_space<hbm>>
    tpu.wait_indirect_dma semaphore(%arg45 : memref<!tpu.dma_semaphore, #tpu.memory_space<semaphore_mem>>) src(%dma_wait3A_501 : memref<128x128xf32, #tpu.memory_space<hbm>>) dst(%dma_wait3A_498 : memref<32x128xf32, #tpu.memory_space<vmem>>)
    %dma_wait3A_502 = arith.constant 0 : i32
    %dma_wait3A_503 = arith.constant 384 : i32
    %dma_wait3A_504 = tpu.memref_slice %arg37[%dma_wait3A_502, %dma_wait3A_503] : memref<32x641xf32, #tpu.memory_space<vmem>> -> memref<32x128xf32, #tpu.memory_space<vmem>>
    %dma_wait3A_505 = arith.constant 0 : i32
    %dma_wait3A_506 = arith.constant 0 : i32
    %dma_wait3A_507 = tpu.memref_slice %arg10[%dma_wait3A_505, %dma_wait3A_506] : memref<128x128xf32, #tpu.memory_space<hbm>> -> memref<128x128xf32, #tpu.memory_space<hbm>>
    tpu.wait_indirect_dma semaphore(%arg45 : memref<!tpu.dma_semaphore, #tpu.memory_space<semaphore_mem>>) src(%dma_wait3A_507 : memref<128x128xf32, #tpu.memory_space<hbm>>) dst(%dma_wait3A_504 : memref<32x128xf32, #tpu.memory_space<vmem>>)
    %dma_wait3A_508 = arith.constant 0 : i32
    %dma_wait3A_509 = arith.constant 512 : i32
    %dma_wait3A_510 = tpu.memref_slice %arg37[%dma_wait3A_508, %dma_wait3A_509] : memref<32x641xf32, #tpu.memory_space<vmem>> -> memref<32x128xf32, #tpu.memory_space<vmem>>
    %dma_wait3A_511 = arith.constant 0 : i32
    %dma_wait3A_512 = arith.constant 0 : i32
    %dma_wait3A_513 = tpu.memref_slice %arg11[%dma_wait3A_511, %dma_wait3A_512] : memref<128x128xf32, #tpu.memory_space<hbm>> -> memref<128x128xf32, #tpu.memory_space<hbm>>
    tpu.wait_indirect_dma semaphore(%arg45 : memref<!tpu.dma_semaphore, #tpu.memory_space<semaphore_mem>>) src(%dma_wait3A_513 : memref<128x128xf32, #tpu.memory_space<hbm>>) dst(%dma_wait3A_510 : memref<32x128xf32, #tpu.memory_space<vmem>>)
    %add3A_514 = arith.constant 6368 : i32
    %add3A_515 = arith.addi %mul3A_2, %add3A_514 : i32
    %dma_start3A_516 = arith.constant 0 : i32
    %dma_start3A_517 = arith.constant 0 : i32
    %dma_start3A_518 = tpu.memref_slice %arg37[%dma_start3A_516, %dma_start3A_517] : memref<32x641xf32, #tpu.memory_space<vmem>> -> memref<32x640xf32, #tpu.memory_space<vmem>>
    %dma_start3A_519 = arith.constant 0 : i32
    %dma_start3A_520 = tpu.memref_slice %arg12[%add3A_515, %dma_start3A_519] : memref<204800x640xf32, #tpu.memory_space<hbm>> -> memref<32x640xf32, #tpu.memory_space<hbm>>
    %dma_start3A_521 = arith.constant 0 : i32
    %dma_start3A_522 = tpu.memref_slice %arg12[%add3A_515, %dma_start3A_521] : memref<204800x640xf32, #tpu.memory_space<hbm>> -> memref<32x640xf32, #tpu.memory_space<hbm>>
    %dma_start3A_523 = arith.constant 0 : i32
    %dma_start3A_524 = arith.constant 0 : i32
    %dma_start3A_525 = tpu.memref_slice %arg37[%dma_start3A_523, %dma_start3A_524] : memref<32x641xf32, #tpu.memory_space<vmem>> -> memref<32x640xf32, #tpu.memory_space<vmem>>
    tpu.enqueue_dma source(%dma_start3A_525 : memref<32x640xf32, #tpu.memory_space<vmem>>) target(%dma_start3A_522 : memref<32x640xf32, #tpu.memory_space<hbm>>) target_semaphore(%arg49 : memref<!tpu.dma_semaphore, #tpu.memory_space<semaphore_mem>>)
    %add3A_526 = arith.constant 6272 : i32
    %add3A_527 = arith.addi %mul3A_2, %add3A_526 : i32
    %dma_wait3A_528 = arith.constant 0 : i32
    %dma_wait3A_529 = arith.constant 0 : i32
    %dma_wait3A_530 = tpu.memref_slice %arg34[%dma_wait3A_528, %dma_wait3A_529] : memref<32x641xf32, #tpu.memory_space<vmem>> -> memref<32x640xf32, #tpu.memory_space<vmem>>
    %dma_wait3A_531 = arith.constant 0 : i32
    %dma_wait3A_532 = tpu.memref_slice %arg12[%add3A_527, %dma_wait3A_531] : memref<204800x640xf32, #tpu.memory_space<hbm>> -> memref<32x640xf32, #tpu.memory_space<hbm>>
    %dma_wait3A_533 = arith.constant 0 : i32
    %dma_wait3A_534 = tpu.memref_slice %arg12[%add3A_527, %dma_wait3A_533] : memref<204800x640xf32, #tpu.memory_space<hbm>> -> memref<32x640xf32, #tpu.memory_space<hbm>>
    %dma_wait3A_535 = arith.constant 0 : i32
    %dma_wait3A_536 = arith.constant 0 : i32
    %dma_wait3A_537 = tpu.memref_slice %arg34[%dma_wait3A_535, %dma_wait3A_536] : memref<32x641xf32, #tpu.memory_space<vmem>> -> memref<32x640xf32, #tpu.memory_space<vmem>>
    tpu.wait_dma2 semaphore(%arg46 : memref<!tpu.dma_semaphore, #tpu.memory_space<semaphore_mem>>) src(%dma_wait3A_537 : memref<32x640xf32, #tpu.memory_space<vmem>>) dst(%dma_wait3A_534 : memref<32x640xf32, #tpu.memory_space<hbm>>)
    %add3A_538 = arith.constant 6304 : i32
    %add3A_539 = arith.addi %mul3A_2, %add3A_538 : i32
    %dma_wait3A_540 = arith.constant 0 : i32
    %dma_wait3A_541 = arith.constant 0 : i32
    %dma_wait3A_542 = tpu.memref_slice %arg35[%dma_wait3A_540, %dma_wait3A_541] : memref<32x641xf32, #tpu.memory_space<vmem>> -> memref<32x640xf32, #tpu.memory_space<vmem>>
    %dma_wait3A_543 = arith.constant 0 : i32
    %dma_wait3A_544 = tpu.memref_slice %arg12[%add3A_539, %dma_wait3A_543] : memref<204800x640xf32, #tpu.memory_space<hbm>> -> memref<32x640xf32, #tpu.memory_space<hbm>>
    %dma_wait3A_545 = arith.constant 0 : i32
    %dma_wait3A_546 = tpu.memref_slice %arg12[%add3A_539, %dma_wait3A_545] : memref<204800x640xf32, #tpu.memory_space<hbm>> -> memref<32x640xf32, #tpu.memory_space<hbm>>
    %dma_wait3A_547 = arith.constant 0 : i32
    %dma_wait3A_548 = arith.constant 0 : i32
    %dma_wait3A_549 = tpu.memref_slice %arg35[%dma_wait3A_547, %dma_wait3A_548] : memref<32x641xf32, #tpu.memory_space<vmem>> -> memref<32x640xf32, #tpu.memory_space<vmem>>
    tpu.wait_dma2 semaphore(%arg47 : memref<!tpu.dma_semaphore, #tpu.memory_space<semaphore_mem>>) src(%dma_wait3A_549 : memref<32x640xf32, #tpu.memory_space<vmem>>) dst(%dma_wait3A_546 : memref<32x640xf32, #tpu.memory_space<hbm>>)
    %add3A_550 = arith.constant 6336 : i32
    %add3A_551 = arith.addi %mul3A_2, %add3A_550 : i32
    %dma_wait3A_552 = arith.constant 0 : i32
    %dma_wait3A_553 = arith.constant 0 : i32
    %dma_wait3A_554 = tpu.memref_slice %arg36[%dma_wait3A_552, %dma_wait3A_553] : memref<32x641xf32, #tpu.memory_space<vmem>> -> memref<32x640xf32, #tpu.memory_space<vmem>>
    %dma_wait3A_555 = arith.constant 0 : i32
    %dma_wait3A_556 = tpu.memref_slice %arg12[%add3A_551, %dma_wait3A_555] : memref<204800x640xf32, #tpu.memory_space<hbm>> -> memref<32x640xf32, #tpu.memory_space<hbm>>
    %dma_wait3A_557 = arith.constant 0 : i32
    %dma_wait3A_558 = tpu.memref_slice %arg12[%add3A_551, %dma_wait3A_557] : memref<204800x640xf32, #tpu.memory_space<hbm>> -> memref<32x640xf32, #tpu.memory_space<hbm>>
    %dma_wait3A_559 = arith.constant 0 : i32
    %dma_wait3A_560 = arith.constant 0 : i32
    %dma_wait3A_561 = tpu.memref_slice %arg36[%dma_wait3A_559, %dma_wait3A_560] : memref<32x641xf32, #tpu.memory_space<vmem>> -> memref<32x640xf32, #tpu.memory_space<vmem>>
    tpu.wait_dma2 semaphore(%arg48 : memref<!tpu.dma_semaphore, #tpu.memory_space<semaphore_mem>>) src(%dma_wait3A_561 : memref<32x640xf32, #tpu.memory_space<vmem>>) dst(%dma_wait3A_558 : memref<32x640xf32, #tpu.memory_space<hbm>>)
    %add3A_562 = arith.constant 6368 : i32
    %add3A_563 = arith.addi %mul3A_2, %add3A_562 : i32
    %dma_wait3A_564 = arith.constant 0 : i32
    %dma_wait3A_565 = arith.constant 0 : i32
    %dma_wait3A_566 = tpu.memref_slice %arg37[%dma_wait3A_564, %dma_wait3A_565] : memref<32x641xf32, #tpu.memory_space<vmem>> -> memref<32x640xf32, #tpu.memory_space<vmem>>
    %dma_wait3A_567 = arith.constant 0 : i32
    %dma_wait3A_568 = tpu.memref_slice %arg12[%add3A_563, %dma_wait3A_567] : memref<204800x640xf32, #tpu.memory_space<hbm>> -> memref<32x640xf32, #tpu.memory_space<hbm>>
    %dma_wait3A_569 = arith.constant 0 : i32
    %dma_wait3A_570 = tpu.memref_slice %arg12[%add3A_563, %dma_wait3A_569] : memref<204800x640xf32, #tpu.memory_space<hbm>> -> memref<32x640xf32, #tpu.memory_space<hbm>>
    %dma_wait3A_571 = arith.constant 0 : i32
    %dma_wait3A_572 = arith.constant 0 : i32
    %dma_wait3A_573 = tpu.memref_slice %arg37[%dma_wait3A_571, %dma_wait3A_572] : memref<32x641xf32, #tpu.memory_space<vmem>> -> memref<32x640xf32, #tpu.memory_space<vmem>>
    tpu.wait_dma2 semaphore(%arg49 : memref<!tpu.dma_semaphore, #tpu.memory_space<semaphore_mem>>) src(%dma_wait3A_573 : memref<32x640xf32, #tpu.memory_space<vmem>>) dst(%dma_wait3A_570 : memref<32x640xf32, #tpu.memory_space<hbm>>)
    return
  }
}

</mosaic_0001>

<sc_bundles>
// kernel: kernel.3.cloned.1.call-start
scs
__scs_entry_jumppad:
0x0: {  	(pc) =	sbr.rel $0x88, $3  }
0x1: {  	(tag) =	ssettag $0x0;
	lr =	simm.s32 $0x1  }
0x2: {  	[smem:$0x3F97] =	sst lr;
	_ =	strace $0xD0000000  }
0x3: {  	_ = 	snop  }
0x4: {  	_ = 	snop  }
0x5: {  	_ = 	snop  }
0x6: {  	_ = 	snop  }
0x7: {  	_ = 	snop  }
__scs_overlays_trampoline_lowered:
0x8: {  	[smem:$0x3FA6] =	sst s0  }
0x9: {  	[smem:$0x3FA7] =	sst s1  }
0xa: {  	[smem:$0x3FA8] =	sst s2  }
0xb: {  	[smem:$0x3FA9] =	sst s3  }
0xc: {  	[smem:$0x3FAA] =	sst s4  }
0xd: {  	[smem:$0x3FAB] =	sst s5  }
0xe: {  	[smem:$0x3FAC] =	sst s6  }
0xf: {  	[smem:$0x3FAD] =	sst s7  }
0x10: {  	[smem:$0x3FAE] =	sst s8  }
0x11: {  	[smem:$0x3FAF] =	sst s9;
	s0 =	simm.s32 @!p0 $0x0  }
0x12: {  	s1 =	sld [smem:$0x3F95];
	s0 =	simm.s32 @p0 $0x1  }
0x13: {  	[smem:$0x3FB0] =	sst s0;
	s0 =	simm.s32 @!p1 $0x0  }
0x14: {  	s2 =	sld [smem:$0x3F94];
	s0 =	simm.s32 @p1 $0x1  }
0x15: {  	[smem:$0x3FB1] =	sst s0;
	s0 =	simm.s32 @!p2 $0x0  }
0x16: {  	s3 =	sld [smem:$0x3FDB];
	s0 =	simm.s32 @p2 $0x1  }
0x17: {  	s4 =	simm.s32 $0x1BF5;
	[smem:$0x3FB3] =	sst s0  }
0x18: {  	s0 =	sld [smem:$0x3F96];
	_ =	swait.ge [sflag:s4], $0x0  }
0x19: {  	s7 =	sld [smem:$0x3F97]  }
0x1a: {  	s8 =	sadd.s32 $0xFFFFE003, lr  }
0x1b: {  	s9 =	sadd.s32 $0xFFFFFEF7, lr;
	s5 =	simm.s32 $0xFFFFFFFF;
	p2 =	slt.u32 s8, $0xFFFFF086  }
0x1c: {  	p1 =	slt.u32 s9, $0xF7A;
	s5 =	simm.s32 @!p2 $0x0  }
0x1d: {  	s5 =	simm.s32 @p1 $0x1;
	p0 =	seq.s32 s7, s2  }
0x1e: {  	s7 =	smul.u32 @!p0 $0xF7A, s2;
	p2 =	seq.s32 @!p0 s5, $0x0  }
0x1f: {  	s9 =	smul.u32 $0xF7A, s1;
	s8 =	simm.s32 @!p0 $0x1BF5;
	p2 =	por !p2, p0  }
0x20: {  	[sflag:s8] =	ssyncset.s32 @!p0 $0xFFFFF086;
	s6 =	sadd.s32 @!p0 s3, s7;
	s7 =	simm.s32 @!p0 $0x108  }
0x21: {  	s3 =	sadd.s32 s3, s9;
	s6 =	sadd.s32 @!p0 $0x88, s6;
	s7 =	simm.s32 @p2 $0x1082  }
0x22: {  	[simem:s7], [sflag:s8] =	dma.local @!p0 [hbm:s6], $0xF7A  }
0x23: {  	s9 =	sor.u32 $0xD0000000, s2;
	s6 =	simm.s32 $0x108;
	_ =	swait.ge @!p0 [sflag:s8], $0x0  }
0x24: {  	s3 =	sadd.s32 $0x88, s3;
	s6 =	simm.s32 @!p1 $0x1082;
	[sflag:s4] =	ssyncset.s32 $0xFFFFF086  }
0x25: {  	[simem:s6], [sflag:s4] =	dma.local [hbm:s3], $0xF7A  }
0x26: {  	[smem:$0x3F97] =	sst s1;
	(tag) =	ssettag s2;
	_ =	strace s9  }
0x27: {  	s1 =	sld [smem:$0x3FA7]  }
0x28: {  	s2 =	sld [smem:$0x3FA8]  }
0x29: {  	s4 =	sld [smem:$0x3FAA]  }
0x2a: {  	p0 =	seq.s32 s5, $0x0;
	s5 =	sld [smem:$0x3FAB]  }
0x2b: {  	s6 =	sld [smem:$0x3FAC]  }
0x2c: {  	s7 =	sld [smem:$0x3FAD]  }
0x2d: {  	s3 =	simm.s32 $0x108;
	s8 =	sld [smem:$0x3FAE]  }
0x2e: {  	s3 =	simm.s32 @!p0 $0x1082;
	s9 =	sld [smem:$0x3FAF]  }
0x2f: {  	lr =	sadd.s32 s0, s3;
	s0 =	sld [smem:$0x3FA6]  }
0x30: {  	s3 =	sld [smem:$0x3FA9]  }
0x31: {  	[smem:$0x3FB2] =	sst s10  }
0x32: {  	s10 =	sld [smem:$0x3FB0];
	_ =	sdelay $0x3  }
0x33: {  	p0 =	seq.s32 s10, $0x1;
	s10 =	sld [smem:$0x3FB2];
	_ =	sdelay $0x3  }
0x34: {  	[smem:$0x3FB2] =	sst s10  }
0x35: {  	s10 =	sld [smem:$0x3FB1];
	_ =	sdelay $0x3  }
0x36: {  	p1 =	seq.s32 s10, $0x1;
	s10 =	sld [smem:$0x3FB2];
	_ =	sdelay $0x3  }
0x37: {  	[smem:$0x3FB2] =	sst s10  }
0x38: {  	s10 =	sld [smem:$0x3FB3]  }
0x39: {  	_ = 	snop;
	(pc) =	sbr.ind lr, $3  }
0x3a: {  	_ = 	snop  }
0x3b: {  	_ = 	snop  }
0x3c: {  	p2 =	seq.s32 s10, $0x1;
	s10 =	sld [smem:$0x3FB2]  }
0x3d: {  	_ =	shalt  }
0x3e: {  	_ =	shalt  }
0x3f: {  	_ =	shalt  }
0x40: {  	_ =	shalt  }
0x41: {  	_ =	shalt  }
0x42: {  	_ =	shalt  }
0x43: {  	_ =	shalt  }
0x44: {  	_ =	shalt  }
0x45: {  	_ =	shalt  }
0x46: {  	_ =	shalt  }
0x47: {  	_ =	shalt  }
0x48: {  	_ =	shalt  }
0x49: {  	_ =	shalt  }
0x4a: {  	_ =	shalt  }
0x4b: {  	_ =	shalt  }
0x4c: {  	_ =	shalt  }
0x4d: {  	_ =	shalt  }
0x4e: {  	_ =	shalt  }
0x4f: {  	_ =	shalt  }
0x50: {  	_ =	shalt  }
0x51: {  	_ =	shalt  }
0x52: {  	_ =	shalt  }
0x53: {  	_ =	shalt  }
0x54: {  	_ =	shalt  }
0x55: {  	_ =	shalt  }
0x56: {  	_ =	shalt  }
0x57: {  	_ =	shalt  }
0x58: {  	_ =	shalt  }
0x59: {  	_ =	shalt  }
0x5a: {  	_ =	shalt  }
0x5b: {  	_ =	shalt  }
0x5c: {  	_ =	shalt  }
0x5d: {  	_ =	shalt  }
0x5e: {  	_ =	shalt  }
0x5f: {  	_ =	shalt  }
0x60: {  	_ =	shalt  }
0x61: {  	_ =	shalt  }
0x62: {  	_ =	shalt  }
0x63: {  	_ =	shalt  }
0x64: {  	_ =	shalt  }
0x65: {  	_ =	shalt  }
0x66: {  	_ =	shalt  }
0x67: {  	_ =	shalt  }
0x68: {  	_ =	shalt  }
0x69: {  	_ =	shalt  }
0x6a: {  	_ =	shalt  }
0x6b: {  	_ =	shalt  }
0x6c: {  	_ =	shalt  }
0x6d: {  	_ =	shalt  }
0x6e: {  	_ =	shalt  }
0x6f: {  	_ =	shalt  }
0x70: {  	_ =	shalt  }
0x71: {  	_ =	shalt  }
0x72: {  	_ =	shalt  }
0x73: {  	_ =	shalt  }
0x74: {  	_ =	shalt  }
0x75: {  	_ =	shalt  }
0x76: {  	_ =	shalt  }
0x77: {  	_ =	shalt  }
0x78: {  	_ =	shalt  }
0x79: {  	_ =	shalt  }
0x7a: {  	_ =	shalt  }
0x7b: {  	_ =	shalt  }
0x7c: {  	_ =	shalt  }
0x7d: {  	_ =	shalt  }
0x7e: {  	_ =	shalt  }
0x7f: {  	_ =	shalt  }
0x80: {  	_ =	shalt  }
0x81: {  	_ =	shalt  }
0x82: {  	_ =	shalt  }
0x83: {  	_ =	shalt  }
0x84: {  	_ =	shalt  }
0x85: {  	_ =	shalt  }
0x86: {  	_ =	shalt  }
0x87: {  	_ =	shalt  }
.Lfunc_end0:
.L_simem_size_0:
called_computation_lowered:
.L_overlay_start_0:
0x88: {  	s2 =	sld [smem:$0x3FD9]  }
0x89: {  	s3 =	sld [smem:$0x3FFE];
	_ =	sdelay $0x1  }
0x8a: {  	s1 =	srdreg.scid  }
0x8b: {  	s0 =	sand.u32 $0x1, s1  }
0x8c: {  	s17 =	sshll.u32 s0, $0xA;
	s2 =	sadd.s32 s3, s2  }
0x8d: {  	s2 =	sadd.s32 s2, s17  }
0x8e: {  	[smem:$0x3FBE] =	sst s2  }
0x8f: {  	_ = 	snop  }
0x90: {  	s2 =	sld [smem:$0x3FC3]  }
0x91: {  	s18 =	sld [smem:$0x3FC2]  }
0x92: {  	s4 =	sld [smem:$0x3FC1]  }
0x93: {  	s5 =	sld [smem:$0x3FC0]  }
0x94: {  	s6 =	sld [smem:$0x3FD0];
	(tm) =	ssettm $0x1  }
0x95: {  	s7 =	sld [smem:$0x3FFB];
	_ =	sdelay $0x3  }
0x96: {  	_ =	strace s7  }
0x97: {  	s7 =	sld [smem:$0x3FFC];
	_ =	sdelay $0x3  }
0x98: {  	_ =	strace s7  }
0x99: {  	s7 =	sld [smem:$0x3FFD];
	_ =	sdelay $0x3  }
0x9a: {  	_ =	strace s7  }
0x9b: {  	_ =	strace $0x8FFFFFFF  }
0x9c: {  	s19 =	sld [smem:$0x3FDB];
	_ =	sdelay $0x1  }
0x9d: {  	s8 =	simm.s32 $_scs_section_size  }
0x9e: {  	s9 =	simm.s32 $_size__tile_overlayer_lowered;
	s10 =	simm.s32 $_tile_overlayer_lowered  }
0x9f: {  	s22 =	simm.s32 $0x1BFF;
	s21 =	sshll.u32 s10, $0x1;
	s7 =	sadd.s32 s8, s19  }
0xa0: {  	s11 =	simm.s32 $0x0;
	s20 =	sshll.u32 s9, $0x1;
	s9 =	sadd.s32 s21, s7  }
0xa1: {  	[timem:s11], [sflag:s22] =	dma.local [hbm:s9], s20  }
0xa2: {  	_ =	swait.ge [sflag:s22], s20  }
0xa3: {  	s8 =	ssub.s32 $0x0, s20;
	[sflag:s22] =	ssyncset.done $0x0  }
0xa4: {  	[sflag:s22] =	ssyncadd.s32 s8;
	_ =	sdelay $0x1  }
0xa5: {  	s23 =	simm.s32 $0x1B8B  }
0xa6: {  	_ =	swait.ge [sflag:s23], $0x1  }
0xa7: {  	[sflag:s23] =	ssyncset.done $0x0  }
0xa8: {  	s25 =	simm.s32 $0x1B8E;
	s24 =	sld [smem:$0x3FFE];
	[sflag:s23] =	ssyncadd.s32 $0xFFFFFFFF  }
0xa9: {  	s26 =	simm.s32 $execute0_lowered;
	[smem:$0x3FD2] =	sst s25  }
0xaa: {  	s9 =	sshll.u32 s26, $0x1;
	_ =	strace $0x80000046;
	[dreg:$0x1] =	wrdreg $0xFFFFFFFF  }
0xab: {  	s28 =	simm.s32 $_size_execute0_lowered;
	s7 =	sadd.s32 s7, s9;
	[dreg:$0x0] =	wrdreg $0x0  }
0xac: {  	s9 =	sshll.u32 s28, $0x1;
	[dreg:$0x2] =	wrdreg s7  }
0xad: {  	[dreg:$0x3] =	wrdreg s9  }
0xae: {  	[dreg:$0x4] =	wrdreg $0xC0  }
0xaf: {  	_ =	task [dreg:s11], $0x5FFFF  }
0xb0: {  	[dreg:$0x1] =	wrdreg $0xFFFFFFFF  }
0xb1: {  	[dreg:$0x0] =	wrdreg $0x60  }
0xb2: {  	[dreg:$0x2] =	wrdreg s24  }
0xb3: {  	[dreg:$0x3] =	wrdreg s2  }
0xb4: {  	[dreg:$0x4] =	wrdreg s18  }
0xb5: {  	[dreg:$0x5] =	wrdreg s4  }
0xb6: {  	[dreg:$0x6] =	wrdreg s5  }
0xb7: {  	[dreg:$0x7] =	wrdreg s6  }
0xb8: {  	[dreg:$0x8] =	wrdreg $0x9  }
0xb9: {  	_ =	task.clear_ibuf [dreg:s11], $0x9FFFF;
	_ =	strace $0x90000046  }
0xba: {  	s29 =	simm.s32 $0x9;
	_ =	strace $0x80000048  }
0xbb: {  	_ =	swait.ge [sflag:s29], $0x1  }
0xbc: {  	[sflag:s29] =	ssyncadd.s32 $0xFFFFFFFF  }
0xbd: {  	_ =	strace $0x90000048  }
0xbe: {  	_ =	sfence  }
0xbf: {  	s30 =	sld [smem:$0x0];
	_ =	sdelay $0x2  }
0xc0: {  	s31 =	sshll.u32 s1, $0xD;
	s1 =	sshrl.u32 s1, $0x2  }
0xc1: {  	s3 =	sand.u32 $0x4000, s31;
	s1 =	sadd.s32 s1, s30  }
0xc2: {  	s0 =	sor.u32 s3, s0;
	s1 =	sshll.u32 s1, $0x11  }
0xc3: {  	s0 =	sor.u32 s1, s0  }
0xc4: {  	s0 =	sadd.s32 $0x8F2B, s0  }
0xc5: {  	[sflag:s0] =	ssyncadd.remote.s32 $0x1  }
0xc6: {  	_ =	sfence.sel $0xFFFF  }
0xc7: {  	[dreg:$0x0] =	wrdreg $0xFFFFFFFF;
	(pc) =	sbr.abs _section_cstart, $3  }
0xc8: {  	[dreg:$0x1] =	wrdreg $0xFFFFFFFF  }
0xc9: {  	_ =	task.clear_ibuf [dreg:s11], $0x2FFFF;
	_ =	strace $0x9FFFFFFF  }
0xca: {  	(tm) =	ssettm $0x7FFFFFFF  }
0xcb: {  	_ =	shalt  }
tec
execute0_lowered:
.L_overlay_start_1:
0x0: {  	(tag) =	ssettag $0x1  }
0x1: {  	s0 =	rddreg [dreg:$0x0]  }
0x2: {  	s1 =	rddreg [dreg:$0x1]  }
0x3: {  	s2 =	rddreg [dreg:$0x2]  }
0x4: {  	s3 =	rddreg [dreg:$0x3]  }
0x5: {  	s4 =	rddreg [dreg:$0x4]  }
0x6: {  	s6 =	rddreg [dreg:$0x5];
	s7 =	simm.s32 $0x0;
	s5 =	srdreg.scid  }
0x7: {  	s8 =	stileid.u32;
	[smem:$0x7FF] =	sst s7;
	s5 =	sand.u32 $0x1, s5  }
0x8: {  	s8 =	sshll.u32 s8, $0x1;
	s9 =	sadd.s32 $0x6A00, s0;
	s11 =	sadd.s32 $0xCE00, s0  }
0x9: {  	s12 =	sadd.s32 $0x13200, s0;
	s13 =	sadd.s32 $0x19600, s0;
	s10 =	sor.u32 s5, s8  }
0xa: {  	_ =	strace $0x80000047;
	s5 =	ssub.s32 $0x2, s5;
	s15 =	smul.u32 $0x1900, s10  }
0xb: {  	s8 =	sadd.s32 $0x600, s0;
	s0 =	sadd.s32 $0x400, s0;
	s17 =	sshrl.u32 s5, $0x1  }
0xc: {  	[dreg:$0x8] =	wrdreg s0;
	s0 =	ssub.s32 s5, s17;
	s14 =	sshrl.u32 s15, $0x3  }
0xd: {  	s0 =	smax.u32 s0, $0x1;
	[dreg:$0x7] =	wrdreg s15;
	s18 =	sor.u32 $0x8, s14  }
0xe: {  	[smem:$0x7F4] =	sst s0;
	s19 =	sadd.s32 s8, s18  }
0xf: {  	s20 =	sadd.s32 s9, s18;
	[dreg:$0x9] =	wrdreg s19  }
0x10: {  	s21 =	sadd.s32 s11, s18;
	[dreg:$0xa] =	wrdreg s20  }
0x11: {  	s22 =	sadd.s32 s12, s18;
	[dreg:$0xb] =	wrdreg s21  }
0x12: {  	s23 =	sor.u32 $0xC, s14;
	s5 =	sadd.s32 s13, s18;
	[dreg:$0xc] =	wrdreg s22  }
0x13: {  	s24 =	sadd.s32 s8, s23;
	[dreg:$0xd] =	wrdreg s5  }
0x14: {  	s25 =	sadd.s32 s9, s23;
	[dreg:$0xe] =	wrdreg s24  }
0x15: {  	s26 =	sadd.s32 s11, s23;
	[dreg:$0xf] =	wrdreg s25  }
0x16: {  	s17 =	sor.u32 $0x10, s14;
	s16 =	sadd.s32 s12, s23;
	[dreg:$0x10] =	wrdreg s26  }
0x17: {  	s18 =	sadd.s32 s8, s17;
	[dreg:$0x11] =	wrdreg s16  }
0x18: {  	s5 =	sadd.s32 s13, s23;
	[dreg:$0x13] =	wrdreg s18  }
0x19: {  	s19 =	sadd.s32 s9, s17;
	[dreg:$0x12] =	wrdreg s5  }
0x1a: {  	s16 =	sadd.s32 s11, s17;
	[dreg:$0x14] =	wrdreg s19  }
0x1b: {  	s21 =	sadd.s32 s12, s17;
	[dreg:$0x15] =	wrdreg s16  }
0x1c: {  	s22 =	sadd.s32 s8, s14;
	[dreg:$0x16] =	wrdreg s21  }
0x1d: {  	s23 =	sadd.s32 s9, s14;
	[dreg:$0x19] =	wrdreg s22  }
0x1e: {  	s24 =	sadd.s32 s11, s14;
	[dreg:$0x1a] =	wrdreg s23  }
0x1f: {  	s25 =	sadd.s32 s12, s14;
	[dreg:$0x1b] =	wrdreg s24  }
0x20: {  	s5 =	sadd.s32 s13, s17;
	[dreg:$0x1c] =	wrdreg s25  }
0x21: {  	s26 =	sor.u32 $0x4, s14;
	s17 =	sadd.s32 s13, s14;
	[dreg:$0x17] =	wrdreg s5  }
0x22: {  	s19 =	sadd.s32 s8, s26;
	[dreg:$0x1d] =	wrdreg s17  }
0x23: {  	s21 =	sadd.s32 s11, s26;
	[dreg:$0x1e] =	wrdreg s19  }
0x24: {  	s22 =	sadd.s32 s12, s26;
	[smem:$0x7EB] =	sst s21  }
0x25: {  	s18 =	sor.u32 $0x14, s14;
	s23 =	sadd.s32 s13, s26;
	[smem:$0x7EC] =	sst s22  }
0x26: {  	s24 =	sadd.s32 s8, s18;
	[smem:$0x7ED] =	sst s23  }
0x27: {  	v2 =	vlaneseq.u32;
	vm0 =	vmmov $0xff;
	s20 =	smul.u32 $0x280, s14;
	s25 =	sadd.s32 s9, s18;
	[smem:$0x7EE] =	sst s24  }
0x28: {  	v3 =	vimm.s32 $0x1B80;
	vm1 =	vcmask $0x300;
	v4 =	vimm.s32 $0x4B80;
	s10 =	sadd.s32 s13, s18;
	[smem:$0x7EF] =	sst s25  }
0x29: {  	vm2 =	vcmask $0x704;
	v1 =	vshrl.u32 v2, $0x3;
	v0 =	vand.u32 $0x7, v2;
	s16 =	sadd.s32 s6, s20;
	s20 =	sadd.s32 s9, s26;
	[smem:$0x7F2] =	sst s10  }
0x2a: {  	v3 =	vsel vm1, $0x0, v3;
	v4 =	vsel vm1, $0x3000, v4;
	vm1 =	vcmask $0xB08;
	s5 =	smul.u32 $0x280, s26;
	s26 =	sadd.s32 s11, s18;
	[dreg:$0x1f] =	wrdreg s20  }
0x2b: {  	v2 =	vor.u32 $0x8, v2;
	v3 =	vsel vm2, $0x80, v3;
	v4 =	vsel vm2, $0x3080, v4;
	s17 =	sadd.s32 s12, s18;
	[smem:$0x7F0] =	sst s26  }
0x2c: {  	vm2 =	vcmask $0xF0C;
	v3 =	vsel vm1, $0x100, v3;
	v4 =	vsel vm1, $0x3100, v4;
	s18 =	sor.u32 $0x40, s15;
	[smem:$0x7F1] =	sst s17  }
0x2d: {  	s28 =	simm.s32 $0xD700;
	vm1 =	vcmask $0x1310;
	v3 =	vsel vm2, $0x180, v3;
	v4 =	vsel vm2, $0x3180, v4;
	s19 =	sadd.s32 $0xFFFFFFC0, s15;
	[smem:$0x7F5] =	sst s18  }
0x2e: {  	s31 =	simm.s32 $0x5;
	vm2 =	vcmask $0x1714;
	v3 =	vsel vm1, $0x200, v3;
	v4 =	vsel vm1, $0x3200, v4;
	s21 =	sor.u32 $0x60, s15;
	[smem:$0x7F6] =	sst s19  }
0x2f: {  	s29 =	simm.s32 $0x4;
	vm1 =	vcmask $0x1B18;
	v3 =	vsel vm2, $0x280, v3;
	v4 =	vsel vm2, $0x3280, v4;
	s22 =	sadd.s32 $0xFFFFFFE0, s15;
	[smem:$0x7F8] =	sst s21  }
0x30: {  	s30 =	simm.s32 $0x8;
	vm2 =	vcmask $0x1F1C;
	v3 =	vsel vm1, $0x300, v3;
	v4 =	vsel vm1, $0x3300, v4;
	s23 =	sor.u32 $0x80, s15;
	[smem:$0x7F9] =	sst s22  }
0x31: {  	vm1 =	vcmask $0x2320;
	v3 =	vsel vm2, $0x380, v3;
	v4 =	vsel vm2, $0x3380, v4;
	s24 =	sor.u32 $0xA0, s15;
	s10 =	simm.s32 $0x0;
	[smem:$0x7FA] =	sst s23  }
0x32: {  	vm2 =	vcmask $0x2724;
	v3 =	vsel vm1, $0x1800, v3;
	v4 =	vsel vm1, $0x4800, v4;
	s20 =	sor.u32 $0x20, s15;
	[smem:$0x7FB] =	sst s24;
	s25 =	sadd.s32 $0x7BC00, s16  }
0x33: {  	vm1 =	vcmask $0x2B28;
	v3 =	vsel vm2, $0x1880, v3;
	v4 =	vsel vm2, $0x4880, v4;
	[dreg:$0x18] =	wrdreg s16;
	s26 =	sadd.s32 $0x7C600, s16;
	s16 =	simm.s32 $0xD00  }
0x34: {  	vm2 =	vcmask $0x2F2C;
	s17 =	simm.s32 $0xD80;
	s24 =	simm.s32 $0xE00;
	s18 =	simm.s32 $0x1;
	v3 =	vsel vm1, $0x1900, v3;
	v4 =	vsel vm1, $0x4900, v4  }
0x35: {  	s23 =	simm.s32 $0x1700;
	s21 =	simm.s32 $0x7700;
	vm1 =	vcmask $0x3330;
	[smem:$0x7F7] =	sst s20;
	v3 =	vsel vm2, $0x1980, v3;
	v4 =	vsel vm2, $0x4980, v4  }
0x36: {  	s19 =	simm.s32 $0x6;
	s22 =	simm.s32 $0x7;
	[smem:$0x7FC] =	sst s25;
	vm2 =	vcmask $0x3734;
	v3 =	vsel vm1, $0x1A00, v3;
	v4 =	vsel vm1, $0x4A00, v4  }
0x37: {  	s5 =	sadd.s32 s6, s5;
	[smem:$0x7FD] =	sst s26;
	s26 =	simm.s32 $0x2;
	vm1 =	vcmask $0x3B38;
	v3 =	vsel vm2, $0x1A80, v3;
	v4 =	vsel vm2, $0x4A80, v4  }
0x38: {  	v1 =	vmul.u32 $0x8, v1;
	s25 =	simm.s32 $0x3;
	s20 =	simm.s32 $0x13700;
	[smem:$0x7F3] =	sst s5;
	v3 =	vsel vm1, $0x1B00, v3;
	v4 =	vsel vm1, $0x4B00, v4  }
.LBB2_1:
0x39: {  	[smem:$0x7EA] =	sst s10  }
0x3a: {  	s0 =	rddreg [dreg:$0x8];
	s15 =	simm.s32 $0xD  }
0x3b: {  	[tilespmem:s7], [sflag:$0xD] =	stream.linear.gather [hbm4b:s0+s7], $0xD00, $0x38;
	[tilespmem:$0x19700] =	vst v63  }
0x3c: {  	_ =	swait.ge [sflag:s15], $0xD00  }
0x3d: {  	[sflag:s15] =	ssyncset.done $0x0;
	s5 =	rddreg [dreg:$0x19]  }
0x3e: {  	s10 =	rddreg [dreg:$0x1a];
	[sflag:s15] =	ssyncadd.s32 $0xFFFFF300  }
0x3f: {  	[tilespmem:s16], [sflag:$0x1] =	stream.linear.gather [hbm4b:s5+s7], $0x20, $0x38;
	[tilespmem:$0x19700] =	vst v63  }
0x40: {  	s14 =	rddreg [dreg:$0x1b]  }
0x41: {  	[tilespmem:s17], [sflag:$0x1] =	stream.linear.gather [hbm4b:s10+s7], $0x20, $0x38;
	[tilespmem:$0x19700] =	vst v63  }
0x42: {  	s15 =	rddreg [dreg:$0x1c]  }
0x43: {  	[tilespmem:s24], [sflag:$0x1] =	stream.linear.gather [hbm4b:s14+s7], $0x20, $0x38;
	[tilespmem:$0x19700] =	vst v63  }
0x44: {  	s5 =	simm.s32 $0xE80;
	s10 =	rddreg [dreg:$0x1d]  }
0x45: {  	[tilespmem:s5], [sflag:$0x1] =	stream.linear.gather [hbm4b:s15+s7], $0x20, $0x38;
	[tilespmem:$0x19700] =	vst v63  }
0x46: {  	s14 =	simm.s32 $0xF00;
	s15 =	rddreg [dreg:$0x1e]  }
0x47: {  	[tilespmem:s14], [sflag:$0x1] =	stream.linear.gather [hbm4b:s10+s7], $0x20, $0x38;
	[tilespmem:$0x19700] =	vst v63  }
0x48: {  	s5 =	simm.s32 $0xF80;
	s10 =	rddreg [dreg:$0x1f]  }
0x49: {  	[tilespmem:s5], [sflag:$0x2] =	stream.linear.gather [hbm4b:s15+s7], $0x20, $0x38;
	[tilespmem:$0x19700] =	vst v63  }
0x4a: {  	s14 =	simm.s32 $0x1000;
	s15 =	sld [smem:$0x7EB]  }
0x4b: {  	[tilespmem:s14], [sflag:$0x2] =	stream.linear.gather [hbm4b:s10+s7], $0x20, $0x38;
	[tilespmem:$0x19700] =	vst v63  }
0x4c: {  	s5 =	simm.s32 $0x1080;
	s10 =	sld [smem:$0x7EC]  }
0x4d: {  	[tilespmem:s5], [sflag:$0x2] =	stream.linear.gather [hbm4b:s15+s7], $0x20, $0x38;
	[tilespmem:$0x19700] =	vst v63  }
0x4e: {  	s14 =	simm.s32 $0x1100;
	s15 =	sld [smem:$0x7ED]  }
0x4f: {  	[tilespmem:s14], [sflag:$0x2] =	stream.linear.gather [hbm4b:s10+s7], $0x20, $0x38;
	[tilespmem:$0x19700] =	vst v63  }
0x50: {  	s5 =	simm.s32 $0x1180  }
0x51: {  	[tilespmem:s5], [sflag:$0x2] =	stream.linear.gather [hbm4b:s15+s7], $0x20, $0x38;
	[tilespmem:$0x19700] =	vst v63  }
0x52: {  	s10 =	rddreg [dreg:$0x9];
	s5 =	simm.s32 $0x1200  }
0x53: {  	[tilespmem:s5], [sflag:$0x3] =	stream.linear.gather [hbm4b:s10+s7], $0x20, $0x38;
	[tilespmem:$0x19700] =	vst v63  }
0x54: {  	s14 =	rddreg [dreg:$0xa];
	s15 =	simm.s32 $0x1280  }
0x55: {  	[tilespmem:s15], [sflag:$0x3] =	stream.linear.gather [hbm4b:s14+s7], $0x20, $0x38;
	[tilespmem:$0x19700] =	vst v63  }
0x56: {  	s5 =	rddreg [dreg:$0xb];
	s10 =	simm.s32 $0x1300  }
0x57: {  	[tilespmem:s10], [sflag:$0x3] =	stream.linear.gather [hbm4b:s5+s7], $0x20, $0x38;
	[tilespmem:$0x19700] =	vst v63  }
0x58: {  	s14 =	rddreg [dreg:$0xc];
	s15 =	simm.s32 $0x1380  }
0x59: {  	[tilespmem:s15], [sflag:$0x3] =	stream.linear.gather [hbm4b:s14+s7], $0x20, $0x38;
	[tilespmem:$0x19700] =	vst v63  }
0x5a: {  	s5 =	rddreg [dreg:$0xd];
	s10 =	simm.s32 $0x1400  }
0x5b: {  	[tilespmem:s10], [sflag:$0x3] =	stream.linear.gather [hbm4b:s5+s7], $0x20, $0x38;
	[tilespmem:$0x19700] =	vst v63  }
0x5c: {  	s14 =	rddreg [dreg:$0xe];
	s15 =	simm.s32 $0x1480  }
0x5d: {  	[tilespmem:s15], [sflag:$0x4] =	stream.linear.gather [hbm4b:s14+s7], $0x20, $0x38;
	[tilespmem:$0x19700] =	vst v63  }
0x5e: {  	s5 =	rddreg [dreg:$0xf];
	s10 =	simm.s32 $0x1500  }
0x5f: {  	[tilespmem:s10], [sflag:$0x4] =	stream.linear.gather [hbm4b:s5+s7], $0x20, $0x38;
	[tilespmem:$0x19700] =	vst v63  }
0x60: {  	s14 =	rddreg [dreg:$0x10];
	s15 =	simm.s32 $0x1580  }
0x61: {  	[tilespmem:s15], [sflag:$0x4] =	stream.linear.gather [hbm4b:s14+s7], $0x20, $0x38;
	[tilespmem:$0x19700] =	vst v63  }
0x62: {  	s5 =	rddreg [dreg:$0x11];
	s10 =	simm.s32 $0x1600  }
0x63: {  	[tilespmem:s10], [sflag:$0x4] =	stream.linear.gather [hbm4b:s5+s7], $0x20, $0x38;
	[tilespmem:$0x19700] =	vst v63  }
0x64: {  	s14 =	rddreg [dreg:$0x12];
	s15 =	simm.s32 $0x1680  }
0x65: {  	[tilespmem:s15], [sflag:$0x4] =	stream.linear.gather [hbm4b:s14+s7], $0x20, $0x38;
	[tilespmem:$0x19700] =	vst v63  }
0x66: {  	_ =	swait.ge [sflag:s18], $0x20  }
0x67: {  	[sflag:s18] =	ssyncset.done $0x0  }
0x68: {  	[sflag:s18] =	ssyncadd.s32 $0xFFFFFFE0  }
0x69: {  	_ =	swait.ge [sflag:s18], $0x20  }
0x6a: {  	[sflag:s18] =	ssyncset.done $0x0  }
0x6b: {  	[sflag:s18] =	ssyncadd.s32 $0xFFFFFFE0  }
0x6c: {  	_ =	swait.ge [sflag:s18], $0x20  }
0x6d: {  	[sflag:s18] =	ssyncset.done $0x0  }
0x6e: {  	[sflag:s18] =	ssyncadd.s32 $0xFFFFFFE0  }
0x6f: {  	_ =	swait.ge [sflag:s18], $0x20  }
0x70: {  	[sflag:s18] =	ssyncset.done $0x0  }
0x71: {  	[sflag:s18] =	ssyncadd.s32 $0xFFFFFFE0  }
0x72: {  	_ =	swait.ge [sflag:s18], $0x20  }
0x73: {  	[sflag:s18] =	ssyncset.done $0x0  }
0x74: {  	[sflag:s18] =	ssyncadd.s32 $0xFFFFFFE0  }
0x75: {  	v5 =	vld [tilespmem:$0xD80];
	_ =	sdelay $0x4  }
0x76: {  	v6 =	vperm.xlane v5, v0;
	_ =	sdelay $0x1  }
0x77: {  	v5 =	vperm.xlane v5, v2;
	v6 =	vadd.s32 v1, v6;
	_ =	sdelay $0x1  }
0x78: {  	v5 =	vadd.s32 v1, v5;
	_ =	sdelay $0x1  }
0x79: {  	s5 =	simm.s32 $0x1B00  }
0x7a: {  	[tilespmem:s5], [sflag:$0x5] =	stream.indirect_vreg.gather [hbm4b:s1+s7], $0x80, v6, vm0, $0xb8;
	[tilespmem:$0x19700] =	vst v63  }
0x7b: {  	s10 =	simm.s32 $0x3300  }
0x7c: {  	[tilespmem:s10], [sflag:$0x5] =	stream.indirect_vreg.gather [hbm4b:s1+s7], $0x80, v5, vm0, $0xb8;
	[tilespmem:$0x19700] =	vst v63  }
0x7d: {  	v5 =	vld [tilespmem:$0xD90];
	_ =	sdelay $0x4  }
0x7e: {  	v6 =	vperm.xlane v5, v0;
	_ =	sdelay $0x1  }
0x7f: {  	v5 =	vperm.xlane v5, v2;
	v6 =	vadd.s32 v1, v6;
	_ =	sdelay $0x1  }
0x80: {  	v5 =	vadd.s32 v1, v5;
	_ =	sdelay $0x1  }
0x81: {  	s14 =	simm.s32 $0x4B00  }
0x82: {  	[tilespmem:s14], [sflag:$0x5] =	stream.indirect_vreg.gather [hbm4b:s1+s7], $0x80, v6, vm0, $0xb8;
	[tilespmem:$0x19700] =	vst v63  }
0x83: {  	s15 =	simm.s32 $0x6300  }
0x84: {  	[tilespmem:s15], [sflag:$0x5] =	stream.indirect_vreg.gather [hbm4b:s1+s7], $0x80, v5, vm0, $0xb8;
	[tilespmem:$0x19700] =	vst v63  }
0x85: {  	v5 =	vld [tilespmem:$0xE00];
	_ =	sdelay $0x4  }
0x86: {  	v6 =	vperm.xlane v5, v0;
	_ =	sdelay $0x1  }
0x87: {  	v5 =	vperm.xlane v5, v2;
	v6 =	vadd.s32 v1, v6;
	_ =	sdelay $0x1  }
0x88: {  	v5 =	vadd.s32 v1, v5;
	_ =	sdelay $0x1  }
0x89: {  	s5 =	simm.s32 $0x1F00  }
0x8a: {  	[tilespmem:s5], [sflag:$0x5] =	stream.indirect_vreg.gather [hbm4b:s2+s7], $0x80, v6, vm0, $0xb8;
	[tilespmem:$0x19700] =	vst v63  }
0x8b: {  	s10 =	simm.s32 $0x3700  }
0x8c: {  	[tilespmem:s10], [sflag:$0x5] =	stream.indirect_vreg.gather [hbm4b:s2+s7], $0x80, v5, vm0, $0xb8;
	[tilespmem:$0x19700] =	vst v63  }
0x8d: {  	v5 =	vld [tilespmem:$0xE10];
	_ =	sdelay $0x4  }
0x8e: {  	v6 =	vperm.xlane v5, v0;
	_ =	sdelay $0x1  }
0x8f: {  	v5 =	vperm.xlane v5, v2;
	v6 =	vadd.s32 v1, v6;
	_ =	sdelay $0x1  }
0x90: {  	v5 =	vadd.s32 v1, v5;
	_ =	sdelay $0x1  }
0x91: {  	s14 =	simm.s32 $0x4F00  }
0x92: {  	[tilespmem:s14], [sflag:$0x5] =	stream.indirect_vreg.gather [hbm4b:s2+s7], $0x80, v6, vm0, $0xb8;
	[tilespmem:$0x19700] =	vst v63  }
0x93: {  	s15 =	simm.s32 $0x6700  }
0x94: {  	[tilespmem:s15], [sflag:$0x5] =	stream.indirect_vreg.gather [hbm4b:s2+s7], $0x80, v5, vm0, $0xb8;
	[tilespmem:$0x19700] =	vst v63  }
0x95: {  	v5 =	vld [tilespmem:$0xE80];
	_ =	sdelay $0x4  }
0x96: {  	v6 =	vperm.xlane v5, v0;
	_ =	sdelay $0x1  }
0x97: {  	v5 =	vperm.xlane v5, v2;
	v6 =	vadd.s32 v1, v6;
	_ =	sdelay $0x1  }
0x98: {  	v5 =	vadd.s32 v1, v5;
	_ =	sdelay $0x1  }
0x99: {  	s5 =	simm.s32 $0x2300  }
0x9a: {  	[tilespmem:s5], [sflag:$0x5] =	stream.indirect_vreg.gather [hbm4b:s3+s7], $0x80, v6, vm0, $0xb8;
	[tilespmem:$0x19700] =	vst v63  }
0x9b: {  	s10 =	simm.s32 $0x3B00  }
0x9c: {  	[tilespmem:s10], [sflag:$0x5] =	stream.indirect_vreg.gather [hbm4b:s3+s7], $0x80, v5, vm0, $0xb8;
	[tilespmem:$0x19700] =	vst v63  }
0x9d: {  	v5 =	vld [tilespmem:$0xE90];
	_ =	sdelay $0x4  }
0x9e: {  	v6 =	vperm.xlane v5, v0;
	_ =	sdelay $0x1  }
0x9f: {  	v5 =	vperm.xlane v5, v2;
	v6 =	vadd.s32 v1, v6;
	_ =	sdelay $0x1  }
0xa0: {  	v5 =	vadd.s32 v1, v5;
	_ =	sdelay $0x1  }
0xa1: {  	s14 =	simm.s32 $0x5300  }
0xa2: {  	[tilespmem:s14], [sflag:$0x5] =	stream.indirect_vreg.gather [hbm4b:s3+s7], $0x80, v6, vm0, $0xb8;
	[tilespmem:$0x19700] =	vst v63  }
0xa3: {  	s15 =	simm.s32 $0x6B00  }
0xa4: {  	[tilespmem:s15], [sflag:$0x5] =	stream.indirect_vreg.gather [hbm4b:s3+s7], $0x80, v5, vm0, $0xb8;
	[tilespmem:$0x19700] =	vst v63  }
0xa5: {  	v5 =	vld [tilespmem:$0xF00];
	_ =	sdelay $0x4  }
0xa6: {  	v6 =	vperm.xlane v5, v0;
	_ =	sdelay $0x1  }
0xa7: {  	v5 =	vperm.xlane v5, v2;
	v6 =	vadd.s32 v1, v6;
	_ =	sdelay $0x1  }
0xa8: {  	v5 =	vadd.s32 v1, v5;
	_ =	sdelay $0x1  }
0xa9: {  	s5 =	simm.s32 $0x2700  }
0xaa: {  	[tilespmem:s5], [sflag:$0x5] =	stream.indirect_vreg.gather [hbm4b:s4+s7], $0x80, v6, vm0, $0xb8;
	[tilespmem:$0x19700] =	vst v63  }
0xab: {  	s10 =	simm.s32 $0x3F00  }
0xac: {  	[tilespmem:s10], [sflag:$0x5] =	stream.indirect_vreg.gather [hbm4b:s4+s7], $0x80, v5, vm0, $0xb8;
	[tilespmem:$0x19700] =	vst v63  }
0xad: {  	v5 =	vld [tilespmem:$0xF10];
	_ =	sdelay $0x4  }
0xae: {  	v6 =	vperm.xlane v5, v0;
	_ =	sdelay $0x1  }
0xaf: {  	v5 =	vperm.xlane v5, v2;
	v6 =	vadd.s32 v1, v6;
	_ =	sdelay $0x1  }
0xb0: {  	v5 =	vadd.s32 v1, v5;
	_ =	sdelay $0x1  }
0xb1: {  	s14 =	simm.s32 $0x5700  }
0xb2: {  	[tilespmem:s14], [sflag:$0x5] =	stream.indirect_vreg.gather [hbm4b:s4+s7], $0x80, v6, vm0, $0xb8;
	[tilespmem:$0x19700] =	vst v63  }
0xb3: {  	s15 =	simm.s32 $0x6F00  }
0xb4: {  	[tilespmem:s15], [sflag:$0x5] =	stream.indirect_vreg.gather [hbm4b:s4+s7], $0x80, v5, vm0, $0xb8;
	[tilespmem:$0x19700] =	vst v63  }
0xb5: {  	v5 =	vld [tilespmem:$0xD00];
	_ =	sdelay $0x5  }
0xb6: {  	v6 =	vld [tilespmem:$0xD10];
	_ =	sdelay $0x1  }
0xb7: {  	v8 =	vor.u32 s7, v3;
	v7 =	vld.idx.msk [tilespmem:v5+s7+$0x0], $0xffff;
	_ =	sdelay $0x4  }
0xb8: {  	[tilespmem:v8+s23+$0x0] =	vst.idx.msk $0xffff, v7  }
0xb9: {  	v5 =	vadd.s32 $0x1A, v5;
	v8 =	vor.u32 s7, v4;
	v7 =	vld.idx.msk [tilespmem:v6+s7+$0x0], $0xffff  }
0xba: {  	v9 =	vadd.s32 s7, v5;
	_ =	sdelay $0x3  }
0xbb: {  	[tilespmem:v8+s23+$0x0] =	vst.idx.msk $0xffff, v7  }
0xbc: {  	s10 =	simm.s32 $0x0;
	s14 =	simm.s32 $0x1;
	s15 =	simm.s32 $0x2;
	v6 =	vadd.s32 $0x1A, v6;
	v7 =	vld.idx.msk [tilespmem:v9+s7+$0x0], $0xffff  }
.LBB2_2:
0xbd: {  	p0 =	sne.s32 s15, $0x7F;
	v8 =	vor.u32 s14, v3  }
0xbe: {  	v9 =	vadd.s32 s10, v6;
	_ =	sdelay $0x3  }
0xbf: {  	[tilespmem:v8+s23+$0x0] =	vst.idx.msk $0xffff, v7  }
0xc0: {  	v7 =	vld.idx.msk [tilespmem:v9+s7+$0x0], $0xffff  }
0xc1: {  	s10 =	sadd.s32 $0x1A, s10;
	v8 =	vor.u32 s14, v4;
	s14 =	smov.u32 s15  }
0xc2: {  	v9 =	vadd.s32 s10, v5  }
.Ltmp0:
0xc3: {  	(pc) =	sbr.rel @p0 .LBB2_2-.Ltmp0, $3  }
0xc4: {  	_ =	sdelay $0x1  }
0xc5: {  	[tilespmem:v8+s23+$0x0] =	vst.idx.msk $0xffff, v7  }
0xc6: {  	s15 =	sadd.s32 $0x1, s15;
	v7 =	vld.idx.msk [tilespmem:v9+s7+$0x0], $0xffff  }
0xc7: {  	v5 =	vor.u32 s14, v3  }
0xc8: {  	v6 =	vadd.s32 s10, v6;
	_ =	sdelay $0x3  }
0xc9: {  	[tilespmem:v5+s23+$0x0] =	vst.idx.msk $0xffff, v7  }
0xca: {  	v5 =	vld.idx.msk [tilespmem:v6+s7+$0x0], $0xffff;
	v6 =	vor.u32 s14, v4;
	_ =	sdelay $0x4  }
0xcb: {  	[tilespmem:v6+s23+$0x0] =	vst.idx.msk $0xffff, v5  }
0xcc: {  	_ =	swait.ge [sflag:s26], $0x20  }
0xcd: {  	[sflag:s26] =	ssyncset.done $0x0  }
0xce: {  	[sflag:s26] =	ssyncadd.s32 $0xFFFFFFE0  }
0xcf: {  	_ =	swait.ge [sflag:s26], $0x20  }
0xd0: {  	[sflag:s26] =	ssyncset.done $0x0  }
0xd1: {  	[sflag:s26] =	ssyncadd.s32 $0xFFFFFFE0  }
0xd2: {  	_ =	swait.ge [sflag:s26], $0x20  }
0xd3: {  	[sflag:s26] =	ssyncset.done $0x0  }
0xd4: {  	[sflag:s26] =	ssyncadd.s32 $0xFFFFFFE0  }
0xd5: {  	_ =	swait.ge [sflag:s26], $0x20  }
0xd6: {  	[sflag:s26] =	ssyncset.done $0x0  }
0xd7: {  	[sflag:s26] =	ssyncadd.s32 $0xFFFFFFE0  }
0xd8: {  	_ =	swait.ge [sflag:s26], $0x20  }
0xd9: {  	[sflag:s26] =	ssyncset.done $0x0  }
0xda: {  	[sflag:s26] =	ssyncadd.s32 $0xFFFFFFE0  }
0xdb: {  	v5 =	vld [tilespmem:$0x1000];
	_ =	sdelay $0x4  }
0xdc: {  	v6 =	vperm.xlane v5, v0;
	_ =	sdelay $0x1  }
0xdd: {  	v5 =	vperm.xlane v5, v2;
	v6 =	vadd.s32 v1, v6;
	_ =	sdelay $0x1  }
0xde: {  	v5 =	vadd.s32 v1, v5;
	_ =	sdelay $0x1  }
0xdf: {  	s0 =	simm.s32 $0x7B00;
	s14 =	simm.s32 $0x0  }
0xe0: {  	[tilespmem:s0], [sflag:$0x6] =	stream.indirect_vreg.gather [hbm4b:s1+s14], $0x80, v6, vm0, $0xb8;
	[tilespmem:$0x19700] =	vst v63  }
0xe1: {  	s5 =	simm.s32 $0x9300  }
0xe2: {  	[tilespmem:s5], [sflag:$0x6] =	stream.indirect_vreg.gather [hbm4b:s1+s14], $0x80, v5, vm0, $0xb8;
	[tilespmem:$0x19700] =	vst v63  }
0xe3: {  	v5 =	vld [tilespmem:$0x1010];
	_ =	sdelay $0x4  }
0xe4: {  	v6 =	vperm.xlane v5, v0;
	_ =	sdelay $0x1  }
0xe5: {  	v5 =	vperm.xlane v5, v2;
	v6 =	vadd.s32 v1, v6;
	_ =	sdelay $0x1  }
0xe6: {  	v5 =	vadd.s32 v1, v5;
	_ =	sdelay $0x1  }
0xe7: {  	s10 =	simm.s32 $0xAB00  }
0xe8: {  	[tilespmem:s10], [sflag:$0x6] =	stream.indirect_vreg.gather [hbm4b:s1+s14], $0x80, v6, vm0, $0xb8;
	[tilespmem:$0x19700] =	vst v63  }
0xe9: {  	s15 =	simm.s32 $0xC300  }
0xea: {  	[tilespmem:s15], [sflag:$0x6] =	stream.indirect_vreg.gather [hbm4b:s1+s14], $0x80, v5, vm0, $0xb8;
	[tilespmem:$0x19700] =	vst v63  }
0xeb: {  	v5 =	vld [tilespmem:$0x1080];
	_ =	sdelay $0x4  }
0xec: {  	v6 =	vperm.xlane v5, v0;
	_ =	sdelay $0x1  }
0xed: {  	v5 =	vperm.xlane v5, v2;
	v6 =	vadd.s32 v1, v6;
	_ =	sdelay $0x1  }
0xee: {  	v5 =	vadd.s32 v1, v5;
	_ =	sdelay $0x1  }
0xef: {  	s5 =	simm.s32 $0x7F00  }
0xf0: {  	[tilespmem:s5], [sflag:$0x6] =	stream.indirect_vreg.gather [hbm4b:s2+s14], $0x80, v6, vm0, $0xb8;
	[tilespmem:$0x19700] =	vst v63  }
0xf1: {  	s10 =	simm.s32 $0x9700  }
0xf2: {  	[tilespmem:s10], [sflag:$0x6] =	stream.indirect_vreg.gather [hbm4b:s2+s14], $0x80, v5, vm0, $0xb8;
	[tilespmem:$0x19700] =	vst v63  }
0xf3: {  	v5 =	vld [tilespmem:$0x1090];
	_ =	sdelay $0x4  }
0xf4: {  	v6 =	vperm.xlane v5, v0;
	_ =	sdelay $0x1  }
0xf5: {  	v5 =	vperm.xlane v5, v2;
	v6 =	vadd.s32 v1, v6;
	_ =	sdelay $0x1  }
0xf6: {  	v5 =	vadd.s32 v1, v5;
	_ =	sdelay $0x1  }
0xf7: {  	s15 =	simm.s32 $0xAF00  }
0xf8: {  	[tilespmem:s15], [sflag:$0x6] =	stream.indirect_vreg.gather [hbm4b:s2+s14], $0x80, v6, vm0, $0xb8;
	[tilespmem:$0x19700] =	vst v63  }
0xf9: {  	s5 =	simm.s32 $0xC700  }
0xfa: {  	[tilespmem:s5], [sflag:$0x6] =	stream.indirect_vreg.gather [hbm4b:s2+s14], $0x80, v5, vm0, $0xb8;
	[tilespmem:$0x19700] =	vst v63  }
0xfb: {  	v5 =	vld [tilespmem:$0x1100];
	_ =	sdelay $0x4  }
0xfc: {  	v6 =	vperm.xlane v5, v0;
	_ =	sdelay $0x1  }
0xfd: {  	v5 =	vperm.xlane v5, v2;
	v6 =	vadd.s32 v1, v6;
	_ =	sdelay $0x1  }
0xfe: {  	v5 =	vadd.s32 v1, v5;
	_ =	sdelay $0x1  }
0xff: {  	s10 =	simm.s32 $0x8300  }
0x100: {  	[tilespmem:s10], [sflag:$0x6] =	stream.indirect_vreg.gather [hbm4b:s3+s14], $0x80, v6, vm0, $0xb8;
	[tilespmem:$0x19700] =	vst v63  }
0x101: {  	s15 =	simm.s32 $0x9B00  }
0x102: {  	[tilespmem:s15], [sflag:$0x6] =	stream.indirect_vreg.gather [hbm4b:s3+s14], $0x80, v5, vm0, $0xb8;
	[tilespmem:$0x19700] =	vst v63  }
0x103: {  	v5 =	vld [tilespmem:$0x1110];
	_ =	sdelay $0x4  }
0x104: {  	v6 =	vperm.xlane v5, v0;
	_ =	sdelay $0x1  }
0x105: {  	v5 =	vperm.xlane v5, v2;
	v6 =	vadd.s32 v1, v6;
	_ =	sdelay $0x1  }
0x106: {  	v5 =	vadd.s32 v1, v5;
	_ =	sdelay $0x1  }
0x107: {  	s5 =	simm.s32 $0xB300  }
0x108: {  	[tilespmem:s5], [sflag:$0x6] =	stream.indirect_vreg.gather [hbm4b:s3+s14], $0x80, v6, vm0, $0xb8;
	[tilespmem:$0x19700] =	vst v63  }
0x109: {  	s10 =	simm.s32 $0xCB00  }
0x10a: {  	[tilespmem:s10], [sflag:$0x6] =	stream.indirect_vreg.gather [hbm4b:s3+s14], $0x80, v5, vm0, $0xb8;
	[tilespmem:$0x19700] =	vst v63  }
0x10b: {  	v5 =	vld [tilespmem:$0x1180];
	_ =	sdelay $0x4  }
0x10c: {  	v6 =	vperm.xlane v5, v0;
	_ =	sdelay $0x1  }
0x10d: {  	v5 =	vperm.xlane v5, v2;
	v6 =	vadd.s32 v1, v6;
	_ =	sdelay $0x1  }
0x10e: {  	v5 =	vadd.s32 v1, v5;
	_ =	sdelay $0x1  }
0x10f: {  	s15 =	simm.s32 $0x8700  }
0x110: {  	[tilespmem:s15], [sflag:$0x6] =	stream.indirect_vreg.gather [hbm4b:s4+s14], $0x80, v6, vm0, $0xb8;
	[tilespmem:$0x19700] =	vst v63  }
0x111: {  	s5 =	simm.s32 $0x9F00  }
0x112: {  	[tilespmem:s5], [sflag:$0x6] =	stream.indirect_vreg.gather [hbm4b:s4+s14], $0x80, v5, vm0, $0xb8;
	[tilespmem:$0x19700] =	vst v63  }
0x113: {  	v5 =	vld [tilespmem:$0x1190];
	_ =	sdelay $0x4  }
0x114: {  	v6 =	vperm.xlane v5, v0;
	_ =	sdelay $0x1  }
0x115: {  	v5 =	vperm.xlane v5, v2;
	v6 =	vadd.s32 v1, v6;
	_ =	sdelay $0x1  }
0x116: {  	v5 =	vadd.s32 v1, v5;
	_ =	sdelay $0x1  }
0x117: {  	s10 =	simm.s32 $0xB700  }
0x118: {  	[tilespmem:s10], [sflag:$0x6] =	stream.indirect_vreg.gather [hbm4b:s4+s14], $0x80, v6, vm0, $0xb8;
	[tilespmem:$0x19700] =	vst v63  }
0x119: {  	s15 =	simm.s32 $0xCF00  }
0x11a: {  	[tilespmem:s15], [sflag:$0x6] =	stream.indirect_vreg.gather [hbm4b:s4+s14], $0x80, v5, vm0, $0xb8;
	[tilespmem:$0x19700] =	vst v63  }
0x11b: {  	v5 =	vld [tilespmem:$0xF80];
	_ =	sdelay $0x5  }
0x11c: {  	v6 =	vld [tilespmem:$0xF90];
	_ =	sdelay $0x1  }
0x11d: {  	v8 =	vor.u32 s14, v3;
	v7 =	vld.idx.msk [tilespmem:v5+s7+$0x0], $0xffff;
	_ =	sdelay $0x4  }
0x11e: {  	[tilespmem:v8+s21+$0x0] =	vst.idx.msk $0xffff, v7  }
0x11f: {  	v5 =	vadd.s32 $0x1A, v5;
	v8 =	vor.u32 s14, v4;
	v7 =	vld.idx.msk [tilespmem:v6+s7+$0x0], $0xffff  }
0x120: {  	v9 =	vadd.s32 s14, v5;
	_ =	sdelay $0x3  }
0x121: {  	[tilespmem:v8+s21+$0x0] =	vst.idx.msk $0xffff, v7  }
0x122: {  	s10 =	simm.s32 $0x2;
	s15 =	simm.s32 $0x1;
	v6 =	vadd.s32 $0x1A, v6;
	v7 =	vld.idx.msk [tilespmem:v9+s7+$0x0], $0xffff  }
.LBB2_4:
0x123: {  	p0 =	sne.s32 s10, $0x7F;
	v8 =	vor.u32 s15, v3  }
0x124: {  	v9 =	vadd.s32 s14, v6;
	_ =	sdelay $0x3  }
0x125: {  	[tilespmem:v8+s21+$0x0] =	vst.idx.msk $0xffff, v7  }
0x126: {  	v7 =	vld.idx.msk [tilespmem:v9+s7+$0x0], $0xffff  }
0x127: {  	s14 =	sadd.s32 $0x1A, s14;
	v8 =	vor.u32 s15, v4;
	s15 =	smov.u32 s10  }
0x128: {  	v9 =	vadd.s32 s14, v5  }
.Ltmp1:
0x129: {  	(pc) =	sbr.rel @p0 .LBB2_4-.Ltmp1, $3  }
0x12a: {  	_ =	sdelay $0x1  }
0x12b: {  	[tilespmem:v8+s21+$0x0] =	vst.idx.msk $0xffff, v7  }
0x12c: {  	s10 =	sadd.s32 $0x1, s10;
	v7 =	vld.idx.msk [tilespmem:v9+s7+$0x0], $0xffff  }
0x12d: {  	v5 =	vor.u32 s15, v3  }
0x12e: {  	v6 =	vadd.s32 s14, v6;
	_ =	sdelay $0x3  }
0x12f: {  	[tilespmem:v5+s21+$0x0] =	vst.idx.msk $0xffff, v7  }
0x130: {  	v5 =	vld.idx.msk [tilespmem:v6+s7+$0x0], $0xffff;
	v6 =	vor.u32 s15, v4;
	_ =	sdelay $0x4  }
0x131: {  	[tilespmem:v6+s21+$0x0] =	vst.idx.msk $0xffff, v5  }
0x132: {  	_ =	swait.ge [sflag:s25], $0x20  }
0x133: {  	[sflag:s25] =	ssyncset.done $0x0  }
0x134: {  	[sflag:s25] =	ssyncadd.s32 $0xFFFFFFE0  }
0x135: {  	_ =	swait.ge [sflag:s25], $0x20  }
0x136: {  	[sflag:s25] =	ssyncset.done $0x0  }
0x137: {  	[sflag:s25] =	ssyncadd.s32 $0xFFFFFFE0  }
0x138: {  	_ =	swait.ge [sflag:s25], $0x20  }
0x139: {  	[sflag:s25] =	ssyncset.done $0x0  }
0x13a: {  	[sflag:s25] =	ssyncadd.s32 $0xFFFFFFE0  }
0x13b: {  	_ =	swait.ge [sflag:s25], $0x20  }
0x13c: {  	[sflag:s25] =	ssyncset.done $0x0  }
0x13d: {  	[sflag:s25] =	ssyncadd.s32 $0xFFFFFFE0  }
0x13e: {  	_ =	swait.ge [sflag:s25], $0x20  }
0x13f: {  	[sflag:s25] =	ssyncset.done $0x0  }
0x140: {  	[sflag:s25] =	ssyncadd.s32 $0xFFFFFFE0  }
0x141: {  	v5 =	vld [tilespmem:$0x1280];
	_ =	sdelay $0x4  }
0x142: {  	v6 =	vperm.xlane v5, v0;
	_ =	sdelay $0x1  }
0x143: {  	v5 =	vperm.xlane v5, v2;
	v6 =	vadd.s32 v1, v6;
	_ =	sdelay $0x1  }
0x144: {  	v5 =	vadd.s32 v1, v5;
	_ =	sdelay $0x1  }
0x145: {  	s14 =	simm.s32 $0x0;
	s0 =	simm.s32 $0xDB00  }
0x146: {  	[tilespmem:s0], [sflag:$0x7] =	stream.indirect_vreg.gather [hbm4b:s1+s14], $0x80, v6, vm0, $0xb8;
	[tilespmem:$0x19700] =	vst v63  }
0x147: {  	s5 =	simm.s32 $0xF300  }
0x148: {  	[tilespmem:s5], [sflag:$0x7] =	stream.indirect_vreg.gather [hbm4b:s1+s14], $0x80, v5, vm0, $0xb8;
	[tilespmem:$0x19700] =	vst v63  }
0x149: {  	v5 =	vld [tilespmem:$0x1290];
	_ =	sdelay $0x4  }
0x14a: {  	v6 =	vperm.xlane v5, v0;
	_ =	sdelay $0x1  }
0x14b: {  	v5 =	vperm.xlane v5, v2;
	v6 =	vadd.s32 v1, v6;
	_ =	sdelay $0x1  }
0x14c: {  	v5 =	vadd.s32 v1, v5;
	_ =	sdelay $0x1  }
0x14d: {  	s10 =	simm.s32 $0x10B00  }
0x14e: {  	[tilespmem:s10], [sflag:$0x7] =	stream.indirect_vreg.gather [hbm4b:s1+s14], $0x80, v6, vm0, $0xb8;
	[tilespmem:$0x19700] =	vst v63  }
0x14f: {  	s15 =	simm.s32 $0x12300  }
0x150: {  	[tilespmem:s15], [sflag:$0x7] =	stream.indirect_vreg.gather [hbm4b:s1+s14], $0x80, v5, vm0, $0xb8;
	[tilespmem:$0x19700] =	vst v63  }
0x151: {  	v5 =	vld [tilespmem:$0x1300];
	_ =	sdelay $0x4  }
0x152: {  	v6 =	vperm.xlane v5, v0;
	_ =	sdelay $0x1  }
0x153: {  	v5 =	vperm.xlane v5, v2;
	v6 =	vadd.s32 v1, v6;
	_ =	sdelay $0x1  }
0x154: {  	v5 =	vadd.s32 v1, v5;
	_ =	sdelay $0x1  }
0x155: {  	s5 =	simm.s32 $0xDF00  }
0x156: {  	[tilespmem:s5], [sflag:$0x7] =	stream.indirect_vreg.gather [hbm4b:s2+s14], $0x80, v6, vm0, $0xb8;
	[tilespmem:$0x19700] =	vst v63  }
0x157: {  	s10 =	simm.s32 $0xF700  }
0x158: {  	[tilespmem:s10], [sflag:$0x7] =	stream.indirect_vreg.gather [hbm4b:s2+s14], $0x80, v5, vm0, $0xb8;
	[tilespmem:$0x19700] =	vst v63  }
0x159: {  	v5 =	vld [tilespmem:$0x1310];
	_ =	sdelay $0x4  }
0x15a: {  	v6 =	vperm.xlane v5, v0;
	_ =	sdelay $0x1  }
0x15b: {  	v5 =	vperm.xlane v5, v2;
	v6 =	vadd.s32 v1, v6;
	_ =	sdelay $0x1  }
0x15c: {  	v5 =	vadd.s32 v1, v5;
	_ =	sdelay $0x1  }
0x15d: {  	s15 =	simm.s32 $0x10F00  }
0x15e: {  	[tilespmem:s15], [sflag:$0x7] =	stream.indirect_vreg.gather [hbm4b:s2+s14], $0x80, v6, vm0, $0xb8;
	[tilespmem:$0x19700] =	vst v63  }
0x15f: {  	s5 =	simm.s32 $0x12700  }
0x160: {  	[tilespmem:s5], [sflag:$0x7] =	stream.indirect_vreg.gather [hbm4b:s2+s14], $0x80, v5, vm0, $0xb8;
	[tilespmem:$0x19700] =	vst v63  }
0x161: {  	v5 =	vld [tilespmem:$0x1380];
	_ =	sdelay $0x4  }
0x162: {  	v6 =	vperm.xlane v5, v0;
	_ =	sdelay $0x1  }
0x163: {  	v5 =	vperm.xlane v5, v2;
	v6 =	vadd.s32 v1, v6;
	_ =	sdelay $0x1  }
0x164: {  	v5 =	vadd.s32 v1, v5;
	_ =	sdelay $0x1  }
0x165: {  	s10 =	simm.s32 $0xE300  }
0x166: {  	[tilespmem:s10], [sflag:$0x7] =	stream.indirect_vreg.gather [hbm4b:s3+s14], $0x80, v6, vm0, $0xb8;
	[tilespmem:$0x19700] =	vst v63  }
0x167: {  	s15 =	simm.s32 $0xFB00  }
0x168: {  	[tilespmem:s15], [sflag:$0x7] =	stream.indirect_vreg.gather [hbm4b:s3+s14], $0x80, v5, vm0, $0xb8;
	[tilespmem:$0x19700] =	vst v63  }
0x169: {  	v5 =	vld [tilespmem:$0x1390];
	_ =	sdelay $0x4  }
0x16a: {  	v6 =	vperm.xlane v5, v0;
	_ =	sdelay $0x1  }
0x16b: {  	v5 =	vperm.xlane v5, v2;
	v6 =	vadd.s32 v1, v6;
	_ =	sdelay $0x1  }
0x16c: {  	v5 =	vadd.s32 v1, v5;
	_ =	sdelay $0x1  }
0x16d: {  	s5 =	simm.s32 $0x11300  }
0x16e: {  	[tilespmem:s5], [sflag:$0x7] =	stream.indirect_vreg.gather [hbm4b:s3+s14], $0x80, v6, vm0, $0xb8;
	[tilespmem:$0x19700] =	vst v63  }
0x16f: {  	s10 =	simm.s32 $0x12B00  }
0x170: {  	[tilespmem:s10], [sflag:$0x7] =	stream.indirect_vreg.gather [hbm4b:s3+s14], $0x80, v5, vm0, $0xb8;
	[tilespmem:$0x19700] =	vst v63  }
0x171: {  	v5 =	vld [tilespmem:$0x1400];
	_ =	sdelay $0x4  }
0x172: {  	v6 =	vperm.xlane v5, v0;
	_ =	sdelay $0x1  }
0x173: {  	v5 =	vperm.xlane v5, v2;
	v6 =	vadd.s32 v1, v6;
	_ =	sdelay $0x1  }
0x174: {  	v5 =	vadd.s32 v1, v5;
	_ =	sdelay $0x1  }
0x175: {  	s15 =	simm.s32 $0xE700  }
0x176: {  	[tilespmem:s15], [sflag:$0x7] =	stream.indirect_vreg.gather [hbm4b:s4+s14], $0x80, v6, vm0, $0xb8;
	[tilespmem:$0x19700] =	vst v63  }
0x177: {  	s5 =	simm.s32 $0xFF00  }
0x178: {  	[tilespmem:s5], [sflag:$0x7] =	stream.indirect_vreg.gather [hbm4b:s4+s14], $0x80, v5, vm0, $0xb8;
	[tilespmem:$0x19700] =	vst v63  }
0x179: {  	v5 =	vld [tilespmem:$0x1410];
	_ =	sdelay $0x4  }
0x17a: {  	v6 =	vperm.xlane v5, v0;
	_ =	sdelay $0x1  }
0x17b: {  	v5 =	vperm.xlane v5, v2;
	v6 =	vadd.s32 v1, v6;
	_ =	sdelay $0x1  }
0x17c: {  	v5 =	vadd.s32 v1, v5;
	_ =	sdelay $0x1  }
0x17d: {  	s10 =	simm.s32 $0x11700  }
0x17e: {  	[tilespmem:s10], [sflag:$0x7] =	stream.indirect_vreg.gather [hbm4b:s4+s14], $0x80, v6, vm0, $0xb8;
	[tilespmem:$0x19700] =	vst v63  }
0x17f: {  	s15 =	simm.s32 $0x12F00  }
0x180: {  	[tilespmem:s15], [sflag:$0x7] =	stream.indirect_vreg.gather [hbm4b:s4+s14], $0x80, v5, vm0, $0xb8;
	[tilespmem:$0x19700] =	vst v63  }
0x181: {  	v5 =	vld [tilespmem:$0x1200];
	_ =	sdelay $0x5  }
0x182: {  	v6 =	vld [tilespmem:$0x1210];
	_ =	sdelay $0x1  }
0x183: {  	v8 =	vor.u32 s14, v3;
	v7 =	vld.idx.msk [tilespmem:v5+s7+$0x0], $0xffff;
	_ =	sdelay $0x4  }
0x184: {  	[tilespmem:v8+s28+$0x0] =	vst.idx.msk $0xffff, v7  }
0x185: {  	v5 =	vadd.s32 $0x1A, v5;
	v8 =	vor.u32 s14, v4;
	v7 =	vld.idx.msk [tilespmem:v6+s7+$0x0], $0xffff  }
0x186: {  	v9 =	vadd.s32 s14, v5;
	_ =	sdelay $0x3  }
0x187: {  	[tilespmem:v8+s28+$0x0] =	vst.idx.msk $0xffff, v7  }
0x188: {  	s10 =	simm.s32 $0x2;
	s15 =	simm.s32 $0x1;
	v6 =	vadd.s32 $0x1A, v6;
	v7 =	vld.idx.msk [tilespmem:v9+s7+$0x0], $0xffff  }
.LBB2_6:
0x189: {  	p0 =	sne.s32 s10, $0x7F;
	v8 =	vor.u32 s15, v3  }
0x18a: {  	v9 =	vadd.s32 s14, v6;
	_ =	sdelay $0x3  }
0x18b: {  	[tilespmem:v8+s28+$0x0] =	vst.idx.msk $0xffff, v7  }
0x18c: {  	v7 =	vld.idx.msk [tilespmem:v9+s7+$0x0], $0xffff  }
0x18d: {  	s14 =	sadd.s32 $0x1A, s14;
	v8 =	vor.u32 s15, v4;
	s15 =	smov.u32 s10  }
0x18e: {  	v9 =	vadd.s32 s14, v5  }
.Ltmp2:
0x18f: {  	(pc) =	sbr.rel @p0 .LBB2_6-.Ltmp2, $3  }
0x190: {  	_ =	sdelay $0x1  }
0x191: {  	[tilespmem:v8+s28+$0x0] =	vst.idx.msk $0xffff, v7  }
0x192: {  	s10 =	sadd.s32 $0x1, s10;
	v7 =	vld.idx.msk [tilespmem:v9+s7+$0x0], $0xffff  }
0x193: {  	v5 =	vor.u32 s15, v3  }
0x194: {  	v6 =	vadd.s32 s14, v6;
	_ =	sdelay $0x3  }
0x195: {  	[tilespmem:v5+s28+$0x0] =	vst.idx.msk $0xffff, v7  }
0x196: {  	v5 =	vld.idx.msk [tilespmem:v6+s7+$0x0], $0xffff;
	v6 =	vor.u32 s15, v4;
	_ =	sdelay $0x4  }
0x197: {  	[tilespmem:v6+s28+$0x0] =	vst.idx.msk $0xffff, v5  }
0x198: {  	_ =	swait.ge [sflag:s31], $0x1000  }
0x199: {  	[sflag:s31] =	ssyncset.done $0x0  }
0x19a: {  	[sflag:s31] =	ssyncadd.s32 $0xFFFFF000  }
0x19b: {  	_ =	swait.ge [sflag:s31], $0x1000  }
0x19c: {  	[sflag:s31] =	ssyncset.done $0x0  }
0x19d: {  	[sflag:s31] =	ssyncadd.s32 $0xFFFFF000  }
0x19e: {  	_ =	swait.ge [sflag:s31], $0x1000  }
0x19f: {  	[sflag:s31] =	ssyncset.done $0x0  }
0x1a0: {  	[sflag:s31] =	ssyncadd.s32 $0xFFFFF000  }
0x1a1: {  	_ =	swait.ge [sflag:s31], $0x1000  }
0x1a2: {  	[sflag:s31] =	ssyncset.done $0x0  }
0x1a3: {  	s14 =	simm.s32 $0x0;
	s0 =	rddreg [dreg:$0x13];
	[sflag:s31] =	ssyncadd.s32 $0xFFFFF000  }
0x1a4: {  	[tilespmem:s16], [sflag:$0x1] =	stream.linear.gather [hbm4b:s0+s14], $0x20, $0x38;
	[tilespmem:$0x19700] =	vst v63  }
0x1a5: {  	s15 =	rddreg [dreg:$0x14]  }
0x1a6: {  	[tilespmem:s17], [sflag:$0x1] =	stream.linear.gather [hbm4b:s15+s14], $0x20, $0x38;
	[tilespmem:$0x19700] =	vst v63  }
0x1a7: {  	s16 =	rddreg [dreg:$0x15]  }
0x1a8: {  	[tilespmem:s24], [sflag:$0x1] =	stream.linear.gather [hbm4b:s16+s14], $0x20, $0x38;
	[tilespmem:$0x19700] =	vst v63  }
0x1a9: {  	s10 =	simm.s32 $0xE80;
	s17 =	rddreg [dreg:$0x16]  }
0x1aa: {  	[tilespmem:s10], [sflag:$0x1] =	stream.linear.gather [hbm4b:s17+s14], $0x20, $0x38;
	[tilespmem:$0x19700] =	vst v63  }
0x1ab: {  	s5 =	simm.s32 $0xF00;
	s24 =	rddreg [dreg:$0x17]  }
0x1ac: {  	[tilespmem:s5], [sflag:$0x1] =	stream.linear.gather [hbm4b:s24+s14], $0x20, $0x38;
	[tilespmem:$0x19700] =	vst v63  }
0x1ad: {  	s15 =	rddreg [dreg:$0x18]  }
0x1ae: {  	[hbm4b:s15+s14] =	stream.linear.scatter [tilespmem:s23], [sflag:$0x9], $0x1400, $0x38;
	[tilespmem:$0x19700] =	vst v63  }
0x1af: {  	s16 =	sadd.s32 $0x280, s15;
	s5 =	simm.s32 $0x2F00  }
0x1b0: {  	[hbm4b:s16+s14] =	stream.linear.scatter [tilespmem:s5], [sflag:$0x9], $0x1400, $0x38;
	[tilespmem:$0x19700] =	vst v63  }
0x1b1: {  	s17 =	sadd.s32 $0x500, s15;
	s24 =	simm.s32 $0x4700  }
0x1b2: {  	[hbm4b:s17+s14] =	stream.linear.scatter [tilespmem:s24], [sflag:$0x9], $0x1400, $0x38;
	[tilespmem:$0x19700] =	vst v63  }
0x1b3: {  	s10 =	simm.s32 $0x5F00;
	s5 =	sadd.s32 $0x780, s15  }
0x1b4: {  	[hbm4b:s5+s14] =	stream.linear.scatter [tilespmem:s10], [sflag:$0x9], $0x1400, $0x38;
	[tilespmem:$0x19700] =	vst v63  }
0x1b5: {  	_ =	swait.ge [sflag:s29], $0x20  }
0x1b6: {  	[sflag:s29] =	ssyncset.done $0x0  }
0x1b7: {  	[sflag:s29] =	ssyncadd.s32 $0xFFFFFFE0  }
0x1b8: {  	_ =	swait.ge [sflag:s29], $0x20  }
0x1b9: {  	[sflag:s29] =	ssyncset.done $0x0  }
0x1ba: {  	[sflag:s29] =	ssyncadd.s32 $0xFFFFFFE0  }
0x1bb: {  	_ =	swait.ge [sflag:s29], $0x20  }
0x1bc: {  	[sflag:s29] =	ssyncset.done $0x0  }
0x1bd: {  	[sflag:s29] =	ssyncadd.s32 $0xFFFFFFE0  }
0x1be: {  	_ =	swait.ge [sflag:s29], $0x20  }
0x1bf: {  	[sflag:s29] =	ssyncset.done $0x0  }
0x1c0: {  	[sflag:s29] =	ssyncadd.s32 $0xFFFFFFE0  }
0x1c1: {  	_ =	swait.ge [sflag:s29], $0x20  }
0x1c2: {  	[sflag:s29] =	ssyncset.done $0x0  }
0x1c3: {  	[sflag:s29] =	ssyncadd.s32 $0xFFFFFFE0  }
0x1c4: {  	v5 =	vld [tilespmem:$0x1500];
	_ =	sdelay $0x4  }
0x1c5: {  	v6 =	vperm.xlane v5, v0;
	_ =	sdelay $0x1  }
0x1c6: {  	v5 =	vperm.xlane v5, v2;
	v6 =	vadd.s32 v1, v6;
	_ =	sdelay $0x1  }
0x1c7: {  	v5 =	vadd.s32 v1, v5;
	_ =	sdelay $0x1  }
0x1c8: {  	s15 =	simm.s32 $0x13B00  }
0x1c9: {  	[tilespmem:s15], [sflag:$0x8] =	stream.indirect_vreg.gather [hbm4b:s1+s14], $0x80, v6, vm0, $0xb8;
	[tilespmem:$0x19700] =	vst v63  }
0x1ca: {  	s16 =	simm.s32 $0x15300  }
0x1cb: {  	[tilespmem:s16], [sflag:$0x8] =	stream.indirect_vreg.gather [hbm4b:s1+s14], $0x80, v5, vm0, $0xb8;
	[tilespmem:$0x19700] =	vst v63  }
0x1cc: {  	v5 =	vld [tilespmem:$0x1510];
	_ =	sdelay $0x4  }
0x1cd: {  	v6 =	vperm.xlane v5, v0;
	_ =	sdelay $0x1  }
0x1ce: {  	v5 =	vperm.xlane v5, v2;
	v6 =	vadd.s32 v1, v6;
	_ =	sdelay $0x1  }
0x1cf: {  	v5 =	vadd.s32 v1, v5;
	_ =	sdelay $0x1  }
0x1d0: {  	s17 =	simm.s32 $0x16B00  }
0x1d1: {  	[tilespmem:s17], [sflag:$0x8] =	stream.indirect_vreg.gather [hbm4b:s1+s14], $0x80, v6, vm0, $0xb8;
	[tilespmem:$0x19700] =	vst v63  }
0x1d2: {  	s24 =	simm.s32 $0x18300  }
0x1d3: {  	[tilespmem:s24], [sflag:$0x8] =	stream.indirect_vreg.gather [hbm4b:s1+s14], $0x80, v5, vm0, $0xb8;
	[tilespmem:$0x19700] =	vst v63  }
0x1d4: {  	v5 =	vld [tilespmem:$0x1580];
	_ =	sdelay $0x4  }
0x1d5: {  	v6 =	vperm.xlane v5, v0;
	_ =	sdelay $0x1  }
0x1d6: {  	v5 =	vperm.xlane v5, v2;
	v6 =	vadd.s32 v1, v6;
	_ =	sdelay $0x1  }
0x1d7: {  	v5 =	vadd.s32 v1, v5;
	_ =	sdelay $0x1  }
0x1d8: {  	s5 =	simm.s32 $0x13F00  }
0x1d9: {  	[tilespmem:s5], [sflag:$0x8] =	stream.indirect_vreg.gather [hbm4b:s2+s14], $0x80, v6, vm0, $0xb8;
	[tilespmem:$0x19700] =	vst v63  }
0x1da: {  	s10 =	simm.s32 $0x15700  }
0x1db: {  	[tilespmem:s10], [sflag:$0x8] =	stream.indirect_vreg.gather [hbm4b:s2+s14], $0x80, v5, vm0, $0xb8;
	[tilespmem:$0x19700] =	vst v63  }
0x1dc: {  	v5 =	vld [tilespmem:$0x1590];
	_ =	sdelay $0x4  }
0x1dd: {  	v6 =	vperm.xlane v5, v0;
	_ =	sdelay $0x1  }
0x1de: {  	v5 =	vperm.xlane v5, v2;
	v6 =	vadd.s32 v1, v6;
	_ =	sdelay $0x1  }
0x1df: {  	v5 =	vadd.s32 v1, v5;
	_ =	sdelay $0x1  }
0x1e0: {  	s15 =	simm.s32 $0x16F00  }
0x1e1: {  	[tilespmem:s15], [sflag:$0x8] =	stream.indirect_vreg.gather [hbm4b:s2+s14], $0x80, v6, vm0, $0xb8;
	[tilespmem:$0x19700] =	vst v63  }
0x1e2: {  	s16 =	simm.s32 $0x18700  }
0x1e3: {  	[tilespmem:s16], [sflag:$0x8] =	stream.indirect_vreg.gather [hbm4b:s2+s14], $0x80, v5, vm0, $0xb8;
	[tilespmem:$0x19700] =	vst v63  }
0x1e4: {  	v5 =	vld [tilespmem:$0x1600];
	_ =	sdelay $0x4  }
0x1e5: {  	v6 =	vperm.xlane v5, v0;
	_ =	sdelay $0x1  }
0x1e6: {  	v5 =	vperm.xlane v5, v2;
	v6 =	vadd.s32 v1, v6;
	_ =	sdelay $0x1  }
0x1e7: {  	v5 =	vadd.s32 v1, v5;
	_ =	sdelay $0x1  }
0x1e8: {  	s17 =	simm.s32 $0x14300  }
0x1e9: {  	[tilespmem:s17], [sflag:$0x8] =	stream.indirect_vreg.gather [hbm4b:s3+s14], $0x80, v6, vm0, $0xb8;
	[tilespmem:$0x19700] =	vst v63  }
0x1ea: {  	s24 =	simm.s32 $0x15B00  }
0x1eb: {  	[tilespmem:s24], [sflag:$0x8] =	stream.indirect_vreg.gather [hbm4b:s3+s14], $0x80, v5, vm0, $0xb8;
	[tilespmem:$0x19700] =	vst v63  }
0x1ec: {  	v5 =	vld [tilespmem:$0x1610];
	_ =	sdelay $0x4  }
0x1ed: {  	v6 =	vperm.xlane v5, v0;
	_ =	sdelay $0x1  }
0x1ee: {  	v5 =	vperm.xlane v5, v2;
	v6 =	vadd.s32 v1, v6;
	_ =	sdelay $0x1  }
0x1ef: {  	v5 =	vadd.s32 v1, v5;
	_ =	sdelay $0x1  }
0x1f0: {  	s5 =	simm.s32 $0x17300  }
0x1f1: {  	[tilespmem:s5], [sflag:$0x8] =	stream.indirect_vreg.gather [hbm4b:s3+s14], $0x80, v6, vm0, $0xb8;
	[tilespmem:$0x19700] =	vst v63  }
0x1f2: {  	s10 =	simm.s32 $0x18B00  }
0x1f3: {  	[tilespmem:s10], [sflag:$0x8] =	stream.indirect_vreg.gather [hbm4b:s3+s14], $0x80, v5, vm0, $0xb8;
	[tilespmem:$0x19700] =	vst v63  }
0x1f4: {  	v5 =	vld [tilespmem:$0x1680];
	_ =	sdelay $0x4  }
0x1f5: {  	v6 =	vperm.xlane v5, v0;
	_ =	sdelay $0x1  }
0x1f6: {  	v5 =	vperm.xlane v5, v2;
	v6 =	vadd.s32 v1, v6;
	_ =	sdelay $0x1  }
0x1f7: {  	v5 =	vadd.s32 v1, v5;
	_ =	sdelay $0x1  }
0x1f8: {  	s15 =	simm.s32 $0x14700  }
0x1f9: {  	[tilespmem:s15], [sflag:$0x8] =	stream.indirect_vreg.gather [hbm4b:s4+s14], $0x80, v6, vm0, $0xb8;
	[tilespmem:$0x19700] =	vst v63  }
0x1fa: {  	s16 =	simm.s32 $0x15F00  }
0x1fb: {  	[tilespmem:s16], [sflag:$0x8] =	stream.indirect_vreg.gather [hbm4b:s4+s14], $0x80, v5, vm0, $0xb8;
	[tilespmem:$0x19700] =	vst v63  }
0x1fc: {  	v5 =	vld [tilespmem:$0x1690];
	_ =	sdelay $0x4  }
0x1fd: {  	v6 =	vperm.xlane v5, v0;
	_ =	sdelay $0x1  }
0x1fe: {  	v5 =	vperm.xlane v5, v2;
	v6 =	vadd.s32 v1, v6;
	_ =	sdelay $0x1  }
0x1ff: {  	v5 =	vadd.s32 v1, v5;
	_ =	sdelay $0x1  }
0x200: {  	s17 =	simm.s32 $0x17700  }
0x201: {  	[tilespmem:s17], [sflag:$0x8] =	stream.indirect_vreg.gather [hbm4b:s4+s14], $0x80, v6, vm0, $0xb8;
	[tilespmem:$0x19700] =	vst v63  }
0x202: {  	s24 =	simm.s32 $0x18F00  }
0x203: {  	[tilespmem:s24], [sflag:$0x8] =	stream.indirect_vreg.gather [hbm4b:s4+s14], $0x80, v5, vm0, $0xb8;
	[tilespmem:$0x19700] =	vst v63  }
0x204: {  	v5 =	vld [tilespmem:$0x1480];
	_ =	sdelay $0x5  }
0x205: {  	v6 =	vld [tilespmem:$0x1490];
	_ =	sdelay $0x1  }
0x206: {  	v8 =	vor.u32 s14, v3;
	v7 =	vld.idx.msk [tilespmem:v5+s7+$0x0], $0xffff;
	_ =	sdelay $0x4  }
0x207: {  	[tilespmem:v8+s20+$0x0] =	vst.idx.msk $0xffff, v7  }
0x208: {  	v5 =	vadd.s32 $0x1A, v5;
	v8 =	vor.u32 s14, v4;
	v7 =	vld.idx.msk [tilespmem:v6+s7+$0x0], $0xffff  }
0x209: {  	v9 =	vadd.s32 s14, v5;
	_ =	sdelay $0x3  }
0x20a: {  	[tilespmem:v8+s20+$0x0] =	vst.idx.msk $0xffff, v7  }
0x20b: {  	s10 =	simm.s32 $0x2;
	s15 =	simm.s32 $0x1;
	v6 =	vadd.s32 $0x1A, v6;
	v7 =	vld.idx.msk [tilespmem:v9+s7+$0x0], $0xffff  }
.LBB2_8:
0x20c: {  	p0 =	sne.s32 s10, $0x7F;
	v8 =	vor.u32 s15, v3  }
0x20d: {  	v9 =	vadd.s32 s14, v6;
	_ =	sdelay $0x3  }
0x20e: {  	[tilespmem:v8+s20+$0x0] =	vst.idx.msk $0xffff, v7  }
0x20f: {  	v7 =	vld.idx.msk [tilespmem:v9+s7+$0x0], $0xffff  }
0x210: {  	s14 =	sadd.s32 $0x1A, s14;
	v8 =	vor.u32 s15, v4;
	s15 =	smov.u32 s10  }
0x211: {  	v9 =	vadd.s32 s14, v5  }
.Ltmp3:
0x212: {  	(pc) =	sbr.rel @p0 .LBB2_8-.Ltmp3, $3  }
0x213: {  	_ =	sdelay $0x1  }
0x214: {  	[tilespmem:v8+s20+$0x0] =	vst.idx.msk $0xffff, v7  }
0x215: {  	s10 =	sadd.s32 $0x1, s10;
	v7 =	vld.idx.msk [tilespmem:v9+s7+$0x0], $0xffff  }
0x216: {  	v5 =	vor.u32 s15, v3  }
0x217: {  	v6 =	vadd.s32 s14, v6;
	_ =	sdelay $0x3  }
0x218: {  	[tilespmem:v5+s20+$0x0] =	vst.idx.msk $0xffff, v7  }
0x219: {  	v5 =	vld.idx.msk [tilespmem:v6+s7+$0x0], $0xffff;
	v6 =	vor.u32 s15, v4;
	_ =	sdelay $0x4  }
0x21a: {  	[tilespmem:v6+s20+$0x0] =	vst.idx.msk $0xffff, v5  }
0x21b: {  	_ =	swait.ge [sflag:s19], $0x1000  }
0x21c: {  	[sflag:s19] =	ssyncset.done $0x0  }
0x21d: {  	[sflag:s19] =	ssyncadd.s32 $0xFFFFF000  }
0x21e: {  	_ =	swait.ge [sflag:s19], $0x1000  }
0x21f: {  	[sflag:s19] =	ssyncset.done $0x0  }
0x220: {  	[sflag:s19] =	ssyncadd.s32 $0xFFFFF000  }
0x221: {  	_ =	swait.ge [sflag:s19], $0x1000  }
0x222: {  	[sflag:s19] =	ssyncset.done $0x0  }
0x223: {  	[sflag:s19] =	ssyncadd.s32 $0xFFFFF000  }
0x224: {  	_ =	swait.ge [sflag:s19], $0x1000  }
0x225: {  	s0 =	sld [smem:$0x7EE]  }
0x226: {  	[sflag:s19] =	ssyncset.done $0x0  }
0x227: {  	s14 =	simm.s32 $0x0;
	s10 =	simm.s32 $0xF80;
	[sflag:s19] =	ssyncadd.s32 $0xFFFFF000  }
0x228: {  	[tilespmem:s10], [sflag:$0x2] =	stream.linear.gather [hbm4b:s0+s14], $0x20, $0x38;
	[tilespmem:$0x19700] =	vst v63  }
0x229: {  	s10 =	sld [smem:$0x7EF];
	_ =	sdelay $0x1  }
0x22a: {  	s15 =	simm.s32 $0x1000;
	s16 =	sld [smem:$0x7F0]  }
0x22b: {  	[tilespmem:s15], [sflag:$0x2] =	stream.linear.gather [hbm4b:s10+s14], $0x20, $0x38;
	[tilespmem:$0x19700] =	vst v63  }
0x22c: {  	s17 =	simm.s32 $0x1080;
	s24 =	sld [smem:$0x7F1]  }
0x22d: {  	[tilespmem:s17], [sflag:$0x2] =	stream.linear.gather [hbm4b:s16+s14], $0x20, $0x38;
	[tilespmem:$0x19700] =	vst v63  }
0x22e: {  	s5 =	simm.s32 $0x1100;
	s15 =	sld [smem:$0x7F2]  }
0x22f: {  	[tilespmem:s5], [sflag:$0x2] =	stream.linear.gather [hbm4b:s24+s14], $0x20, $0x38;
	[tilespmem:$0x19700] =	vst v63  }
0x230: {  	s16 =	simm.s32 $0x1180;
	s17 =	sld [smem:$0x7F3]  }
0x231: {  	[tilespmem:s16], [sflag:$0x2] =	stream.linear.gather [hbm4b:s15+s14], $0x20, $0x38;
	[tilespmem:$0x19700] =	vst v63  }
0x232: {  	_ = 	snop  }
0x233: {  	[hbm4b:s17+s14] =	stream.linear.scatter [tilespmem:s21], [sflag:$0xA], $0x1400, $0x38;
	[tilespmem:$0x19700] =	vst v63  }
0x234: {  	s5 =	simm.s32 $0x8F00;
	s24 =	sadd.s32 $0x280, s17  }
0x235: {  	[hbm4b:s24+s14] =	stream.linear.scatter [tilespmem:s5], [sflag:$0xA], $0x1400, $0x38;
	[tilespmem:$0x19700] =	vst v63  }
0x236: {  	s15 =	sadd.s32 $0x500, s17;
	s16 =	simm.s32 $0xA700  }
0x237: {  	[hbm4b:s15+s14] =	stream.linear.scatter [tilespmem:s16], [sflag:$0xA], $0x1400, $0x38;
	[tilespmem:$0x19700] =	vst v63  }
0x238: {  	s17 =	sadd.s32 $0x780, s17;
	s24 =	simm.s32 $0xBF00;
	s15 =	simm.s32 $0x0  }
0x239: {  	[hbm4b:s17+s14] =	stream.linear.scatter [tilespmem:s24], [sflag:$0xA], $0x1400, $0x38;
	[tilespmem:$0x19700] =	vst v63  }
.LBB2_10:
0x23a: {  	_ =	swait.ge [sflag:s18], $0x20  }
0x23b: {  	[sflag:s18] =	ssyncset.done $0x0  }
0x23c: {  	[sflag:s18] =	ssyncadd.s32 $0xFFFFFFE0  }
0x23d: {  	_ =	swait.ge [sflag:s18], $0x20  }
0x23e: {  	[sflag:s18] =	ssyncset.done $0x0  }
0x23f: {  	[sflag:s18] =	ssyncadd.s32 $0xFFFFFFE0  }
0x240: {  	_ =	swait.ge [sflag:s18], $0x20  }
0x241: {  	[sflag:s18] =	ssyncset.done $0x0  }
0x242: {  	[sflag:s18] =	ssyncadd.s32 $0xFFFFFFE0  }
0x243: {  	_ =	swait.ge [sflag:s18], $0x20  }
0x244: {  	[sflag:s18] =	ssyncset.done $0x0  }
0x245: {  	[sflag:s18] =	ssyncadd.s32 $0xFFFFFFE0  }
0x246: {  	_ =	swait.ge [sflag:s18], $0x20  }
0x247: {  	[sflag:s18] =	ssyncset.done $0x0  }
0x248: {  	s0 =	simm.s32 $0x9;
	[sflag:s18] =	ssyncadd.s32 $0xFFFFFFE0  }
0x249: {  	_ =	swait.ge [sflag:s0], $0x5000  }
0x24a: {  	[sflag:s0] =	ssyncset.done $0x0  }
0x24b: {  	[sflag:s0] =	ssyncadd.s32 $0xFFFFB000  }
0x24c: {  	v5 =	vld [tilespmem:$0xD80];
	_ =	sdelay $0x4  }
0x24d: {  	v6 =	vperm.xlane v5, v0;
	_ =	sdelay $0x1  }
0x24e: {  	v5 =	vperm.xlane v5, v2;
	v6 =	vadd.s32 v1, v6;
	_ =	sdelay $0x1  }
0x24f: {  	v5 =	vadd.s32 v1, v5;
	_ =	sdelay $0x1  }
0x250: {  	s24 =	simm.s32 $0x1B00  }
0x251: {  	[tilespmem:s24], [sflag:$0x5] =	stream.indirect_vreg.gather [hbm4b:s1+s14], $0x80, v6, vm0, $0xb8;
	[tilespmem:$0x19700] =	vst v63  }
0x252: {  	s5 =	simm.s32 $0x3300  }
0x253: {  	[tilespmem:s5], [sflag:$0x5] =	stream.indirect_vreg.gather [hbm4b:s1+s14], $0x80, v5, vm0, $0xb8;
	[tilespmem:$0x19700] =	vst v63  }
0x254: {  	v5 =	vld [tilespmem:$0xD90];
	_ =	sdelay $0x4  }
0x255: {  	v6 =	vperm.xlane v5, v0;
	_ =	sdelay $0x1  }
0x256: {  	v5 =	vperm.xlane v5, v2;
	v6 =	vadd.s32 v1, v6;
	_ =	sdelay $0x1  }
0x257: {  	v5 =	vadd.s32 v1, v5;
	_ =	sdelay $0x1  }
0x258: {  	s10 =	simm.s32 $0x4B00  }
0x259: {  	[tilespmem:s10], [sflag:$0x5] =	stream.indirect_vreg.gather [hbm4b:s1+s14], $0x80, v6, vm0, $0xb8;
	[tilespmem:$0x19700] =	vst v63  }
0x25a: {  	s16 =	simm.s32 $0x6300  }
0x25b: {  	[tilespmem:s16], [sflag:$0x5] =	stream.indirect_vreg.gather [hbm4b:s1+s14], $0x80, v5, vm0, $0xb8;
	[tilespmem:$0x19700] =	vst v63  }
0x25c: {  	v5 =	vld [tilespmem:$0xE00];
	_ =	sdelay $0x4  }
0x25d: {  	v6 =	vperm.xlane v5, v0;
	_ =	sdelay $0x1  }
0x25e: {  	v5 =	vperm.xlane v5, v2;
	v6 =	vadd.s32 v1, v6;
	_ =	sdelay $0x1  }
0x25f: {  	v5 =	vadd.s32 v1, v5;
	_ =	sdelay $0x1  }
0x260: {  	s17 =	simm.s32 $0x1F00  }
0x261: {  	[tilespmem:s17], [sflag:$0x5] =	stream.indirect_vreg.gather [hbm4b:s2+s14], $0x80, v6, vm0, $0xb8;
	[tilespmem:$0x19700] =	vst v63  }
0x262: {  	s24 =	simm.s32 $0x3700  }
0x263: {  	[tilespmem:s24], [sflag:$0x5] =	stream.indirect_vreg.gather [hbm4b:s2+s14], $0x80, v5, vm0, $0xb8;
	[tilespmem:$0x19700] =	vst v63  }
0x264: {  	v5 =	vld [tilespmem:$0xE10];
	_ =	sdelay $0x4  }
0x265: {  	v6 =	vperm.xlane v5, v0;
	_ =	sdelay $0x1  }
0x266: {  	v5 =	vperm.xlane v5, v2;
	v6 =	vadd.s32 v1, v6;
	_ =	sdelay $0x1  }
0x267: {  	v5 =	vadd.s32 v1, v5;
	_ =	sdelay $0x1  }
0x268: {  	s5 =	simm.s32 $0x4F00  }
0x269: {  	[tilespmem:s5], [sflag:$0x5] =	stream.indirect_vreg.gather [hbm4b:s2+s14], $0x80, v6, vm0, $0xb8;
	[tilespmem:$0x19700] =	vst v63  }
0x26a: {  	s10 =	simm.s32 $0x6700  }
0x26b: {  	[tilespmem:s10], [sflag:$0x5] =	stream.indirect_vreg.gather [hbm4b:s2+s14], $0x80, v5, vm0, $0xb8;
	[tilespmem:$0x19700] =	vst v63  }
0x26c: {  	v5 =	vld [tilespmem:$0xE80];
	_ =	sdelay $0x4  }
0x26d: {  	v6 =	vperm.xlane v5, v0;
	_ =	sdelay $0x1  }
0x26e: {  	v5 =	vperm.xlane v5, v2;
	v6 =	vadd.s32 v1, v6;
	_ =	sdelay $0x1  }
0x26f: {  	v5 =	vadd.s32 v1, v5;
	_ =	sdelay $0x1  }
0x270: {  	s16 =	simm.s32 $0x2300  }
0x271: {  	[tilespmem:s16], [sflag:$0x5] =	stream.indirect_vreg.gather [hbm4b:s3+s14], $0x80, v6, vm0, $0xb8;
	[tilespmem:$0x19700] =	vst v63  }
0x272: {  	s17 =	simm.s32 $0x3B00  }
0x273: {  	[tilespmem:s17], [sflag:$0x5] =	stream.indirect_vreg.gather [hbm4b:s3+s14], $0x80, v5, vm0, $0xb8;
	[tilespmem:$0x19700] =	vst v63  }
0x274: {  	v5 =	vld [tilespmem:$0xE90];
	_ =	sdelay $0x4  }
0x275: {  	v6 =	vperm.xlane v5, v0;
	_ =	sdelay $0x1  }
0x276: {  	v5 =	vperm.xlane v5, v2;
	v6 =	vadd.s32 v1, v6;
	_ =	sdelay $0x1  }
0x277: {  	v5 =	vadd.s32 v1, v5;
	_ =	sdelay $0x1  }
0x278: {  	s24 =	simm.s32 $0x5300  }
0x279: {  	[tilespmem:s24], [sflag:$0x5] =	stream.indirect_vreg.gather [hbm4b:s3+s14], $0x80, v6, vm0, $0xb8;
	[tilespmem:$0x19700] =	vst v63  }
0x27a: {  	s5 =	simm.s32 $0x6B00  }
0x27b: {  	[tilespmem:s5], [sflag:$0x5] =	stream.indirect_vreg.gather [hbm4b:s3+s14], $0x80, v5, vm0, $0xb8;
	[tilespmem:$0x19700] =	vst v63  }
0x27c: {  	v5 =	vld [tilespmem:$0xF00];
	_ =	sdelay $0x4  }
0x27d: {  	v6 =	vperm.xlane v5, v0;
	_ =	sdelay $0x1  }
0x27e: {  	v5 =	vperm.xlane v5, v2;
	v6 =	vadd.s32 v1, v6;
	_ =	sdelay $0x1  }
0x27f: {  	v5 =	vadd.s32 v1, v5;
	_ =	sdelay $0x1  }
0x280: {  	s10 =	simm.s32 $0x2700  }
0x281: {  	[tilespmem:s10], [sflag:$0x5] =	stream.indirect_vreg.gather [hbm4b:s4+s14], $0x80, v6, vm0, $0xb8;
	[tilespmem:$0x19700] =	vst v63  }
0x282: {  	s16 =	simm.s32 $0x3F00  }
0x283: {  	[tilespmem:s16], [sflag:$0x5] =	stream.indirect_vreg.gather [hbm4b:s4+s14], $0x80, v5, vm0, $0xb8;
	[tilespmem:$0x19700] =	vst v63  }
0x284: {  	v5 =	vld [tilespmem:$0xF10];
	_ =	sdelay $0x4  }
0x285: {  	v6 =	vperm.xlane v5, v0;
	_ =	sdelay $0x1  }
0x286: {  	v5 =	vperm.xlane v5, v2;
	v6 =	vadd.s32 v1, v6;
	_ =	sdelay $0x1  }
0x287: {  	v5 =	vadd.s32 v1, v5;
	_ =	sdelay $0x1  }
0x288: {  	s17 =	simm.s32 $0x5700  }
0x289: {  	[tilespmem:s17], [sflag:$0x5] =	stream.indirect_vreg.gather [hbm4b:s4+s14], $0x80, v6, vm0, $0xb8;
	[tilespmem:$0x19700] =	vst v63  }
0x28a: {  	s24 =	simm.s32 $0x6F00  }
0x28b: {  	[tilespmem:s24], [sflag:$0x5] =	stream.indirect_vreg.gather [hbm4b:s4+s14], $0x80, v5, vm0, $0xb8;
	[tilespmem:$0x19700] =	vst v63  }
0x28c: {  	v5 =	vld [tilespmem:$0xD00];
	_ =	sdelay $0x5  }
0x28d: {  	v6 =	vld [tilespmem:$0xD10];
	_ =	sdelay $0x1  }
0x28e: {  	v8 =	vor.u32 s14, v3;
	v7 =	vld.idx.msk [tilespmem:v5+s7+$0x0], $0xffff;
	_ =	sdelay $0x4  }
0x28f: {  	[tilespmem:v8+s23+$0x0] =	vst.idx.msk $0xffff, v7  }
0x290: {  	v5 =	vadd.s32 $0x1A, v5;
	v8 =	vor.u32 s14, v4;
	v7 =	vld.idx.msk [tilespmem:v6+s7+$0x0], $0xffff  }
0x291: {  	v9 =	vadd.s32 s14, v5;
	_ =	sdelay $0x3  }
0x292: {  	[tilespmem:v8+s23+$0x0] =	vst.idx.msk $0xffff, v7  }
0x293: {  	s10 =	simm.s32 $0x0;
	s16 =	simm.s32 $0x1;
	s17 =	simm.s32 $0x2;
	v6 =	vadd.s32 $0x1A, v6;
	v7 =	vld.idx.msk [tilespmem:v9+s7+$0x0], $0xffff  }
.LBB2_11:
0x294: {  	p0 =	sne.s32 s17, $0x7F;
	v8 =	vor.u32 s16, v3  }
0x295: {  	v9 =	vadd.s32 s10, v6;
	_ =	sdelay $0x3  }
0x296: {  	[tilespmem:v8+s23+$0x0] =	vst.idx.msk $0xffff, v7  }
0x297: {  	v7 =	vld.idx.msk [tilespmem:v9+s7+$0x0], $0xffff  }
0x298: {  	s10 =	sadd.s32 $0x1A, s10;
	v8 =	vor.u32 s16, v4;
	s16 =	smov.u32 s17  }
0x299: {  	v9 =	vadd.s32 s10, v5  }
.Ltmp4:
0x29a: {  	(pc) =	sbr.rel @p0 .LBB2_11-.Ltmp4, $3  }
0x29b: {  	_ =	sdelay $0x1  }
0x29c: {  	[tilespmem:v8+s23+$0x0] =	vst.idx.msk $0xffff, v7  }
0x29d: {  	s17 =	sadd.s32 $0x1, s17;
	v7 =	vld.idx.msk [tilespmem:v9+s7+$0x0], $0xffff  }
0x29e: {  	v5 =	vor.u32 s16, v3  }
0x29f: {  	v6 =	vadd.s32 s10, v6;
	_ =	sdelay $0x3  }
0x2a0: {  	[tilespmem:v5+s23+$0x0] =	vst.idx.msk $0xffff, v7  }
0x2a1: {  	v5 =	vld.idx.msk [tilespmem:v6+s7+$0x0], $0xffff;
	v6 =	vor.u32 s16, v4;
	_ =	sdelay $0x4  }
0x2a2: {  	[tilespmem:v6+s23+$0x0] =	vst.idx.msk $0xffff, v5  }
0x2a3: {  	_ =	swait.ge [sflag:s22], $0x1000  }
0x2a4: {  	[sflag:s22] =	ssyncset.done $0x0  }
0x2a5: {  	[sflag:s22] =	ssyncadd.s32 $0xFFFFF000  }
0x2a6: {  	_ =	swait.ge [sflag:s22], $0x1000  }
0x2a7: {  	[sflag:s22] =	ssyncset.done $0x0  }
0x2a8: {  	[sflag:s22] =	ssyncadd.s32 $0xFFFFF000  }
0x2a9: {  	_ =	swait.ge [sflag:s22], $0x1000  }
0x2aa: {  	[sflag:s22] =	ssyncset.done $0x0  }
0x2ab: {  	[sflag:s22] =	ssyncadd.s32 $0xFFFFF000  }
0x2ac: {  	_ =	swait.ge [sflag:s22], $0x1000  }
0x2ad: {  	s0 =	sld [smem:$0x7F5]  }
0x2ae: {  	s17 =	sadd.s32 $0x1, s15  }
0x2af: {  	s16 =	sshll.u32 s17, $0x7  }
0x2b0: {  	s0 =	sadd.s32 s16, s0  }
0x2b1: {  	s24 =	simm.s32 $0x0;
	[sflag:s22] =	ssyncset.done $0x0;
	s0 =	sshrl.u32 s0, $0x3  }
0x2b2: {  	s5 =	simm.s32 $0x1200;
	[sflag:s22] =	ssyncadd.s32 $0xFFFFF000;
	s10 =	sadd.s32 s8, s0  }
0x2b3: {  	[tilespmem:s5], [sflag:$0x3] =	stream.linear.gather [hbm4b:s10+s24], $0x20, $0x38;
	[tilespmem:$0x19700] =	vst v63  }
0x2b4: {  	s10 =	sadd.s32 s9, s0;
	s5 =	simm.s32 $0x1280  }
0x2b5: {  	[tilespmem:s5], [sflag:$0x3] =	stream.linear.gather [hbm4b:s10+s24], $0x20, $0x38;
	[tilespmem:$0x19700] =	vst v63  }
0x2b6: {  	s10 =	sadd.s32 s11, s0;
	s5 =	simm.s32 $0x1300  }
0x2b7: {  	[tilespmem:s5], [sflag:$0x3] =	stream.linear.gather [hbm4b:s10+s24], $0x20, $0x38;
	[tilespmem:$0x19700] =	vst v63  }
0x2b8: {  	s10 =	sadd.s32 s12, s0;
	s5 =	simm.s32 $0x1380  }
0x2b9: {  	[tilespmem:s5], [sflag:$0x3] =	stream.linear.gather [hbm4b:s10+s24], $0x20, $0x38;
	[tilespmem:$0x19700] =	vst v63  }
0x2ba: {  	s5 =	sld [smem:$0x7F6];
	_ =	sdelay $0x2  }
0x2bb: {  	s10 =	sadd.s32 s16, s5  }
0x2bc: {  	s10 =	sshrl.u32 s10, $0x3  }
0x2bd: {  	s0 =	sadd.s32 s13, s0;
	s5 =	simm.s32 $0x1400;
	s10 =	smul.u32 $0x280, s10  }
0x2be: {  	[tilespmem:s5], [sflag:$0x3] =	stream.linear.gather [hbm4b:s0+s24], $0x20, $0x38;
	[tilespmem:$0x19700] =	vst v63  }
0x2bf: {  	s0 =	sadd.s32 s6, s10  }
0x2c0: {  	[hbm4b:s0+s24] =	stream.linear.scatter [tilespmem:s28], [sflag:$0xB], $0x1400, $0x38;
	[tilespmem:$0x19700] =	vst v63  }
0x2c1: {  	s5 =	simm.s32 $0xEF00;
	s10 =	sadd.s32 $0x280, s0  }
0x2c2: {  	[hbm4b:s10+s24] =	stream.linear.scatter [tilespmem:s5], [sflag:$0xB], $0x1400, $0x38;
	[tilespmem:$0x19700] =	vst v63  }
0x2c3: {  	s10 =	sadd.s32 $0x500, s0;
	s5 =	simm.s32 $0x10700  }
0x2c4: {  	[hbm4b:s10+s24] =	stream.linear.scatter [tilespmem:s5], [sflag:$0xB], $0x1400, $0x38;
	[tilespmem:$0x19700] =	vst v63  }
0x2c5: {  	s0 =	sadd.s32 $0x780, s0;
	s10 =	simm.s32 $0x11F00  }
0x2c6: {  	[hbm4b:s0+s24] =	stream.linear.scatter [tilespmem:s10], [sflag:$0xB], $0x1400, $0x38;
	[tilespmem:$0x19700] =	vst v63  }
0x2c7: {  	_ =	swait.ge [sflag:s26], $0x20  }
0x2c8: {  	[sflag:s26] =	ssyncset.done $0x0  }
0x2c9: {  	[sflag:s26] =	ssyncadd.s32 $0xFFFFFFE0  }
0x2ca: {  	_ =	swait.ge [sflag:s26], $0x20  }
0x2cb: {  	[sflag:s26] =	ssyncset.done $0x0  }
0x2cc: {  	[sflag:s26] =	ssyncadd.s32 $0xFFFFFFE0  }
0x2cd: {  	_ =	swait.ge [sflag:s26], $0x20  }
0x2ce: {  	[sflag:s26] =	ssyncset.done $0x0  }
0x2cf: {  	[sflag:s26] =	ssyncadd.s32 $0xFFFFFFE0  }
0x2d0: {  	_ =	swait.ge [sflag:s26], $0x20  }
0x2d1: {  	[sflag:s26] =	ssyncset.done $0x0  }
0x2d2: {  	[sflag:s26] =	ssyncadd.s32 $0xFFFFFFE0  }
0x2d3: {  	_ =	swait.ge [sflag:s26], $0x20  }
0x2d4: {  	[sflag:s26] =	ssyncset.done $0x0  }
0x2d5: {  	s10 =	simm.s32 $0xA;
	[sflag:s26] =	ssyncadd.s32 $0xFFFFFFE0  }
0x2d6: {  	_ =	swait.ge [sflag:s10], $0x5000  }
0x2d7: {  	[sflag:s10] =	ssyncset.done $0x0  }
0x2d8: {  	[sflag:s10] =	ssyncadd.s32 $0xFFFFB000  }
0x2d9: {  	v5 =	vld [tilespmem:$0x1000];
	_ =	sdelay $0x4  }
0x2da: {  	v6 =	vperm.xlane v5, v0;
	_ =	sdelay $0x1  }
0x2db: {  	v5 =	vperm.xlane v5, v2;
	v6 =	vadd.s32 v1, v6;
	_ =	sdelay $0x1  }
0x2dc: {  	v5 =	vadd.s32 v1, v5;
	_ =	sdelay $0x1  }
0x2dd: {  	s5 =	simm.s32 $0x7B00  }
0x2de: {  	[tilespmem:s5], [sflag:$0x6] =	stream.indirect_vreg.gather [hbm4b:s1+s24], $0x80, v6, vm0, $0xb8;
	[tilespmem:$0x19700] =	vst v63  }
0x2df: {  	s10 =	simm.s32 $0x9300  }
0x2e0: {  	[tilespmem:s10], [sflag:$0x6] =	stream.indirect_vreg.gather [hbm4b:s1+s24], $0x80, v5, vm0, $0xb8;
	[tilespmem:$0x19700] =	vst v63  }
0x2e1: {  	v5 =	vld [tilespmem:$0x1010];
	_ =	sdelay $0x4  }
0x2e2: {  	v6 =	vperm.xlane v5, v0;
	_ =	sdelay $0x1  }
0x2e3: {  	v5 =	vperm.xlane v5, v2;
	v6 =	vadd.s32 v1, v6;
	_ =	sdelay $0x1  }
0x2e4: {  	v5 =	vadd.s32 v1, v5;
	_ =	sdelay $0x1  }
0x2e5: {  	s5 =	simm.s32 $0xAB00  }
0x2e6: {  	[tilespmem:s5], [sflag:$0x6] =	stream.indirect_vreg.gather [hbm4b:s1+s24], $0x80, v6, vm0, $0xb8;
	[tilespmem:$0x19700] =	vst v63  }
0x2e7: {  	s10 =	simm.s32 $0xC300  }
0x2e8: {  	[tilespmem:s10], [sflag:$0x6] =	stream.indirect_vreg.gather [hbm4b:s1+s24], $0x80, v5, vm0, $0xb8;
	[tilespmem:$0x19700] =	vst v63  }
0x2e9: {  	v5 =	vld [tilespmem:$0x1080];
	_ =	sdelay $0x4  }
0x2ea: {  	v6 =	vperm.xlane v5, v0;
	_ =	sdelay $0x1  }
0x2eb: {  	v5 =	vperm.xlane v5, v2;
	v6 =	vadd.s32 v1, v6;
	_ =	sdelay $0x1  }
0x2ec: {  	v5 =	vadd.s32 v1, v5;
	_ =	sdelay $0x1  }
0x2ed: {  	s5 =	simm.s32 $0x7F00  }
0x2ee: {  	[tilespmem:s5], [sflag:$0x6] =	stream.indirect_vreg.gather [hbm4b:s2+s24], $0x80, v6, vm0, $0xb8;
	[tilespmem:$0x19700] =	vst v63  }
0x2ef: {  	s10 =	simm.s32 $0x9700  }
0x2f0: {  	[tilespmem:s10], [sflag:$0x6] =	stream.indirect_vreg.gather [hbm4b:s2+s24], $0x80, v5, vm0, $0xb8;
	[tilespmem:$0x19700] =	vst v63  }
0x2f1: {  	v5 =	vld [tilespmem:$0x1090];
	_ =	sdelay $0x4  }
0x2f2: {  	v6 =	vperm.xlane v5, v0;
	_ =	sdelay $0x1  }
0x2f3: {  	v5 =	vperm.xlane v5, v2;
	v6 =	vadd.s32 v1, v6;
	_ =	sdelay $0x1  }
0x2f4: {  	v5 =	vadd.s32 v1, v5;
	_ =	sdelay $0x1  }
0x2f5: {  	s5 =	simm.s32 $0xAF00  }
0x2f6: {  	[tilespmem:s5], [sflag:$0x6] =	stream.indirect_vreg.gather [hbm4b:s2+s24], $0x80, v6, vm0, $0xb8;
	[tilespmem:$0x19700] =	vst v63  }
0x2f7: {  	s10 =	simm.s32 $0xC700  }
0x2f8: {  	[tilespmem:s10], [sflag:$0x6] =	stream.indirect_vreg.gather [hbm4b:s2+s24], $0x80, v5, vm0, $0xb8;
	[tilespmem:$0x19700] =	vst v63  }
0x2f9: {  	v5 =	vld [tilespmem:$0x1100];
	_ =	sdelay $0x4  }
0x2fa: {  	v6 =	vperm.xlane v5, v0;
	_ =	sdelay $0x1  }
0x2fb: {  	v5 =	vperm.xlane v5, v2;
	v6 =	vadd.s32 v1, v6;
	_ =	sdelay $0x1  }
0x2fc: {  	v5 =	vadd.s32 v1, v5;
	_ =	sdelay $0x1  }
0x2fd: {  	s5 =	simm.s32 $0x8300  }
0x2fe: {  	[tilespmem:s5], [sflag:$0x6] =	stream.indirect_vreg.gather [hbm4b:s3+s24], $0x80, v6, vm0, $0xb8;
	[tilespmem:$0x19700] =	vst v63  }
0x2ff: {  	s10 =	simm.s32 $0x9B00  }
0x300: {  	[tilespmem:s10], [sflag:$0x6] =	stream.indirect_vreg.gather [hbm4b:s3+s24], $0x80, v5, vm0, $0xb8;
	[tilespmem:$0x19700] =	vst v63  }
0x301: {  	v5 =	vld [tilespmem:$0x1110];
	_ =	sdelay $0x4  }
0x302: {  	v6 =	vperm.xlane v5, v0;
	_ =	sdelay $0x1  }
0x303: {  	v5 =	vperm.xlane v5, v2;
	v6 =	vadd.s32 v1, v6;
	_ =	sdelay $0x1  }
0x304: {  	v5 =	vadd.s32 v1, v5;
	_ =	sdelay $0x1  }
0x305: {  	s5 =	simm.s32 $0xB300  }
0x306: {  	[tilespmem:s5], [sflag:$0x6] =	stream.indirect_vreg.gather [hbm4b:s3+s24], $0x80, v6, vm0, $0xb8;
	[tilespmem:$0x19700] =	vst v63  }
0x307: {  	s10 =	simm.s32 $0xCB00  }
0x308: {  	[tilespmem:s10], [sflag:$0x6] =	stream.indirect_vreg.gather [hbm4b:s3+s24], $0x80, v5, vm0, $0xb8;
	[tilespmem:$0x19700] =	vst v63  }
0x309: {  	v5 =	vld [tilespmem:$0x1180];
	_ =	sdelay $0x4  }
0x30a: {  	v6 =	vperm.xlane v5, v0;
	_ =	sdelay $0x1  }
0x30b: {  	v5 =	vperm.xlane v5, v2;
	v6 =	vadd.s32 v1, v6;
	_ =	sdelay $0x1  }
0x30c: {  	v5 =	vadd.s32 v1, v5;
	_ =	sdelay $0x1  }
0x30d: {  	s5 =	simm.s32 $0x8700  }
0x30e: {  	[tilespmem:s5], [sflag:$0x6] =	stream.indirect_vreg.gather [hbm4b:s4+s24], $0x80, v6, vm0, $0xb8;
	[tilespmem:$0x19700] =	vst v63  }
0x30f: {  	s10 =	simm.s32 $0x9F00  }
0x310: {  	[tilespmem:s10], [sflag:$0x6] =	stream.indirect_vreg.gather [hbm4b:s4+s24], $0x80, v5, vm0, $0xb8;
	[tilespmem:$0x19700] =	vst v63  }
0x311: {  	v5 =	vld [tilespmem:$0x1190];
	_ =	sdelay $0x4  }
0x312: {  	v6 =	vperm.xlane v5, v0;
	_ =	sdelay $0x1  }
0x313: {  	v5 =	vperm.xlane v5, v2;
	v6 =	vadd.s32 v1, v6;
	_ =	sdelay $0x1  }
0x314: {  	v5 =	vadd.s32 v1, v5;
	_ =	sdelay $0x1  }
0x315: {  	s5 =	simm.s32 $0xB700  }
0x316: {  	[tilespmem:s5], [sflag:$0x6] =	stream.indirect_vreg.gather [hbm4b:s4+s24], $0x80, v6, vm0, $0xb8;
	[tilespmem:$0x19700] =	vst v63  }
0x317: {  	s10 =	simm.s32 $0xCF00  }
0x318: {  	[tilespmem:s10], [sflag:$0x6] =	stream.indirect_vreg.gather [hbm4b:s4+s24], $0x80, v5, vm0, $0xb8;
	[tilespmem:$0x19700] =	vst v63  }
0x319: {  	v5 =	vld [tilespmem:$0xF80];
	_ =	sdelay $0x5  }
0x31a: {  	v6 =	vld [tilespmem:$0xF90];
	_ =	sdelay $0x1  }
0x31b: {  	v8 =	vor.u32 s24, v3;
	v7 =	vld.idx.msk [tilespmem:v5+s7+$0x0], $0xffff;
	_ =	sdelay $0x4  }
0x31c: {  	[tilespmem:v8+s21+$0x0] =	vst.idx.msk $0xffff, v7  }
0x31d: {  	v5 =	vadd.s32 $0x1A, v5;
	v8 =	vor.u32 s24, v4;
	v7 =	vld.idx.msk [tilespmem:v6+s7+$0x0], $0xffff  }
0x31e: {  	v9 =	vadd.s32 s24, v5;
	_ =	sdelay $0x3  }
0x31f: {  	[tilespmem:v8+s21+$0x0] =	vst.idx.msk $0xffff, v7  }
0x320: {  	s0 =	simm.s32 $0x2;
	s10 =	simm.s32 $0x1;
	v6 =	vadd.s32 $0x1A, v6;
	v7 =	vld.idx.msk [tilespmem:v9+s7+$0x0], $0xffff  }
.LBB2_13:
0x321: {  	p0 =	sne.s32 s0, $0x7F;
	v8 =	vor.u32 s10, v3  }
0x322: {  	v9 =	vadd.s32 s24, v6;
	_ =	sdelay $0x3  }
0x323: {  	[tilespmem:v8+s21+$0x0] =	vst.idx.msk $0xffff, v7  }
0x324: {  	v7 =	vld.idx.msk [tilespmem:v9+s7+$0x0], $0xffff  }
0x325: {  	s24 =	sadd.s32 $0x1A, s24;
	v8 =	vor.u32 s10, v4;
	s10 =	smov.u32 s0  }
0x326: {  	v9 =	vadd.s32 s24, v5  }
.Ltmp5:
0x327: {  	(pc) =	sbr.rel @p0 .LBB2_13-.Ltmp5, $3  }
0x328: {  	_ =	sdelay $0x1  }
0x329: {  	[tilespmem:v8+s21+$0x0] =	vst.idx.msk $0xffff, v7  }
0x32a: {  	s0 =	sadd.s32 $0x1, s0;
	v7 =	vld.idx.msk [tilespmem:v9+s7+$0x0], $0xffff  }
0x32b: {  	v5 =	vor.u32 s10, v3  }
0x32c: {  	v6 =	vadd.s32 s24, v6;
	_ =	sdelay $0x3  }
0x32d: {  	[tilespmem:v5+s21+$0x0] =	vst.idx.msk $0xffff, v7  }
0x32e: {  	v5 =	vld.idx.msk [tilespmem:v6+s7+$0x0], $0xffff;
	v6 =	vor.u32 s10, v4;
	_ =	sdelay $0x4  }
0x32f: {  	[tilespmem:v6+s21+$0x0] =	vst.idx.msk $0xffff, v5  }
0x330: {  	_ =	swait.ge [sflag:s30], $0x1000  }
0x331: {  	[sflag:s30] =	ssyncset.done $0x0  }
0x332: {  	[sflag:s30] =	ssyncadd.s32 $0xFFFFF000  }
0x333: {  	_ =	swait.ge [sflag:s30], $0x1000  }
0x334: {  	[sflag:s30] =	ssyncset.done $0x0  }
0x335: {  	[sflag:s30] =	ssyncadd.s32 $0xFFFFF000  }
0x336: {  	_ =	swait.ge [sflag:s30], $0x1000  }
0x337: {  	[sflag:s30] =	ssyncset.done $0x0  }
0x338: {  	[sflag:s30] =	ssyncadd.s32 $0xFFFFF000  }
0x339: {  	_ =	swait.ge [sflag:s30], $0x1000  }
0x33a: {  	s0 =	sld [smem:$0x7F8];
	_ =	sdelay $0x2  }
0x33b: {  	s0 =	sadd.s32 s16, s0  }
0x33c: {  	s24 =	simm.s32 $0x0;
	[sflag:s30] =	ssyncset.done $0x0;
	s0 =	sshrl.u32 s0, $0x3  }
0x33d: {  	s5 =	simm.s32 $0x1480;
	[sflag:s30] =	ssyncadd.s32 $0xFFFFF000;
	s10 =	sadd.s32 s8, s0  }
0x33e: {  	[tilespmem:s5], [sflag:$0x4] =	stream.linear.gather [hbm4b:s10+s24], $0x20, $0x38;
	[tilespmem:$0x19700] =	vst v63  }
0x33f: {  	s10 =	sadd.s32 s9, s0;
	s5 =	simm.s32 $0x1500  }
0x340: {  	[tilespmem:s5], [sflag:$0x4] =	stream.linear.gather [hbm4b:s10+s24], $0x20, $0x38;
	[tilespmem:$0x19700] =	vst v63  }
0x341: {  	s10 =	sadd.s32 s11, s0;
	s5 =	simm.s32 $0x1580  }
0x342: {  	[tilespmem:s5], [sflag:$0x4] =	stream.linear.gather [hbm4b:s10+s24], $0x20, $0x38;
	[tilespmem:$0x19700] =	vst v63  }
0x343: {  	s10 =	sadd.s32 s12, s0;
	s5 =	simm.s32 $0x1600  }
0x344: {  	[tilespmem:s5], [sflag:$0x4] =	stream.linear.gather [hbm4b:s10+s24], $0x20, $0x38;
	[tilespmem:$0x19700] =	vst v63  }
0x345: {  	s5 =	sld [smem:$0x7F9];
	_ =	sdelay $0x2  }
0x346: {  	s10 =	sadd.s32 s16, s5  }
0x347: {  	s10 =	sshrl.u32 s10, $0x3  }
0x348: {  	s0 =	sadd.s32 s13, s0;
	s5 =	simm.s32 $0x1680;
	s10 =	smul.u32 $0x280, s10  }
0x349: {  	[tilespmem:s5], [sflag:$0x4] =	stream.linear.gather [hbm4b:s0+s24], $0x20, $0x38;
	[tilespmem:$0x19700] =	vst v63  }
0x34a: {  	s0 =	sadd.s32 s6, s10  }
0x34b: {  	[hbm4b:s0+s24] =	stream.linear.scatter [tilespmem:s20], [sflag:$0xC], $0x1400, $0x38;
	[tilespmem:$0x19700] =	vst v63  }
0x34c: {  	s5 =	simm.s32 $0x14F00;
	s10 =	sadd.s32 $0x280, s0  }
0x34d: {  	[hbm4b:s10+s24] =	stream.linear.scatter [tilespmem:s5], [sflag:$0xC], $0x1400, $0x38;
	[tilespmem:$0x19700] =	vst v63  }
0x34e: {  	s10 =	sadd.s32 $0x500, s0;
	s5 =	simm.s32 $0x16700  }
0x34f: {  	[hbm4b:s10+s24] =	stream.linear.scatter [tilespmem:s5], [sflag:$0xC], $0x1400, $0x38;
	[tilespmem:$0x19700] =	vst v63  }
0x350: {  	s0 =	sadd.s32 $0x780, s0;
	s10 =	simm.s32 $0x17F00  }
0x351: {  	[hbm4b:s0+s24] =	stream.linear.scatter [tilespmem:s10], [sflag:$0xC], $0x1400, $0x38;
	[tilespmem:$0x19700] =	vst v63  }
0x352: {  	_ =	swait.ge [sflag:s25], $0x20  }
0x353: {  	[sflag:s25] =	ssyncset.done $0x0  }
0x354: {  	[sflag:s25] =	ssyncadd.s32 $0xFFFFFFE0  }
0x355: {  	_ =	swait.ge [sflag:s25], $0x20  }
0x356: {  	[sflag:s25] =	ssyncset.done $0x0  }
0x357: {  	[sflag:s25] =	ssyncadd.s32 $0xFFFFFFE0  }
0x358: {  	_ =	swait.ge [sflag:s25], $0x20  }
0x359: {  	[sflag:s25] =	ssyncset.done $0x0  }
0x35a: {  	[sflag:s25] =	ssyncadd.s32 $0xFFFFFFE0  }
0x35b: {  	_ =	swait.ge [sflag:s25], $0x20  }
0x35c: {  	[sflag:s25] =	ssyncset.done $0x0  }
0x35d: {  	[sflag:s25] =	ssyncadd.s32 $0xFFFFFFE0  }
0x35e: {  	_ =	swait.ge [sflag:s25], $0x20  }
0x35f: {  	[sflag:s25] =	ssyncset.done $0x0  }
0x360: {  	s10 =	simm.s32 $0xB;
	[sflag:s25] =	ssyncadd.s32 $0xFFFFFFE0  }
0x361: {  	_ =	swait.ge [sflag:s10], $0x5000  }
0x362: {  	[sflag:s10] =	ssyncset.done $0x0  }
0x363: {  	[sflag:s10] =	ssyncadd.s32 $0xFFFFB000  }
0x364: {  	v5 =	vld [tilespmem:$0x1280];
	_ =	sdelay $0x4  }
0x365: {  	v6 =	vperm.xlane v5, v0;
	_ =	sdelay $0x1  }
0x366: {  	v5 =	vperm.xlane v5, v2;
	v6 =	vadd.s32 v1, v6;
	_ =	sdelay $0x1  }
0x367: {  	v5 =	vadd.s32 v1, v5;
	_ =	sdelay $0x1  }
0x368: {  	s5 =	simm.s32 $0xDB00  }
0x369: {  	[tilespmem:s5], [sflag:$0x7] =	stream.indirect_vreg.gather [hbm4b:s1+s24], $0x80, v6, vm0, $0xb8;
	[tilespmem:$0x19700] =	vst v63  }
0x36a: {  	s10 =	simm.s32 $0xF300  }
0x36b: {  	[tilespmem:s10], [sflag:$0x7] =	stream.indirect_vreg.gather [hbm4b:s1+s24], $0x80, v5, vm0, $0xb8;
	[tilespmem:$0x19700] =	vst v63  }
0x36c: {  	v5 =	vld [tilespmem:$0x1290];
	_ =	sdelay $0x4  }
0x36d: {  	v6 =	vperm.xlane v5, v0;
	_ =	sdelay $0x1  }
0x36e: {  	v5 =	vperm.xlane v5, v2;
	v6 =	vadd.s32 v1, v6;
	_ =	sdelay $0x1  }
0x36f: {  	v5 =	vadd.s32 v1, v5;
	_ =	sdelay $0x1  }
0x370: {  	s5 =	simm.s32 $0x10B00  }
0x371: {  	[tilespmem:s5], [sflag:$0x7] =	stream.indirect_vreg.gather [hbm4b:s1+s24], $0x80, v6, vm0, $0xb8;
	[tilespmem:$0x19700] =	vst v63  }
0x372: {  	s10 =	simm.s32 $0x12300  }
0x373: {  	[tilespmem:s10], [sflag:$0x7] =	stream.indirect_vreg.gather [hbm4b:s1+s24], $0x80, v5, vm0, $0xb8;
	[tilespmem:$0x19700] =	vst v63  }
0x374: {  	v5 =	vld [tilespmem:$0x1300];
	_ =	sdelay $0x4  }
0x375: {  	v6 =	vperm.xlane v5, v0;
	_ =	sdelay $0x1  }
0x376: {  	v5 =	vperm.xlane v5, v2;
	v6 =	vadd.s32 v1, v6;
	_ =	sdelay $0x1  }
0x377: {  	v5 =	vadd.s32 v1, v5;
	_ =	sdelay $0x1  }
0x378: {  	s5 =	simm.s32 $0xDF00  }
0x379: {  	[tilespmem:s5], [sflag:$0x7] =	stream.indirect_vreg.gather [hbm4b:s2+s24], $0x80, v6, vm0, $0xb8;
	[tilespmem:$0x19700] =	vst v63  }
0x37a: {  	s10 =	simm.s32 $0xF700  }
0x37b: {  	[tilespmem:s10], [sflag:$0x7] =	stream.indirect_vreg.gather [hbm4b:s2+s24], $0x80, v5, vm0, $0xb8;
	[tilespmem:$0x19700] =	vst v63  }
0x37c: {  	v5 =	vld [tilespmem:$0x1310];
	_ =	sdelay $0x4  }
0x37d: {  	v6 =	vperm.xlane v5, v0;
	_ =	sdelay $0x1  }
0x37e: {  	v5 =	vperm.xlane v5, v2;
	v6 =	vadd.s32 v1, v6;
	_ =	sdelay $0x1  }
0x37f: {  	v5 =	vadd.s32 v1, v5;
	_ =	sdelay $0x1  }
0x380: {  	s5 =	simm.s32 $0x10F00  }
0x381: {  	[tilespmem:s5], [sflag:$0x7] =	stream.indirect_vreg.gather [hbm4b:s2+s24], $0x80, v6, vm0, $0xb8;
	[tilespmem:$0x19700] =	vst v63  }
0x382: {  	s10 =	simm.s32 $0x12700  }
0x383: {  	[tilespmem:s10], [sflag:$0x7] =	stream.indirect_vreg.gather [hbm4b:s2+s24], $0x80, v5, vm0, $0xb8;
	[tilespmem:$0x19700] =	vst v63  }
0x384: {  	v5 =	vld [tilespmem:$0x1380];
	_ =	sdelay $0x4  }
0x385: {  	v6 =	vperm.xlane v5, v0;
	_ =	sdelay $0x1  }
0x386: {  	v5 =	vperm.xlane v5, v2;
	v6 =	vadd.s32 v1, v6;
	_ =	sdelay $0x1  }
0x387: {  	v5 =	vadd.s32 v1, v5;
	_ =	sdelay $0x1  }
0x388: {  	s5 =	simm.s32 $0xE300  }
0x389: {  	[tilespmem:s5], [sflag:$0x7] =	stream.indirect_vreg.gather [hbm4b:s3+s24], $0x80, v6, vm0, $0xb8;
	[tilespmem:$0x19700] =	vst v63  }
0x38a: {  	s10 =	simm.s32 $0xFB00  }
0x38b: {  	[tilespmem:s10], [sflag:$0x7] =	stream.indirect_vreg.gather [hbm4b:s3+s24], $0x80, v5, vm0, $0xb8;
	[tilespmem:$0x19700] =	vst v63  }
0x38c: {  	v5 =	vld [tilespmem:$0x1390];
	_ =	sdelay $0x4  }
0x38d: {  	v6 =	vperm.xlane v5, v0;
	_ =	sdelay $0x1  }
0x38e: {  	v5 =	vperm.xlane v5, v2;
	v6 =	vadd.s32 v1, v6;
	_ =	sdelay $0x1  }
0x38f: {  	v5 =	vadd.s32 v1, v5;
	_ =	sdelay $0x1  }
0x390: {  	s5 =	simm.s32 $0x11300  }
0x391: {  	[tilespmem:s5], [sflag:$0x7] =	stream.indirect_vreg.gather [hbm4b:s3+s24], $0x80, v6, vm0, $0xb8;
	[tilespmem:$0x19700] =	vst v63  }
0x392: {  	s10 =	simm.s32 $0x12B00  }
0x393: {  	[tilespmem:s10], [sflag:$0x7] =	stream.indirect_vreg.gather [hbm4b:s3+s24], $0x80, v5, vm0, $0xb8;
	[tilespmem:$0x19700] =	vst v63  }
0x394: {  	v5 =	vld [tilespmem:$0x1400];
	_ =	sdelay $0x4  }
0x395: {  	v6 =	vperm.xlane v5, v0;
	_ =	sdelay $0x1  }
0x396: {  	v5 =	vperm.xlane v5, v2;
	v6 =	vadd.s32 v1, v6;
	_ =	sdelay $0x1  }
0x397: {  	v5 =	vadd.s32 v1, v5;
	_ =	sdelay $0x1  }
0x398: {  	s5 =	simm.s32 $0xE700  }
0x399: {  	[tilespmem:s5], [sflag:$0x7] =	stream.indirect_vreg.gather [hbm4b:s4+s24], $0x80, v6, vm0, $0xb8;
	[tilespmem:$0x19700] =	vst v63  }
0x39a: {  	s10 =	simm.s32 $0xFF00  }
0x39b: {  	[tilespmem:s10], [sflag:$0x7] =	stream.indirect_vreg.gather [hbm4b:s4+s24], $0x80, v5, vm0, $0xb8;
	[tilespmem:$0x19700] =	vst v63  }
0x39c: {  	v5 =	vld [tilespmem:$0x1410];
	_ =	sdelay $0x4  }
0x39d: {  	v6 =	vperm.xlane v5, v0;
	_ =	sdelay $0x1  }
0x39e: {  	v5 =	vperm.xlane v5, v2;
	v6 =	vadd.s32 v1, v6;
	_ =	sdelay $0x1  }
0x39f: {  	v5 =	vadd.s32 v1, v5;
	_ =	sdelay $0x1  }
0x3a0: {  	s5 =	simm.s32 $0x11700  }
0x3a1: {  	[tilespmem:s5], [sflag:$0x7] =	stream.indirect_vreg.gather [hbm4b:s4+s24], $0x80, v6, vm0, $0xb8;
	[tilespmem:$0x19700] =	vst v63  }
0x3a2: {  	s10 =	simm.s32 $0x12F00  }
0x3a3: {  	[tilespmem:s10], [sflag:$0x7] =	stream.indirect_vreg.gather [hbm4b:s4+s24], $0x80, v5, vm0, $0xb8;
	[tilespmem:$0x19700] =	vst v63  }
0x3a4: {  	v5 =	vld [tilespmem:$0x1200];
	_ =	sdelay $0x5  }
0x3a5: {  	v6 =	vld [tilespmem:$0x1210];
	_ =	sdelay $0x1  }
0x3a6: {  	v8 =	vor.u32 s24, v3;
	v7 =	vld.idx.msk [tilespmem:v5+s7+$0x0], $0xffff;
	_ =	sdelay $0x4  }
0x3a7: {  	[tilespmem:v8+s28+$0x0] =	vst.idx.msk $0xffff, v7  }
0x3a8: {  	v5 =	vadd.s32 $0x1A, v5;
	v8 =	vor.u32 s24, v4;
	v7 =	vld.idx.msk [tilespmem:v6+s7+$0x0], $0xffff  }
0x3a9: {  	v9 =	vadd.s32 s24, v5;
	_ =	sdelay $0x3  }
0x3aa: {  	[tilespmem:v8+s28+$0x0] =	vst.idx.msk $0xffff, v7  }
0x3ab: {  	s0 =	simm.s32 $0x2;
	s10 =	simm.s32 $0x1;
	v6 =	vadd.s32 $0x1A, v6;
	v7 =	vld.idx.msk [tilespmem:v9+s7+$0x0], $0xffff  }
.LBB2_15:
0x3ac: {  	p0 =	sne.s32 s0, $0x7F;
	v8 =	vor.u32 s10, v3  }
0x3ad: {  	v9 =	vadd.s32 s24, v6;
	_ =	sdelay $0x3  }
0x3ae: {  	[tilespmem:v8+s28+$0x0] =	vst.idx.msk $0xffff, v7  }
0x3af: {  	v7 =	vld.idx.msk [tilespmem:v9+s7+$0x0], $0xffff  }
0x3b0: {  	s24 =	sadd.s32 $0x1A, s24;
	v8 =	vor.u32 s10, v4;
	s10 =	smov.u32 s0  }
0x3b1: {  	v9 =	vadd.s32 s24, v5  }
.Ltmp6:
0x3b2: {  	(pc) =	sbr.rel @p0 .LBB2_15-.Ltmp6, $3  }
0x3b3: {  	_ =	sdelay $0x1  }
0x3b4: {  	[tilespmem:v8+s28+$0x0] =	vst.idx.msk $0xffff, v7  }
0x3b5: {  	s0 =	sadd.s32 $0x1, s0;
	v7 =	vld.idx.msk [tilespmem:v9+s7+$0x0], $0xffff  }
0x3b6: {  	v5 =	vor.u32 s10, v3  }
0x3b7: {  	v6 =	vadd.s32 s24, v6;
	_ =	sdelay $0x3  }
0x3b8: {  	[tilespmem:v5+s28+$0x0] =	vst.idx.msk $0xffff, v7  }
0x3b9: {  	v5 =	vld.idx.msk [tilespmem:v6+s7+$0x0], $0xffff;
	v6 =	vor.u32 s10, v4;
	_ =	sdelay $0x4  }
0x3ba: {  	[tilespmem:v6+s28+$0x0] =	vst.idx.msk $0xffff, v5  }
0x3bb: {  	_ =	swait.ge [sflag:s31], $0x1000  }
0x3bc: {  	[sflag:s31] =	ssyncset.done $0x0  }
0x3bd: {  	[sflag:s31] =	ssyncadd.s32 $0xFFFFF000  }
0x3be: {  	_ =	swait.ge [sflag:s31], $0x1000  }
0x3bf: {  	[sflag:s31] =	ssyncset.done $0x0  }
0x3c0: {  	[sflag:s31] =	ssyncadd.s32 $0xFFFFF000  }
0x3c1: {  	_ =	swait.ge [sflag:s31], $0x1000  }
0x3c2: {  	[sflag:s31] =	ssyncset.done $0x0  }
0x3c3: {  	[sflag:s31] =	ssyncadd.s32 $0xFFFFF000  }
0x3c4: {  	_ =	swait.ge [sflag:s31], $0x1000  }
0x3c5: {  	s0 =	sld [smem:$0x7FA];
	_ =	sdelay $0x1  }
0x3c6: {  	p0 =	seq.s32 s15, $0x30  }
0x3c7: {  	s0 =	sadd.s32 @!p0 s16, s0  }
0x3c8: {  	s15 =	simm.s32 @!p0 $0x0;
	[sflag:s31] =	ssyncset.done $0x0;
	s0 =	sshrl.u32 @!p0 s0, $0x3  }
0x3c9: {  	s24 =	simm.s32 @!p0 $0xD00;
	[sflag:s31] =	ssyncadd.s32 $0xFFFFF000;
	s10 =	sadd.s32 @!p0 s8, s0  }
0x3ca: {  	[tilespmem:s24], [sflag:$0x1] =	stream.linear.gather @!p0 [hbm4b:s10+s15], $0x20, $0x38;
	[tilespmem:$0x19700] =	vst v63  }
0x3cb: {  	s10 =	sadd.s32 @!p0 s9, s0;
	s24 =	simm.s32 @!p0 $0xD80  }
0x3cc: {  	[tilespmem:s24], [sflag:$0x1] =	stream.linear.gather @!p0 [hbm4b:s10+s15], $0x20, $0x38;
	[tilespmem:$0x19700] =	vst v63  }
0x3cd: {  	s10 =	sadd.s32 @!p0 s11, s0;
	s24 =	simm.s32 @!p0 $0xE00  }
0x3ce: {  	[tilespmem:s24], [sflag:$0x1] =	stream.linear.gather @!p0 [hbm4b:s10+s15], $0x20, $0x38;
	[tilespmem:$0x19700] =	vst v63  }
0x3cf: {  	s10 =	sadd.s32 @!p0 s12, s0;
	s24 =	simm.s32 @!p0 $0xE80  }
0x3d0: {  	[tilespmem:s24], [sflag:$0x1] =	stream.linear.gather @!p0 [hbm4b:s10+s15], $0x20, $0x38;
	[tilespmem:$0x19700] =	vst v63  }
0x3d1: {  	s24 =	rddreg [dreg:$0x7]  }
0x3d2: {  	s10 =	sadd.s32 s24, s16  }
0x3d3: {  	s10 =	sshrl.u32 s10, $0x3  }
0x3d4: {  	s0 =	sadd.s32 @!p0 s13, s0;
	s24 =	simm.s32 @!p0 $0xF00;
	s10 =	smul.u32 $0x280, s10  }
0x3d5: {  	[tilespmem:s24], [sflag:$0x1] =	stream.linear.gather @!p0 [hbm4b:s0+s15], $0x20, $0x38;
	[tilespmem:$0x19700] =	vst v63  }
0x3d6: {  	s15 =	simm.s32 $0x0;
	s0 =	sadd.s32 s6, s10  }
0x3d7: {  	[hbm4b:s0+s15] =	stream.linear.scatter [tilespmem:s23], [sflag:$0x9], $0x1400, $0x38;
	[tilespmem:$0x19700] =	vst v63  }
0x3d8: {  	s5 =	simm.s32 $0x2F00;
	s10 =	sadd.s32 $0x280, s0  }
0x3d9: {  	[hbm4b:s10+s15] =	stream.linear.scatter [tilespmem:s5], [sflag:$0x9], $0x1400, $0x38;
	[tilespmem:$0x19700] =	vst v63  }
0x3da: {  	s24 =	simm.s32 $0x4700;
	s5 =	sadd.s32 $0x500, s0  }
0x3db: {  	[hbm4b:s5+s15] =	stream.linear.scatter [tilespmem:s24], [sflag:$0x9], $0x1400, $0x38;
	[tilespmem:$0x19700] =	vst v63  }
0x3dc: {  	s0 =	sadd.s32 $0x780, s0;
	s24 =	simm.s32 $0x5F00  }
0x3dd: {  	[hbm4b:s0+s15] =	stream.linear.scatter [tilespmem:s24], [sflag:$0x9], $0x1400, $0x38;
	[tilespmem:$0x19700] =	vst v63  }
0x3de: {  	_ =	swait.ge [sflag:s29], $0x20  }
0x3df: {  	[sflag:s29] =	ssyncset.done $0x0  }
0x3e0: {  	[sflag:s29] =	ssyncadd.s32 $0xFFFFFFE0  }
0x3e1: {  	_ =	swait.ge [sflag:s29], $0x20  }
0x3e2: {  	[sflag:s29] =	ssyncset.done $0x0  }
0x3e3: {  	[sflag:s29] =	ssyncadd.s32 $0xFFFFFFE0  }
0x3e4: {  	_ =	swait.ge [sflag:s29], $0x20  }
0x3e5: {  	[sflag:s29] =	ssyncset.done $0x0  }
0x3e6: {  	[sflag:s29] =	ssyncadd.s32 $0xFFFFFFE0  }
0x3e7: {  	_ =	swait.ge [sflag:s29], $0x20  }
0x3e8: {  	[sflag:s29] =	ssyncset.done $0x0  }
0x3e9: {  	[sflag:s29] =	ssyncadd.s32 $0xFFFFFFE0  }
0x3ea: {  	_ =	swait.ge [sflag:s29], $0x20  }
0x3eb: {  	[sflag:s29] =	ssyncset.done $0x0  }
0x3ec: {  	s5 =	simm.s32 $0xC;
	[sflag:s29] =	ssyncadd.s32 $0xFFFFFFE0  }
0x3ed: {  	_ =	swait.ge [sflag:s5], $0x5000  }
0x3ee: {  	[sflag:s5] =	ssyncset.done $0x0  }
0x3ef: {  	[sflag:s5] =	ssyncadd.s32 $0xFFFFB000  }
0x3f0: {  	v5 =	vld [tilespmem:$0x1500];
	_ =	sdelay $0x4  }
0x3f1: {  	v6 =	vperm.xlane v5, v0;
	_ =	sdelay $0x1  }
0x3f2: {  	v5 =	vperm.xlane v5, v2;
	v6 =	vadd.s32 v1, v6;
	_ =	sdelay $0x1  }
0x3f3: {  	v5 =	vadd.s32 v1, v5;
	_ =	sdelay $0x1  }
0x3f4: {  	s10 =	simm.s32 $0x13B00  }
0x3f5: {  	[tilespmem:s10], [sflag:$0x8] =	stream.indirect_vreg.gather [hbm4b:s1+s15], $0x80, v6, vm0, $0xb8;
	[tilespmem:$0x19700] =	vst v63  }
0x3f6: {  	s24 =	simm.s32 $0x15300  }
0x3f7: {  	[tilespmem:s24], [sflag:$0x8] =	stream.indirect_vreg.gather [hbm4b:s1+s15], $0x80, v5, vm0, $0xb8;
	[tilespmem:$0x19700] =	vst v63  }
0x3f8: {  	v5 =	vld [tilespmem:$0x1510];
	_ =	sdelay $0x4  }
0x3f9: {  	v6 =	vperm.xlane v5, v0;
	_ =	sdelay $0x1  }
0x3fa: {  	v5 =	vperm.xlane v5, v2;
	v6 =	vadd.s32 v1, v6;
	_ =	sdelay $0x1  }
0x3fb: {  	v5 =	vadd.s32 v1, v5;
	_ =	sdelay $0x1  }
0x3fc: {  	s5 =	simm.s32 $0x16B00  }
0x3fd: {  	[tilespmem:s5], [sflag:$0x8] =	stream.indirect_vreg.gather [hbm4b:s1+s15], $0x80, v6, vm0, $0xb8;
	[tilespmem:$0x19700] =	vst v63  }
0x3fe: {  	s10 =	simm.s32 $0x18300  }
0x3ff: {  	[tilespmem:s10], [sflag:$0x8] =	stream.indirect_vreg.gather [hbm4b:s1+s15], $0x80, v5, vm0, $0xb8;
	[tilespmem:$0x19700] =	vst v63  }
0x400: {  	v5 =	vld [tilespmem:$0x1580];
	_ =	sdelay $0x4  }
0x401: {  	v6 =	vperm.xlane v5, v0;
	_ =	sdelay $0x1  }
0x402: {  	v5 =	vperm.xlane v5, v2;
	v6 =	vadd.s32 v1, v6;
	_ =	sdelay $0x1  }
0x403: {  	v5 =	vadd.s32 v1, v5;
	_ =	sdelay $0x1  }
0x404: {  	s24 =	simm.s32 $0x13F00  }
0x405: {  	[tilespmem:s24], [sflag:$0x8] =	stream.indirect_vreg.gather [hbm4b:s2+s15], $0x80, v6, vm0, $0xb8;
	[tilespmem:$0x19700] =	vst v63  }
0x406: {  	s5 =	simm.s32 $0x15700  }
0x407: {  	[tilespmem:s5], [sflag:$0x8] =	stream.indirect_vreg.gather [hbm4b:s2+s15], $0x80, v5, vm0, $0xb8;
	[tilespmem:$0x19700] =	vst v63  }
0x408: {  	v5 =	vld [tilespmem:$0x1590];
	_ =	sdelay $0x4  }
0x409: {  	v6 =	vperm.xlane v5, v0;
	_ =	sdelay $0x1  }
0x40a: {  	v5 =	vperm.xlane v5, v2;
	v6 =	vadd.s32 v1, v6;
	_ =	sdelay $0x1  }
0x40b: {  	v5 =	vadd.s32 v1, v5;
	_ =	sdelay $0x1  }
0x40c: {  	s10 =	simm.s32 $0x16F00  }
0x40d: {  	[tilespmem:s10], [sflag:$0x8] =	stream.indirect_vreg.gather [hbm4b:s2+s15], $0x80, v6, vm0, $0xb8;
	[tilespmem:$0x19700] =	vst v63  }
0x40e: {  	s24 =	simm.s32 $0x18700  }
0x40f: {  	[tilespmem:s24], [sflag:$0x8] =	stream.indirect_vreg.gather [hbm4b:s2+s15], $0x80, v5, vm0, $0xb8;
	[tilespmem:$0x19700] =	vst v63  }
0x410: {  	v5 =	vld [tilespmem:$0x1600];
	_ =	sdelay $0x4  }
0x411: {  	v6 =	vperm.xlane v5, v0;
	_ =	sdelay $0x1  }
0x412: {  	v5 =	vperm.xlane v5, v2;
	v6 =	vadd.s32 v1, v6;
	_ =	sdelay $0x1  }
0x413: {  	v5 =	vadd.s32 v1, v5;
	_ =	sdelay $0x1  }
0x414: {  	s5 =	simm.s32 $0x14300  }
0x415: {  	[tilespmem:s5], [sflag:$0x8] =	stream.indirect_vreg.gather [hbm4b:s3+s15], $0x80, v6, vm0, $0xb8;
	[tilespmem:$0x19700] =	vst v63  }
0x416: {  	s10 =	simm.s32 $0x15B00  }
0x417: {  	[tilespmem:s10], [sflag:$0x8] =	stream.indirect_vreg.gather [hbm4b:s3+s15], $0x80, v5, vm0, $0xb8;
	[tilespmem:$0x19700] =	vst v63  }
0x418: {  	v5 =	vld [tilespmem:$0x1610];
	_ =	sdelay $0x4  }
0x419: {  	v6 =	vperm.xlane v5, v0;
	_ =	sdelay $0x1  }
0x41a: {  	v5 =	vperm.xlane v5, v2;
	v6 =	vadd.s32 v1, v6;
	_ =	sdelay $0x1  }
0x41b: {  	v5 =	vadd.s32 v1, v5;
	_ =	sdelay $0x1  }
0x41c: {  	s24 =	simm.s32 $0x17300  }
0x41d: {  	[tilespmem:s24], [sflag:$0x8] =	stream.indirect_vreg.gather [hbm4b:s3+s15], $0x80, v6, vm0, $0xb8;
	[tilespmem:$0x19700] =	vst v63  }
0x41e: {  	s5 =	simm.s32 $0x18B00  }
0x41f: {  	[tilespmem:s5], [sflag:$0x8] =	stream.indirect_vreg.gather [hbm4b:s3+s15], $0x80, v5, vm0, $0xb8;
	[tilespmem:$0x19700] =	vst v63  }
0x420: {  	v5 =	vld [tilespmem:$0x1680];
	_ =	sdelay $0x4  }
0x421: {  	v6 =	vperm.xlane v5, v0;
	_ =	sdelay $0x1  }
0x422: {  	v5 =	vperm.xlane v5, v2;
	v6 =	vadd.s32 v1, v6;
	_ =	sdelay $0x1  }
0x423: {  	v5 =	vadd.s32 v1, v5;
	_ =	sdelay $0x1  }
0x424: {  	s10 =	simm.s32 $0x14700  }
0x425: {  	[tilespmem:s10], [sflag:$0x8] =	stream.indirect_vreg.gather [hbm4b:s4+s15], $0x80, v6, vm0, $0xb8;
	[tilespmem:$0x19700] =	vst v63  }
0x426: {  	s24 =	simm.s32 $0x15F00  }
0x427: {  	[tilespmem:s24], [sflag:$0x8] =	stream.indirect_vreg.gather [hbm4b:s4+s15], $0x80, v5, vm0, $0xb8;
	[tilespmem:$0x19700] =	vst v63  }
0x428: {  	v5 =	vld [tilespmem:$0x1690];
	_ =	sdelay $0x4  }
0x429: {  	v6 =	vperm.xlane v5, v0;
	_ =	sdelay $0x1  }
0x42a: {  	v5 =	vperm.xlane v5, v2;
	v6 =	vadd.s32 v1, v6;
	_ =	sdelay $0x1  }
0x42b: {  	v5 =	vadd.s32 v1, v5;
	_ =	sdelay $0x1  }
0x42c: {  	s5 =	simm.s32 $0x17700  }
0x42d: {  	[tilespmem:s5], [sflag:$0x8] =	stream.indirect_vreg.gather [hbm4b:s4+s15], $0x80, v6, vm0, $0xb8;
	[tilespmem:$0x19700] =	vst v63  }
0x42e: {  	s10 =	simm.s32 $0x18F00  }
0x42f: {  	[tilespmem:s10], [sflag:$0x8] =	stream.indirect_vreg.gather [hbm4b:s4+s15], $0x80, v5, vm0, $0xb8;
	[tilespmem:$0x19700] =	vst v63  }
0x430: {  	v5 =	vld [tilespmem:$0x1480];
	_ =	sdelay $0x5  }
0x431: {  	v6 =	vld [tilespmem:$0x1490];
	_ =	sdelay $0x1  }
0x432: {  	v8 =	vor.u32 s15, v3;
	v7 =	vld.idx.msk [tilespmem:v5+s7+$0x0], $0xffff;
	_ =	sdelay $0x4  }
0x433: {  	[tilespmem:v8+s20+$0x0] =	vst.idx.msk $0xffff, v7  }
0x434: {  	v5 =	vadd.s32 $0x1A, v5;
	v8 =	vor.u32 s15, v4;
	v7 =	vld.idx.msk [tilespmem:v6+s7+$0x0], $0xffff  }
0x435: {  	v9 =	vadd.s32 s15, v5;
	_ =	sdelay $0x1  }
0x436: {  	s24 =	sld [smem:$0x7F7];
	_ =	sdelay $0x1  }
0x437: {  	[tilespmem:v8+s20+$0x0] =	vst.idx.msk $0xffff, v7  }
0x438: {  	s0 =	simm.s32 $0x2;
	s24 =	sadd.s32 s16, s24;
	s10 =	simm.s32 $0x1;
	v6 =	vadd.s32 $0x1A, v6;
	v7 =	vld.idx.msk [tilespmem:v9+s7+$0x0], $0xffff  }
.LBB2_17:
0x439: {  	p1 =	sne.s32 s0, $0x7F;
	v8 =	vor.u32 s10, v3  }
0x43a: {  	v9 =	vadd.s32 s15, v6;
	_ =	sdelay $0x3  }
0x43b: {  	[tilespmem:v8+s20+$0x0] =	vst.idx.msk $0xffff, v7  }
0x43c: {  	v7 =	vld.idx.msk [tilespmem:v9+s7+$0x0], $0xffff  }
0x43d: {  	s15 =	sadd.s32 $0x1A, s15;
	v8 =	vor.u32 s10, v4;
	s10 =	smov.u32 s0  }
0x43e: {  	v9 =	vadd.s32 s15, v5  }
.Ltmp7:
0x43f: {  	(pc) =	sbr.rel @p1 .LBB2_17-.Ltmp7, $3  }
0x440: {  	_ =	sdelay $0x1  }
0x441: {  	[tilespmem:v8+s20+$0x0] =	vst.idx.msk $0xffff, v7  }
0x442: {  	s0 =	sadd.s32 $0x1, s0;
	v7 =	vld.idx.msk [tilespmem:v9+s7+$0x0], $0xffff  }
0x443: {  	v5 =	vor.u32 s10, v3  }
0x444: {  	v6 =	vadd.s32 s15, v6;
	_ =	sdelay $0x3  }
0x445: {  	[tilespmem:v5+s20+$0x0] =	vst.idx.msk $0xffff, v7  }
0x446: {  	v5 =	vld.idx.msk [tilespmem:v6+s7+$0x0], $0xffff;
	v6 =	vor.u32 s10, v4;
	_ =	sdelay $0x4  }
0x447: {  	[tilespmem:v6+s20+$0x0] =	vst.idx.msk $0xffff, v5  }
0x448: {  	_ =	swait.ge [sflag:s19], $0x1000  }
0x449: {  	[sflag:s19] =	ssyncset.done $0x0  }
0x44a: {  	[sflag:s19] =	ssyncadd.s32 $0xFFFFF000  }
0x44b: {  	_ =	swait.ge [sflag:s19], $0x1000  }
0x44c: {  	[sflag:s19] =	ssyncset.done $0x0  }
0x44d: {  	[sflag:s19] =	ssyncadd.s32 $0xFFFFF000  }
0x44e: {  	_ =	swait.ge [sflag:s19], $0x1000  }
0x44f: {  	[sflag:s19] =	ssyncset.done $0x0  }
0x450: {  	[sflag:s19] =	ssyncadd.s32 $0xFFFFF000  }
0x451: {  	_ =	swait.ge [sflag:s19], $0x1000  }
0x452: {  	s0 =	sld [smem:$0x7FB];
	_ =	sdelay $0x2  }
0x453: {  	s0 =	sadd.s32 @!p0 s16, s0  }
0x454: {  	s15 =	simm.s32 @!p0 $0x0;
	[sflag:s19] =	ssyncset.done $0x0;
	s0 =	sshrl.u32 @!p0 s0, $0x3  }
0x455: {  	[sflag:s19] =	ssyncadd.s32 $0xFFFFF000;
	s16 =	simm.s32 @!p0 $0xF80;
	s10 =	sadd.s32 @!p0 s8, s0  }
0x456: {  	[tilespmem:s16], [sflag:$0x2] =	stream.linear.gather @!p0 [hbm4b:s10+s15], $0x20, $0x38;
	[tilespmem:$0x19700] =	vst v63  }
0x457: {  	s10 =	sadd.s32 @!p0 s9, s0;
	s16 =	simm.s32 @!p0 $0x1000  }
0x458: {  	[tilespmem:s16], [sflag:$0x2] =	stream.linear.gather @!p0 [hbm4b:s10+s15], $0x20, $0x38;
	[tilespmem:$0x19700] =	vst v63  }
0x459: {  	s10 =	sadd.s32 @!p0 s11, s0;
	s16 =	simm.s32 @!p0 $0x1080  }
0x45a: {  	[tilespmem:s16], [sflag:$0x2] =	stream.linear.gather @!p0 [hbm4b:s10+s15], $0x20, $0x38;
	[tilespmem:$0x19700] =	vst v63  }
0x45b: {  	s5 =	sshrl.u32 s24, $0x3;
	s10 =	sadd.s32 @!p0 s12, s0;
	s16 =	simm.s32 @!p0 $0x1100  }
0x45c: {  	[tilespmem:s16], [sflag:$0x2] =	stream.linear.gather @!p0 [hbm4b:s10+s15], $0x20, $0x38;
	[tilespmem:$0x19700] =	vst v63  }
0x45d: {  	s0 =	sadd.s32 @!p0 s13, s0;
	s16 =	simm.s32 @!p0 $0x1180;
	s10 =	smul.u32 $0x280, s5  }
0x45e: {  	[tilespmem:s16], [sflag:$0x2] =	stream.linear.gather @!p0 [hbm4b:s0+s15], $0x20, $0x38;
	[tilespmem:$0x19700] =	vst v63  }
0x45f: {  	s24 =	sadd.s32 s6, s10  }
0x460: {  	[hbm4b:s24+s7] =	stream.linear.scatter [tilespmem:s21], [sflag:$0xA], $0x1400, $0x38;
	[tilespmem:$0x19700] =	vst v63  }
0x461: {  	s5 =	simm.s32 $0x8F00;
	p0 =	sne.s32 s17, $0x31;
	s10 =	sadd.s32 $0x280, s24  }
0x462: {  	[hbm4b:s10+s7] =	stream.linear.scatter [tilespmem:s5], [sflag:$0xA], $0x1400, $0x38;
	[tilespmem:$0x19700] =	vst v63  }
.Ltmp8:
0x463: {  	_ = 	snop;
	(pc) =	sbr.rel @p0 .LBB2_10-.Ltmp8, $4  }
0x464: {  	s16 =	simm.s32 $0xA700;
	s15 =	sadd.s32 $0x500, s24  }
0x465: {  	[hbm4b:s15+s7] =	stream.linear.scatter [tilespmem:s16], [sflag:$0xA], $0x1400, $0x38;
	[tilespmem:$0x19700] =	vst v63  }
0x466: {  	s0 =	sadd.s32 $0x780, s24;
	s24 =	simm.s32 $0xBF00;
	s15 =	smov.u32 s17  }
0x467: {  	[hbm4b:s0+s7] =	stream.linear.scatter [tilespmem:s24], [sflag:$0xA], $0x1400, $0x38;
	[tilespmem:$0x19700] =	vst v63  }
0x468: {  	_ =	swait.ge [sflag:s22], $0x1000  }
0x469: {  	[sflag:s22] =	ssyncset.done $0x0  }
0x46a: {  	[sflag:s22] =	ssyncadd.s32 $0xFFFFF000  }
0x46b: {  	_ =	swait.ge [sflag:s22], $0x1000  }
0x46c: {  	[sflag:s22] =	ssyncset.done $0x0  }
0x46d: {  	[sflag:s22] =	ssyncadd.s32 $0xFFFFF000  }
0x46e: {  	_ =	swait.ge [sflag:s22], $0x1000  }
0x46f: {  	[sflag:s22] =	ssyncset.done $0x0  }
0x470: {  	[sflag:s22] =	ssyncadd.s32 $0xFFFFF000  }
0x471: {  	_ =	swait.ge [sflag:s22], $0x1000  }
0x472: {  	s10 =	sld [smem:$0x7FC]  }
0x473: {  	[sflag:s22] =	ssyncset.done $0x0  }
0x474: {  	[sflag:s22] =	ssyncadd.s32 $0xFFFFF000  }
0x475: {  	[hbm4b:s10+s7] =	stream.linear.scatter [tilespmem:s28], [sflag:$0xB], $0x1400, $0x38;
	[tilespmem:$0x19700] =	vst v63  }
0x476: {  	s5 =	simm.s32 $0xEF00;
	s0 =	sadd.s32 $0x280, s10  }
0x477: {  	[hbm4b:s0+s7] =	stream.linear.scatter [tilespmem:s5], [sflag:$0xB], $0x1400, $0x38;
	[tilespmem:$0x19700] =	vst v63  }
0x478: {  	s15 =	simm.s32 $0x10700;
	s14 =	sadd.s32 $0x500, s10  }
0x479: {  	[hbm4b:s14+s7] =	stream.linear.scatter [tilespmem:s15], [sflag:$0xB], $0x1400, $0x38;
	[tilespmem:$0x19700] =	vst v63  }
0x47a: {  	s17 =	simm.s32 $0x11F00;
	s16 =	sadd.s32 $0x780, s10  }
0x47b: {  	[hbm4b:s16+s7] =	stream.linear.scatter [tilespmem:s17], [sflag:$0xB], $0x1400, $0x38;
	[tilespmem:$0x19700] =	vst v63  }
0x47c: {  	_ =	swait.ge [sflag:s30], $0x1000  }
0x47d: {  	[sflag:s30] =	ssyncset.done $0x0  }
0x47e: {  	[sflag:s30] =	ssyncadd.s32 $0xFFFFF000  }
0x47f: {  	_ =	swait.ge [sflag:s30], $0x1000  }
0x480: {  	[sflag:s30] =	ssyncset.done $0x0  }
0x481: {  	[sflag:s30] =	ssyncadd.s32 $0xFFFFF000  }
0x482: {  	_ =	swait.ge [sflag:s30], $0x1000  }
0x483: {  	[sflag:s30] =	ssyncset.done $0x0  }
0x484: {  	[sflag:s30] =	ssyncadd.s32 $0xFFFFF000  }
0x485: {  	_ =	swait.ge [sflag:s30], $0x1000  }
0x486: {  	s24 =	sld [smem:$0x7FD]  }
0x487: {  	[sflag:s30] =	ssyncset.done $0x0  }
0x488: {  	[sflag:s30] =	ssyncadd.s32 $0xFFFFF000  }
0x489: {  	[hbm4b:s24+s7] =	stream.linear.scatter [tilespmem:s20], [sflag:$0xC], $0x1400, $0x38;
	[tilespmem:$0x19700] =	vst v63  }
0x48a: {  	s14 =	simm.s32 $0x14F00;
	s5 =	sadd.s32 $0x280, s24  }
0x48b: {  	[hbm4b:s5+s7] =	stream.linear.scatter [tilespmem:s14], [sflag:$0xC], $0x1400, $0x38;
	[tilespmem:$0x19700] =	vst v63  }
0x48c: {  	s16 =	simm.s32 $0x16700;
	s15 =	sadd.s32 $0x500, s24  }
0x48d: {  	[hbm4b:s15+s7] =	stream.linear.scatter [tilespmem:s16], [sflag:$0xC], $0x1400, $0x38;
	[tilespmem:$0x19700] =	vst v63  }
0x48e: {  	s10 =	simm.s32 $0x9;
	s17 =	sadd.s32 $0x780, s24;
	s24 =	simm.s32 $0x17F00  }
0x48f: {  	[hbm4b:s17+s7] =	stream.linear.scatter [tilespmem:s24], [sflag:$0xC], $0x1400, $0x38;
	[tilespmem:$0x19700] =	vst v63  }
0x490: {  	_ =	swait.ge [sflag:s10], $0x5000  }
0x491: {  	[sflag:s10] =	ssyncset.done $0x0  }
0x492: {  	s14 =	simm.s32 $0xA;
	[sflag:s10] =	ssyncadd.s32 $0xFFFFB000  }
0x493: {  	_ =	swait.ge [sflag:s14], $0x5000  }
0x494: {  	[sflag:s14] =	ssyncset.done $0x0  }
0x495: {  	s15 =	simm.s32 $0xB;
	[sflag:s14] =	ssyncadd.s32 $0xFFFFB000  }
0x496: {  	_ =	swait.ge [sflag:s15], $0x5000  }
0x497: {  	[sflag:s15] =	ssyncset.done $0x0  }
0x498: {  	s16 =	simm.s32 $0xC;
	[sflag:s15] =	ssyncadd.s32 $0xFFFFB000  }
0x499: {  	_ =	swait.ge [sflag:s16], $0x5000  }
0x49a: {  	s17 =	sld [smem:$0x7EA]  }
0x49b: {  	s24 =	sld [smem:$0x7F4];
	_ =	sdelay $0x1  }
0x49c: {  	s10 =	sadd.s32 $0x1, s17  }
0x49d: {  	p0 =	sne.s32 s10, s24  }
.Ltmp9:
0x49e: {  	_ = 	snop;
	(pc) =	sbr.rel @p0 .LBB2_1-.Ltmp9, $4  }
0x49f: {  	_ = 	snop  }
0x4a0: {  	[sflag:s16] =	ssyncset.done $0x0  }
0x4a1: {  	[sflag:s16] =	ssyncadd.s32 $0xFFFFB000  }
0x4a2: {  	s16 =	simm.s32 $0xD00;
	s17 =	simm.s32 $0xD80;
	s24 =	simm.s32 $0xE00  }
0x4a3: {  	_ =	sfence.sel $0x180000  }
0x4a4: {  	[bflag:$0x0] =	sbarrier.arrive $0xFFFF  }
0x4a5: {  	_ =	strace $0x90000047  }
0x4a6: {  	s0 =	stileid.u32;
	[bflag:$0x2] =	sbarrier.arrive $0xFFFF  }
0x4a7: {  	p0 =	sne.s32 s0, $0x0;
	s0 =	rddreg [dreg:$0x6]  }
0x4a8: {  	s0 =	sadd.s32 @!p0 $0x100000, s0  }
0x4a9: {  	[sflag:s0] =	ssyncadd.tile.s32 @!p0 $0x1;
	_ =	shalt  }
.Lfunc_end2:
_tile_overlayer_lowered:
.L_overlay_start_2:
0x4aa: {  	(tag) =	ssettag $0x2  }
0x4ab: {  	s0 =	rddreg [dreg:$0x0];
	s2 =	stileid.u32  }
0x4ac: {  	s1 =	rddreg [dreg:$0x1];
	p0 =	sne.s32 s2, $0x0  }
0x4ad: {  	s3 =	rddreg [dreg:$0x2];
	[bflag:$0x3] =	sbarrier.arrive $0xFFFF;
	s2 =	simm.s32 @!p0 $0x1C0D  }
0x4ae: {  	[timem:s3], [sflag:s2] =	dma.local @!p0 [hbm:s0], s1  }
0x4af: {  	s0 =	simm.s32 @!p0 $0xD  }
0x4b0: {  	_ =	swait.ge @!p0 [sflag:s0], s1  }
0x4b1: {  	s1 =	ssub.s32 @!p0 $0x0, s1;
	[sflag:s0] =	ssyncset.done @!p0 $0x0  }
0x4b2: {  	[sflag:s0] =	ssyncadd.s32 @!p0 s1  }
0x4b3: {  	[bflag:$0x3] =	sbarrier.arrive $0xFFFF  }
0x4b4: {  	_ =	shalt  }

</sc_bundles>
